<compile_context>
chip_gen: v7x
topology: tpu7x:2x2x1
jax: 0.10.2.dev20260603
libtpu: 0.0.44.dev20260713+nightly
codegen_flags: <defaults>
</compile_context>

<pallas_src>
import functools

import jax
import jax.numpy as jnp
from jax import lax
from jax.experimental import pallas as pl
from jax.experimental.pallas import tpu as pltpu
from jax.experimental.pallas import tpu_sc as plsc

B = 64
BLK = 2000
K = 125
_HIGH = lax.Precision.HIGHEST


def _sc_info():
    try:
        info = plsc.get_sparse_core_info()
        return info.num_cores, info.num_subcores
    except Exception:
        return 2, 16


def _row_chunk(N, NS):
    ch = -(-N // NS)
    ch += (-ch) % 8
    return ch, N - ch * (NS - 1)


def _zero_init(zeros_hbm, acc, sid, ch, last, ns):
    start = pl.multiple_of(sid * ch, 8)

    @pl.when(sid < ns - 1)
    def _():
        pltpu.sync_copy(zeros_hbm, acc.at[pl.ds(start, ch)])

    @pl.when(sid == ns - 1)
    def _():
        pltpu.sync_copy(zeros_hbm.at[pl.ds(0, last)], acc.at[pl.ds(start, last)])


def _copy_out(acc, out_hbm, cid, sid, N, ch, last, ns):
    start = pl.multiple_of(sid * ch, 8)
    ostart = pl.multiple_of(cid * N + sid * ch, 8)

    @pl.when(sid < ns - 1)
    def _():
        pltpu.sync_copy(acc.at[pl.ds(start, ch)], out_hbm.at[pl.ds(ostart, ch)])

    @pl.when(sid == ns - 1)
    def _():
        pltpu.sync_copy(acc.at[pl.ds(start, last)],
                        out_hbm.at[pl.ds(ostart, last)])


NB = 8


def _sc_deg(dst2, ones_k, zeros_blk, N):
    NC, NS = _sc_info()
    NW = NC * NS
    n_rows = dst2.shape[0]
    n_iter = n_rows // NW
    ch, last = _row_chunk(N, NS)

    @functools.partial(
        pl.kernel,
        out_type=jax.ShapeDtypeStruct((NC * N, 16), jnp.float32),
        mesh=plsc.VectorSubcoreMesh(core_axis_name="c", subcore_axis_name="s"),
        scratch_types=[
            pltpu.VMEM((n_iter, K), jnp.int32),
            pltpu.VMEM((K, 16), jnp.float32),
            pltpu.VMEM_SHARED((N, 16), jnp.float32),
            pltpu.SemaphoreType.DMA,
        ],
        compiler_params=pltpu.CompilerParams(use_tc_tiling_on_sc=False),
    )
    def k(dst_hbm, ones_hbm, zeros_hbm, out_hbm, didx, rows, acc, sem):
        cid = lax.axis_index("c")
        sid = lax.axis_index("s")
        base = pl.multiple_of((sid * NC + cid) * n_iter, 8)
        idx_cp = pltpu.async_copy(dst_hbm.at[pl.ds(base, n_iter)], didx, sem)
        _zero_init(zeros_hbm, acc, sid, ch, last, NS)
        pltpu.sync_copy(ones_hbm, rows)
        idx_cp.wait()
        plsc.subcore_barrier()

        @pl.loop(0, n_iter)
        def _(i):
            pltpu.async_copy(rows, acc.at[didx.at[i]], sem, add=True)

        @pl.loop(0, n_iter)
        def _(i):
            pltpu.make_async_copy(rows, acc.at[didx.at[i]], sem).wait()

        plsc.subcore_barrier()
        _copy_out(acc, out_hbm, cid, sid, N, ch, last, NS)

    return k(dst2, ones_k, zeros_blk)


def _sc_agg(feats, src2, dst2, zeros_blk):
    NC, NS = _sc_info()
    N, W = feats.shape
    NW = NC * NS
    n_rows = src2.shape[0]
    n_iter = n_rows // NW
    ch, last = _row_chunk(N, NS)

    @functools.partial(
        pl.kernel,
        out_type=jax.ShapeDtypeStruct((NC * N, W), jnp.float32),
        mesh=plsc.VectorSubcoreMesh(core_axis_name="c", subcore_axis_name="s"),
        scratch_types=[
            pltpu.VMEM((n_iter, K), jnp.int32),
            pltpu.VMEM((n_iter, K), jnp.int32),
            [pltpu.VMEM((K, W), jnp.float32) for _ in range(NB)],
            pltpu.VMEM_SHARED((N, W), jnp.float32),
            [pltpu.SemaphoreType.DMA for _ in range(NB)],
            [pltpu.SemaphoreType.DMA for _ in range(NB)],
        ],
        compiler_params=pltpu.CompilerParams(use_tc_tiling_on_sc=False),
    )
    def k(feats_hbm, src_hbm, dst_hbm, zeros_hbm, out_hbm,
          sidx, didx, rowss, acc, semgs, semss):
        cid = lax.axis_index("c")
        sid = lax.axis_index("s")
        base = pl.multiple_of((sid * NC + cid) * n_iter, 8)
        idx_cp1 = pltpu.async_copy(src_hbm.at[pl.ds(base, n_iter)], sidx,
                                   semgs[0])
        idx_cp2 = pltpu.async_copy(dst_hbm.at[pl.ds(base, n_iter)], didx,
                                   semgs[1])
        _zero_init(zeros_hbm, acc, sid, ch, last, NS)
        idx_cp1.wait()
        idx_cp2.wait()

        def fire_gather(b, i):
            pltpu.async_copy(feats_hbm.at[sidx.at[i]], rowss[b], semgs[b])

        def wait_gather(b, i):
            pltpu.make_async_copy(feats_hbm.at[sidx.at[i]], rowss[b],
                                  semgs[b]).wait()

        def fire_scatter(b, i):
            pltpu.async_copy(rowss[b], acc.at[didx.at[i]], semss[b], add=True)

        def wait_scatter(b, i):
            pltpu.make_async_copy(rowss[b], acc.at[didx.at[i]],
                                  semss[b]).wait()

        for b in range(NB):
            fire_gather(b, b)
        plsc.subcore_barrier()

        @pl.loop(0, n_iter - NB, step=NB)
        def _(i0):
            for b in range(NB):
                wait_gather(b, i0 + b)
                fire_scatter(b, i0 + b)
            for b in range(NB):
                wait_scatter(b, i0 + b)
                fire_gather(b, i0 + b + NB)

        for b in range(NB):
            wait_gather(b, n_iter - NB + b)
            fire_scatter(b, n_iter - NB + b)
        for b in range(NB):
            wait_scatter(b, n_iter - NB + b)

        plsc.subcore_barrier()
        _copy_out(acc, out_hbm, cid, sid, N, ch, last, NS)

    return k(feats, src2, dst2, zeros_blk)


def _dinv_blk(p0_ref, p1_ref):
    deg = p0_ref[:, :1] + p1_ref[:, :1] + 1.0
    return lax.rsqrt(deg)


def _tc_a(x, W1, p, batch_c, batchp_c):
    N, F = x.shape
    H = W1.shape[1]
    grid = N // BLK

    def body(x_ref, w1_ref, p0_ref, p1_ref, b_ref, bp_ref, tmp1_ref, xf_ref,
             dinv_ref):
        i = pl.program_id(0)
        xb = x_ref[...]
        h1 = jnp.dot(xb, w1_ref[...], precision=_HIGH,
                     preferred_element_type=jnp.float32)
        dinv = _dinv_blk(p0_ref, p1_ref)
        dinv_ref[...] = dinv
        tmp1_ref[...] = h1 * dinv
        b = b_ref[...]
        gids = lax.broadcasted_iota(jnp.int32, (BLK, B), 1)
        onehot_f = ((b == gids) & (b != bp_ref[...])).astype(jnp.float32)
        contrib = lax.dot_general(onehot_f, xb, (((0,), (0,)), ((), ())),
                                  precision=_HIGH,
                                  preferred_element_type=jnp.float32)

        @pl.when(i == 0)
        def _():
            xf_ref[...] = contrib

        @pl.when(i > 0)
        def _():
            xf_ref[...] += contrib

    return pl.pallas_call(
        body,
        grid=(grid,),
        in_specs=[
            pl.BlockSpec((BLK, F), lambda i: (i, 0)),
            pl.BlockSpec((F, H), lambda i: (0, 0)),
            pl.BlockSpec((BLK, 16), lambda i: (i, 0)),
            pl.BlockSpec((BLK, 16), lambda i: (grid + i, 0)),
            pl.BlockSpec((BLK, 1), lambda i: (i, 0)),
            pl.BlockSpec((BLK, 1), lambda i: (i, 0)),
        ],
        out_specs=[
            pl.BlockSpec((BLK, H), lambda i: (i, 0)),
            pl.BlockSpec((B, F), lambda i: (0, 0)),
            pl.BlockSpec((BLK, 1), lambda i: (i, 0)),
        ],
        out_shape=[
            jax.ShapeDtypeStruct((N, H), jnp.float32),
            jax.ShapeDtypeStruct((B, F), jnp.float32),
            jax.ShapeDtypeStruct((N, 1), jnp.float32),
        ],
    )(x, W1, p, p, batch_c, batchp_c)


def _tc_b(q, tmp1, dinv_c, b1_r, xfirst, W2, batch_c):
    N, H = tmp1.shape
    F = xfirst.shape[1]
    O = W2.shape[1]
    grid = N // BLK

    def body(q0_ref, q1_ref, t1_ref, dinv_ref, b1_ref, xf_ref, w2_ref,
             b_ref, a1_ref, tmp2_ref):
        dinv = dinv_ref[...]
        a1 = dinv * (q0_ref[...] + q1_ref[...] + t1_ref[...]) + b1_ref[...]
        a1_ref[...] = a1
        w2 = w2_ref[...]
        g64 = jnp.dot(jax.nn.relu(xf_ref[...]), w2[H:, :], precision=_HIGH,
                      preferred_element_type=jnp.float32)
        b = b_ref[...]
        gids = lax.broadcasted_iota(jnp.int32, (BLK, B), 1)
        onehot = (b == gids).astype(jnp.float32)
        h2d = (jnp.dot(jax.nn.relu(a1), w2[:H, :], precision=_HIGH,
                       preferred_element_type=jnp.float32)
               + jnp.dot(onehot, g64, precision=_HIGH,
                         preferred_element_type=jnp.float32))
        tmp2_ref[...] = dinv * h2d

    return pl.pallas_call(
        body,
        grid=(grid,),
        in_specs=[
            pl.BlockSpec((BLK, H), lambda i: (i, 0)),
            pl.BlockSpec((BLK, H), lambda i: (grid + i, 0)),
            pl.BlockSpec((BLK, H), lambda i: (i, 0)),
            pl.BlockSpec((BLK, 1), lambda i: (i, 0)),
            pl.BlockSpec((1, H), lambda i: (0, 0)),
            pl.BlockSpec((B, F), lambda i: (0, 0)),
            pl.BlockSpec((H + F, O), lambda i: (0, 0)),
            pl.BlockSpec((BLK, 1), lambda i: (i, 0)),
        ],
        out_specs=[
            pl.BlockSpec((BLK, O), lambda i: (i, 0)),
            pl.BlockSpec((BLK, O), lambda i: (i, 0)),
        ],
        out_shape=[
            jax.ShapeDtypeStruct((N, O), jnp.float32),
            jax.ShapeDtypeStruct((N, O), jnp.float32),
        ],
    )(q, q, tmp1, dinv_c, b1_r, xfirst, W2, batch_c)


def _tc_c(r, tmp2, dinv_c, b2_r, a1, batch_c, batchp_c):
    N, O = tmp2.shape
    H = a1.shape[1]
    grid = N // BLK

    def body(r0_ref, r1_ref, t2_ref, dinv_ref, b2_ref, a1_ref,
             b_ref, bp_ref, out_ref, cnt_ref):
        i = pl.program_id(0)
        dinv = dinv_ref[...]
        a2 = dinv * (r0_ref[...] + r1_ref[...] + t2_ref[...]) + b2_ref[...]
        h = jax.nn.relu(a2)
        b = b_ref[...]
        gids = lax.broadcasted_iota(jnp.int32, (BLK, B), 1)
        onehot = (b == gids).astype(jnp.float32)
        onehot_f = ((b == gids) & (b != bp_ref[...])).astype(jnp.float32)
        dims = (((0,), (0,)), ((), ()))
        s_part = lax.dot_general(onehot, h, dims, precision=_HIGH,
                                 preferred_element_type=jnp.float32)
        f_part = lax.dot_general(onehot_f, a1_ref[...], dims, precision=_HIGH,
                                 preferred_element_type=jnp.float32)
        c_part = lax.dot_general(onehot, jnp.ones((BLK, 1), jnp.float32),
                                 dims, precision=_HIGH,
                                 preferred_element_type=jnp.float32)
        contrib = jnp.concatenate([s_part, f_part], axis=1)

        @pl.when(i == 0)
        def _():
            out_ref[...] = contrib
            cnt_ref[...] = c_part

        @pl.when(i > 0)
        def _():
            out_ref[...] += contrib
            cnt_ref[...] += c_part

        @pl.when(i == grid - 1)
        def _():
            o = out_ref[...]
            left = o[:, :O] / jnp.maximum(cnt_ref[...], 1.0)
            out_ref[...] = jnp.concatenate([left, o[:, O:]], axis=1)

    return pl.pallas_call(
        body,
        grid=(grid,),
        in_specs=[
            pl.BlockSpec((BLK, O), lambda i: (i, 0)),
            pl.BlockSpec((BLK, O), lambda i: (grid + i, 0)),
            pl.BlockSpec((BLK, O), lambda i: (i, 0)),
            pl.BlockSpec((BLK, 1), lambda i: (i, 0)),
            pl.BlockSpec((1, O), lambda i: (0, 0)),
            pl.BlockSpec((BLK, H), lambda i: (i, 0)),
            pl.BlockSpec((BLK, 1), lambda i: (i, 0)),
            pl.BlockSpec((BLK, 1), lambda i: (i, 0)),
        ],
        out_specs=pl.BlockSpec((B, O + H), lambda i: (0, 0)),
        out_shape=jax.ShapeDtypeStruct((B, O + H), jnp.float32),
        scratch_shapes=[pltpu.VMEM((B, 1), jnp.float32)],
    )(r, r, tmp2, dinv_c, b2_r, a1, batch_c, batchp_c)


def kernel(x, edge_index, batch, W1, b1, W2, b2):
    N = x.shape[0]
    NC, NS = _sc_info()
    ch, _ = _row_chunk(N, NS)
    src2 = edge_index[0].reshape(-1, K)
    dst2 = edge_index[1].reshape(-1, K)
    batch_c = batch.reshape(N, 1)
    batchp_c = jnp.concatenate(
        [jnp.full((1, 1), -1, batch.dtype), batch_c[:-1]], axis=0)
    ones_k = jnp.ones((K, 16), jnp.float32)
    zeros16 = jnp.zeros((ch, 16), jnp.float32)
    zeros64 = jnp.zeros((ch, W1.shape[1]), jnp.float32)

    p = _sc_deg(dst2, ones_k, zeros16, N)
    tmp1, xfirst, dinv_c = _tc_a(x, W1, p, batch_c, batchp_c)
    q = _sc_agg(tmp1, src2, dst2, zeros64)
    a1, tmp2 = _tc_b(q, tmp1, dinv_c, b1.reshape(1, -1), xfirst, W2, batch_c)
    r = _sc_agg(tmp2, src2, dst2, zeros64)
    return _tc_c(r, tmp2, dinv_c, b2.reshape(1, -1), a1, batch_c, batchp_c)

# --- scband reference (transcript-rebuilt; emitter-appended) ---
"""Pipeline reference for scband-tdrumor-gcn-12824772345978 (READ-ONLY COPY).

The authoritative reference and input builder live on the scoring server;
editing this copy changes nothing except your own understanding.
"""

import jax, jax.numpy as jnp
import numpy as np

N = 10000
E = 320000
IN_FEATS = 128
HID = 64
OUT = 64
B = 64


def setup_inputs(seed: int = 0) -> dict:
    key = jax.random.key(seed)
    ks = jax.random.split(key, 6)
    x = jax.random.normal(ks[0], (N, IN_FEATS), dtype=jnp.float32)
    edge_index = jax.random.randint(ks[1], (2, E), 0, N, dtype=jnp.int32)
    batch = jnp.sort(jax.random.randint(ks[2], (N,), 0, B, dtype=jnp.int32))
    W1 = jax.random.normal(ks[3], (IN_FEATS, HID), dtype=jnp.float32) * (1.0 / np.sqrt(IN_FEATS))
    b1 = jnp.zeros((HID,), dtype=jnp.float32)
    W2 = jax.random.normal(ks[4], (HID + IN_FEATS, OUT), dtype=jnp.float32) * (1.0 / np.sqrt(HID + IN_FEATS))
    b2 = jnp.zeros((OUT,), dtype=jnp.float32)
    return {"x": x, "edge_index": edge_index, "batch": batch, "W1": W1, "b1": b1, "W2": W2, "b2": b2}


def _gcn_conv(x, edge_index, W, b):
    # GCNConv: out = D^{-1/2} (A + I) D^{-1/2} X W + b  (add_self_loops=True, sym norm)
    n = x.shape[0]
    loop = jnp.arange(n, dtype=edge_index.dtype)
    src = jnp.concatenate([edge_index[0], loop])
    dst = jnp.concatenate([edge_index[1], loop])
    deg = jnp.zeros((n,), dtype=x.dtype).at[dst].add(1.0)
    dinv = jnp.where(deg > 0, deg ** -0.5, 0.0)
    norm = dinv[src] * dinv[dst]
    h = x @ W
    out = jnp.zeros((n, W.shape[1]), dtype=x.dtype).at[dst].add(h[src] * norm[:, None])
    return out + b


def _root_extend(feats, batch, num_graphs):
    # For each graph g, broadcast feats of the first node of graph g to all its nodes.
    # batch is sorted, so first occurrence of g is searchsorted(batch, g).
    first = jnp.searchsorted(batch, jnp.arange(num_graphs, dtype=batch.dtype))
    return feats[first][batch]


def reference(x, edge_index, batch, W1, b1, W2, b2):
    x1 = x.astype(jnp.float32)
    h = _gcn_conv(x, edge_index, W1, b1)
    x2 = h
    h = jnp.concatenate([h, _root_extend(x1, batch, B)], axis=1)
    h = jax.nn.relu(h)
    # F.dropout with training=False (eval mode) is identity
    h = _gcn_conv(h, edge_index, W2, b2)
    h = jax.nn.relu(h)
    h = jnp.concatenate([h, _root_extend(x2, batch, B)], axis=1)
    sums = jax.ops.segment_sum(h, batch, num_segments=B)
    counts = jax.ops.segment_sum(jnp.ones((h.shape[0], 1), dtype=h.dtype), batch, num_segments=B)
    return sums / jnp.maximum(counts, 1.0)

if __name__ == "__main__":
    import jax
    _d = setup_inputs()
    print(jax.jit(kernel)(*tuple(_d.values())))

</pallas_src>

<mosaic_0001>
#map = affine_map<(d0, d1) -> (0, 0)>
module attributes {stable_mosaic.version = 14 : i64} {
  func.func @k(%arg0: i32, %arg1: i32, %arg2: memref<2560x125xi32, #tpu.memory_space<hbm>>, %arg3: memref<125x16xf32, #tpu.memory_space<hbm>>, %arg4: memref<632x16xf32, #tpu.memory_space<hbm>>, %arg5: memref<20000x16xf32, #tpu.memory_space<hbm>>, %arg6: memref<80x125xi32, #tpu.memory_space<vmem>>, %arg7: memref<125x16xf32, #tpu.memory_space<vmem>>, %arg8: memref<10000x16xf32, #tpu.memory_space<vmem_shared>>, %arg9: memref<!tpu.dma_semaphore, #tpu.memory_space<semaphore_mem>>) attributes {dimension_semantics = [#tpu.dimension_semantics<core_parallel>, #tpu.dimension_semantics<subcore_parallel>], iteration_bounds = array<i64: 2, 16>, scalar_prefetch = 0 : i64, scratch_operands = 4 : i64, tpu.core_type = #tpu.core_type<sc_vector_subcore>, window_params = [{transform_indices = #map}, {transform_indices = #map}, {transform_indices = #map}, {transform_indices = #map}]} {
    %mul3A = arith.constant 2 : i32
    %mul3A_0 = arith.muli %arg1, %mul3A : i32
    %add3A = arith.addi %mul3A_0, %arg0 : i32
    %mul3A_1 = arith.constant 80 : i32
    %mul3A_2 = arith.muli %add3A, %mul3A_1 : i32
    %multiple_of3A = tpu.assume_multiple %mul3A_2, 8 : i32
    %dma_start3A = arith.constant 0 : i32
    %dma_start3A_3 = tpu.memref_slice %arg2[%multiple_of3A, %dma_start3A] : memref<2560x125xi32, #tpu.memory_space<hbm>> -> memref<80x125xi32, #tpu.memory_space<hbm>>
    %dma_start3A_4 = arith.constant 0 : i32
    %dma_start3A_5 = tpu.memref_slice %arg2[%multiple_of3A, %dma_start3A_4] : memref<2560x125xi32, #tpu.memory_space<hbm>> -> memref<80x125xi32, #tpu.memory_space<hbm>>
    tpu.enqueue_dma source(%dma_start3A_5 : memref<80x125xi32, #tpu.memory_space<hbm>>) target(%arg6 : memref<80x125xi32, #tpu.memory_space<vmem>>) target_semaphore(%arg9 : memref<!tpu.dma_semaphore, #tpu.memory_space<semaphore_mem>>)
    %mul3A_6 = arith.constant 632 : i32
    %mul3A_7 = arith.muli %arg1, %mul3A_6 : i32
    %multiple_of3A_8 = tpu.assume_multiple %mul3A_7, 8 : i32
    %lt3A = arith.constant 15 : i32
    %lt3A_9 = arith.cmpi slt, %arg1, %lt3A : i32
    %convert_element_type3A = arith.extui %lt3A_9 : i1 to i32
    %cond3A = arith.constant 0 : i32
    %cond3A_10 = arith.cmpi ne, %convert_element_type3A, %cond3A : i32
    scf.if %cond3A_10 {
      "tpu.region"() ({
        %run_scoped3A = tpu.sem_alloc : memref<!tpu.dma_semaphore, #tpu.memory_space<semaphore_mem>>
        %dma_start3A_47 = arith.constant 0 : i32
        %dma_start3A_48 = tpu.memref_slice %arg8[%multiple_of3A_8, %dma_start3A_47] : memref<10000x16xf32, #tpu.memory_space<vmem_shared>> -> memref<632x16xf32, #tpu.memory_space<vmem_shared>>
        tpu.enqueue_dma source(%arg4 : memref<632x16xf32, #tpu.memory_space<hbm>>) target(%dma_start3A_48 : memref<632x16xf32, #tpu.memory_space<vmem_shared>>) target_semaphore(%run_scoped3A : memref<!tpu.dma_semaphore, #tpu.memory_space<semaphore_mem>>)
        %dma_wait3A_49 = arith.constant 0 : i32
        %dma_wait3A_50 = tpu.memref_slice %arg8[%multiple_of3A_8, %dma_wait3A_49] : memref<10000x16xf32, #tpu.memory_space<vmem_shared>> -> memref<632x16xf32, #tpu.memory_space<vmem_shared>>
        tpu.wait_dma2 semaphore(%run_scoped3A : memref<!tpu.dma_semaphore, #tpu.memory_space<semaphore_mem>>) src(%arg4 : memref<632x16xf32, #tpu.memory_space<hbm>>) dst(%dma_wait3A_50 : memref<632x16xf32, #tpu.memory_space<vmem_shared>>)
        tpu.yield
      }) : () -> ()
    } else {
    }
    %eq3A = arith.constant 15 : i32
    %eq3A_11 = arith.cmpi eq, %arg1, %eq3A : i32
    %convert_element_type3A_12 = arith.extui %eq3A_11 : i1 to i32
    %cond3A_13 = arith.constant 0 : i32
    %cond3A_14 = arith.cmpi ne, %convert_element_type3A_12, %cond3A_13 : i32
    scf.if %cond3A_14 {
      "tpu.region"() ({
        %run_scoped3A = tpu.sem_alloc : memref<!tpu.dma_semaphore, #tpu.memory_space<semaphore_mem>>
        %dma_start3A_47 = arith.constant 0 : i32
        %dma_start3A_48 = tpu.memref_slice %arg8[%multiple_of3A_8, %dma_start3A_47] : memref<10000x16xf32, #tpu.memory_space<vmem_shared>> -> memref<520x16xf32, #tpu.memory_space<vmem_shared>>
        %dma_start3A_49 = arith.constant 0 : i32
        %dma_start3A_50 = arith.constant 0 : i32
        %dma_start3A_51 = tpu.memref_slice %arg4[%dma_start3A_49, %dma_start3A_50] : memref<632x16xf32, #tpu.memory_space<hbm>> -> memref<520x16xf32, #tpu.memory_space<hbm>>
        tpu.enqueue_dma source(%dma_start3A_51 : memref<520x16xf32, #tpu.memory_space<hbm>>) target(%dma_start3A_48 : memref<520x16xf32, #tpu.memory_space<vmem_shared>>) target_semaphore(%run_scoped3A : memref<!tpu.dma_semaphore, #tpu.memory_space<semaphore_mem>>)
        %dma_wait3A_52 = arith.constant 0 : i32
        %dma_wait3A_53 = tpu.memref_slice %arg8[%multiple_of3A_8, %dma_wait3A_52] : memref<10000x16xf32, #tpu.memory_space<vmem_shared>> -> memref<520x16xf32, #tpu.memory_space<vmem_shared>>
        %dma_wait3A_54 = arith.constant 0 : i32
        %dma_wait3A_55 = arith.constant 0 : i32
        %dma_wait3A_56 = tpu.memref_slice %arg4[%dma_wait3A_54, %dma_wait3A_55] : memref<632x16xf32, #tpu.memory_space<hbm>> -> memref<520x16xf32, #tpu.memory_space<hbm>>
        tpu.wait_dma2 semaphore(%run_scoped3A : memref<!tpu.dma_semaphore, #tpu.memory_space<semaphore_mem>>) src(%dma_wait3A_56 : memref<520x16xf32, #tpu.memory_space<hbm>>) dst(%dma_wait3A_53 : memref<520x16xf32, #tpu.memory_space<vmem_shared>>)
        tpu.yield
      }) : () -> ()
    } else {
    }
    "tpu.region"() ({
      %run_scoped3A = tpu.sem_alloc : memref<!tpu.dma_semaphore, #tpu.memory_space<semaphore_mem>>
      tpu.enqueue_dma source(%arg3 : memref<125x16xf32, #tpu.memory_space<hbm>>) target(%arg7 : memref<125x16xf32, #tpu.memory_space<vmem>>) target_semaphore(%run_scoped3A : memref<!tpu.dma_semaphore, #tpu.memory_space<semaphore_mem>>)
      tpu.wait_dma2 semaphore(%run_scoped3A : memref<!tpu.dma_semaphore, #tpu.memory_space<semaphore_mem>>) src(%arg3 : memref<125x16xf32, #tpu.memory_space<hbm>>) dst(%arg7 : memref<125x16xf32, #tpu.memory_space<vmem>>)
      tpu.yield
    }) : () -> ()
    %dma_wait3A = arith.constant 0 : i32
    %dma_wait3A_15 = tpu.memref_slice %arg2[%multiple_of3A, %dma_wait3A] : memref<2560x125xi32, #tpu.memory_space<hbm>> -> memref<80x125xi32, #tpu.memory_space<hbm>>
    %dma_wait3A_16 = arith.constant 0 : i32
    %dma_wait3A_17 = tpu.memref_slice %arg2[%multiple_of3A, %dma_wait3A_16] : memref<2560x125xi32, #tpu.memory_space<hbm>> -> memref<80x125xi32, #tpu.memory_space<hbm>>
    tpu.wait_dma2 semaphore(%arg9 : memref<!tpu.dma_semaphore, #tpu.memory_space<semaphore_mem>>) src(%dma_wait3A_17 : memref<80x125xi32, #tpu.memory_space<hbm>>) dst(%arg6 : memref<80x125xi32, #tpu.memory_space<vmem>>)
    %barrier3A = arith.constant 0 : index
    tpu.barrier barrier_id(%barrier3A)
    %scan3A = arith.constant 0 : i32
    %scan3A_18 = arith.constant 80 : i32
    %scan3A_19 = arith.addi %scan3A, %scan3A_18 : i32
    %scan3A_20 = arith.constant 1 : i32
    scf.for %scan3A_47 = %scan3A to %scan3A_19 step %scan3A_20  : i32 {
      %mul3A_48 = arith.constant 1 : i32
      %mul3A_49 = arith.muli %scan3A_47, %mul3A_48 : i32
      %add3A_50 = arith.constant 0 : i32
      %add3A_51 = arith.addi %add3A_50, %mul3A_49 : i32
      %dma_start3A_52 = arith.constant 0 : i32
      %dma_start3A_53 = tpu.memref_slice %arg6[%add3A_51, %dma_start3A_52] : memref<80x125xi32, #tpu.memory_space<vmem>> -> memref<1x125xi32, #tpu.memory_space<vmem>>
      %dma_start3A_54 = tpu.memref_squeeze %dma_start3A_53 : memref<1x125xi32, #tpu.memory_space<vmem>> -> memref<125xi32, #tpu.memory_space<vmem>>
      %dma_start3A_55 = arith.constant 0 : i32
      %dma_start3A_56 = arith.constant 0 : i32
      %dma_start3A_57 = tpu.memref_slice %arg8[%dma_start3A_55, %dma_start3A_56] : memref<10000x16xf32, #tpu.memory_space<vmem_shared>> -> memref<10000x16xf32, #tpu.memory_space<vmem_shared>>
      tpu.enqueue_indirect_dma source(%arg7 : memref<125x16xf32, #tpu.memory_space<vmem>>) target(%dma_start3A_57 : memref<10000x16xf32, #tpu.memory_space<vmem_shared>>) offsets(%dma_start3A_54 : memref<125xi32, #tpu.memory_space<vmem>>) semaphore(%arg9 : memref<!tpu.dma_semaphore, #tpu.memory_space<semaphore_mem>>) {add = true}
    }
    %scan3A_21 = arith.constant 80 : i32
    %scan3A_22 = arith.constant 0 : i32
    %scan3A_23 = arith.constant 80 : i32
    %scan3A_24 = arith.addi %scan3A_22, %scan3A_23 : i32
    %scan3A_25 = arith.constant 1 : i32
    scf.for %scan3A_47 = %scan3A_22 to %scan3A_24 step %scan3A_25  : i32 {
      %mul3A_48 = arith.constant 1 : i32
      %mul3A_49 = arith.muli %scan3A_47, %mul3A_48 : i32
      %add3A_50 = arith.constant 0 : i32
      %add3A_51 = arith.addi %add3A_50, %mul3A_49 : i32
      %dma_wait3A_52 = arith.constant 0 : i32
      %dma_wait3A_53 = tpu.memref_slice %arg6[%add3A_51, %dma_wait3A_52] : memref<80x125xi32, #tpu.memory_space<vmem>> -> memref<1x125xi32, #tpu.memory_space<vmem>>
      %dma_wait3A_54 = tpu.memref_squeeze %dma_wait3A_53 : memref<1x125xi32, #tpu.memory_space<vmem>> -> memref<125xi32, #tpu.memory_space<vmem>>
      %dma_wait3A_55 = arith.constant 0 : i32
      %dma_wait3A_56 = arith.constant 0 : i32
      %dma_wait3A_57 = tpu.memref_slice %arg8[%dma_wait3A_55, %dma_wait3A_56] : memref<10000x16xf32, #tpu.memory_space<vmem_shared>> -> memref<10000x16xf32, #tpu.memory_space<vmem_shared>>
      tpu.wait_indirect_dma semaphore(%arg9 : memref<!tpu.dma_semaphore, #tpu.memory_space<semaphore_mem>>) src(%arg7 : memref<125x16xf32, #tpu.memory_space<vmem>>) dst(%dma_wait3A_57 : memref<10000x16xf32, #tpu.memory_space<vmem_shared>>)
    }
    %scan3A_26 = arith.constant 80 : i32
    %barrier3A_27 = arith.constant 0 : index
    tpu.barrier barrier_id(%barrier3A_27)
    %mul3A_28 = arith.constant 632 : i32
    %mul3A_29 = arith.muli %arg1, %mul3A_28 : i32
    %multiple_of3A_30 = tpu.assume_multiple %mul3A_29, 8 : i32
    %mul3A_31 = arith.constant 10000 : i32
    %mul3A_32 = arith.muli %arg0, %mul3A_31 : i32
    %mul3A_33 = arith.constant 632 : i32
    %mul3A_34 = arith.muli %arg1, %mul3A_33 : i32
    %add3A_35 = arith.addi %mul3A_32, %mul3A_34 : i32
    %multiple_of3A_36 = tpu.assume_multiple %add3A_35, 8 : i32
    %lt3A_37 = arith.constant 15 : i32
    %lt3A_38 = arith.cmpi slt, %arg1, %lt3A_37 : i32
    %convert_element_type3A_39 = arith.extui %lt3A_38 : i1 to i32
    %cond3A_40 = arith.constant 0 : i32
    %cond3A_41 = arith.cmpi ne, %convert_element_type3A_39, %cond3A_40 : i32
    scf.if %cond3A_41 {
      "tpu.region"() ({
        %run_scoped3A = tpu.sem_alloc : memref<!tpu.dma_semaphore, #tpu.memory_space<semaphore_mem>>
        %dma_start3A_47 = arith.constant 0 : i32
        %dma_start3A_48 = tpu.memref_slice %arg5[%multiple_of3A_36, %dma_start3A_47] : memref<20000x16xf32, #tpu.memory_space<hbm>> -> memref<632x16xf32, #tpu.memory_space<hbm>>
        %dma_start3A_49 = arith.constant 0 : i32
        %dma_start3A_50 = tpu.memref_slice %arg8[%multiple_of3A_30, %dma_start3A_49] : memref<10000x16xf32, #tpu.memory_space<vmem_shared>> -> memref<632x16xf32, #tpu.memory_space<vmem_shared>>
        tpu.enqueue_dma source(%dma_start3A_50 : memref<632x16xf32, #tpu.memory_space<vmem_shared>>) target(%dma_start3A_48 : memref<632x16xf32, #tpu.memory_space<hbm>>) target_semaphore(%run_scoped3A : memref<!tpu.dma_semaphore, #tpu.memory_space<semaphore_mem>>)
        %dma_wait3A_51 = arith.constant 0 : i32
        %dma_wait3A_52 = tpu.memref_slice %arg5[%multiple_of3A_36, %dma_wait3A_51] : memref<20000x16xf32, #tpu.memory_space<hbm>> -> memref<632x16xf32, #tpu.memory_space<hbm>>
        %dma_wait3A_53 = arith.constant 0 : i32
        %dma_wait3A_54 = tpu.memref_slice %arg8[%multiple_of3A_30, %dma_wait3A_53] : memref<10000x16xf32, #tpu.memory_space<vmem_shared>> -> memref<632x16xf32, #tpu.memory_space<vmem_shared>>
        tpu.wait_dma2 semaphore(%run_scoped3A : memref<!tpu.dma_semaphore, #tpu.memory_space<semaphore_mem>>) src(%dma_wait3A_54 : memref<632x16xf32, #tpu.memory_space<vmem_shared>>) dst(%dma_wait3A_52 : memref<632x16xf32, #tpu.memory_space<hbm>>)
        tpu.yield
      }) : () -> ()
    } else {
    }
    %eq3A_42 = arith.constant 15 : i32
    %eq3A_43 = arith.cmpi eq, %arg1, %eq3A_42 : i32
    %convert_element_type3A_44 = arith.extui %eq3A_43 : i1 to i32
    %cond3A_45 = arith.constant 0 : i32
    %cond3A_46 = arith.cmpi ne, %convert_element_type3A_44, %cond3A_45 : i32
    scf.if %cond3A_46 {
      "tpu.region"() ({
        %run_scoped3A = tpu.sem_alloc : memref<!tpu.dma_semaphore, #tpu.memory_space<semaphore_mem>>
        %dma_start3A_47 = arith.constant 0 : i32
        %dma_start3A_48 = tpu.memref_slice %arg5[%multiple_of3A_36, %dma_start3A_47] : memref<20000x16xf32, #tpu.memory_space<hbm>> -> memref<520x16xf32, #tpu.memory_space<hbm>>
        %dma_start3A_49 = arith.constant 0 : i32
        %dma_start3A_50 = tpu.memref_slice %arg8[%multiple_of3A_30, %dma_start3A_49] : memref<10000x16xf32, #tpu.memory_space<vmem_shared>> -> memref<520x16xf32, #tpu.memory_space<vmem_shared>>
        tpu.enqueue_dma source(%dma_start3A_50 : memref<520x16xf32, #tpu.memory_space<vmem_shared>>) target(%dma_start3A_48 : memref<520x16xf32, #tpu.memory_space<hbm>>) target_semaphore(%run_scoped3A : memref<!tpu.dma_semaphore, #tpu.memory_space<semaphore_mem>>)
        %dma_wait3A_51 = arith.constant 0 : i32
        %dma_wait3A_52 = tpu.memref_slice %arg5[%multiple_of3A_36, %dma_wait3A_51] : memref<20000x16xf32, #tpu.memory_space<hbm>> -> memref<520x16xf32, #tpu.memory_space<hbm>>
        %dma_wait3A_53 = arith.constant 0 : i32
        %dma_wait3A_54 = tpu.memref_slice %arg8[%multiple_of3A_30, %dma_wait3A_53] : memref<10000x16xf32, #tpu.memory_space<vmem_shared>> -> memref<520x16xf32, #tpu.memory_space<vmem_shared>>
        tpu.wait_dma2 semaphore(%run_scoped3A : memref<!tpu.dma_semaphore, #tpu.memory_space<semaphore_mem>>) src(%dma_wait3A_54 : memref<520x16xf32, #tpu.memory_space<vmem_shared>>) dst(%dma_wait3A_52 : memref<520x16xf32, #tpu.memory_space<hbm>>)
        tpu.yield
      }) : () -> ()
    } else {
    }
    return
  }
}

#map = affine_map<(d0, d1) -> (0, 0)>
module attributes {stable_mosaic.version = 14 : i64} {
  func.func @k(%arg0: i32, %arg1: i32, %arg2: memref<10000x64xf32, #tpu.memory_space<hbm>>, %arg3: memref<2560x125xi32, #tpu.memory_space<hbm>>, %arg4: memref<2560x125xi32, #tpu.memory_space<hbm>>, %arg5: memref<632x64xf32, #tpu.memory_space<hbm>>, %arg6: memref<20000x64xf32, #tpu.memory_space<hbm>>, %arg7: memref<80x125xi32, #tpu.memory_space<vmem>>, %arg8: memref<80x125xi32, #tpu.memory_space<vmem>>, %arg9: memref<125x64xf32, #tpu.memory_space<vmem>>, %arg10: memref<125x64xf32, #tpu.memory_space<vmem>>, %arg11: memref<125x64xf32, #tpu.memory_space<vmem>>, %arg12: memref<125x64xf32, #tpu.memory_space<vmem>>, %arg13: memref<125x64xf32, #tpu.memory_space<vmem>>, %arg14: memref<125x64xf32, #tpu.memory_space<vmem>>, %arg15: memref<125x64xf32, #tpu.memory_space<vmem>>, %arg16: memref<125x64xf32, #tpu.memory_space<vmem>>, %arg17: memref<10000x64xf32, #tpu.memory_space<vmem_shared>>, %arg18: memref<!tpu.dma_semaphore, #tpu.memory_space<semaphore_mem>>, %arg19: memref<!tpu.dma_semaphore, #tpu.memory_space<semaphore_mem>>, %arg20: memref<!tpu.dma_semaphore, #tpu.memory_space<semaphore_mem>>, %arg21: memref<!tpu.dma_semaphore, #tpu.memory_space<semaphore_mem>>, %arg22: memref<!tpu.dma_semaphore, #tpu.memory_space<semaphore_mem>>, %arg23: memref<!tpu.dma_semaphore, #tpu.memory_space<semaphore_mem>>, %arg24: memref<!tpu.dma_semaphore, #tpu.memory_space<semaphore_mem>>, %arg25: memref<!tpu.dma_semaphore, #tpu.memory_space<semaphore_mem>>, %arg26: memref<!tpu.dma_semaphore, #tpu.memory_space<semaphore_mem>>, %arg27: memref<!tpu.dma_semaphore, #tpu.memory_space<semaphore_mem>>, %arg28: memref<!tpu.dma_semaphore, #tpu.memory_space<semaphore_mem>>, %arg29: memref<!tpu.dma_semaphore, #tpu.memory_space<semaphore_mem>>, %arg30: memref<!tpu.dma_semaphore, #tpu.memory_space<semaphore_mem>>, %arg31: memref<!tpu.dma_semaphore, #tpu.memory_space<semaphore_mem>>, %arg32: memref<!tpu.dma_semaphore, #tpu.memory_space<semaphore_mem>>, %arg33: memref<!tpu.dma_semaphore, #tpu.memory_space<semaphore_mem>>) attributes {dimension_semantics = [#tpu.dimension_semantics<core_parallel>, #tpu.dimension_semantics<subcore_parallel>], iteration_bounds = array<i64: 2, 16>, scalar_prefetch = 0 : i64, scratch_operands = 27 : i64, tpu.core_type = #tpu.core_type<sc_vector_subcore>, window_params = [{transform_indices = #map}, {transform_indices = #map}, {transform_indices = #map}, {transform_indices = #map}, {transform_indices = #map}]} {
    %mul3A = arith.constant 2 : i32
    %mul3A_0 = arith.muli %arg1, %mul3A : i32
    %add3A = arith.addi %mul3A_0, %arg0 : i32
    %mul3A_1 = arith.constant 80 : i32
    %mul3A_2 = arith.muli %add3A, %mul3A_1 : i32
    %multiple_of3A = tpu.assume_multiple %mul3A_2, 8 : i32
    %dma_start3A = arith.constant 0 : i32
    %dma_start3A_3 = tpu.memref_slice %arg3[%multiple_of3A, %dma_start3A] : memref<2560x125xi32, #tpu.memory_space<hbm>> -> memref<80x125xi32, #tpu.memory_space<hbm>>
    %dma_start3A_4 = arith.constant 0 : i32
    %dma_start3A_5 = tpu.memref_slice %arg3[%multiple_of3A, %dma_start3A_4] : memref<2560x125xi32, #tpu.memory_space<hbm>> -> memref<80x125xi32, #tpu.memory_space<hbm>>
    tpu.enqueue_dma source(%dma_start3A_5 : memref<80x125xi32, #tpu.memory_space<hbm>>) target(%arg7 : memref<80x125xi32, #tpu.memory_space<vmem>>) target_semaphore(%arg18 : memref<!tpu.dma_semaphore, #tpu.memory_space<semaphore_mem>>)
    %dma_start3A_6 = arith.constant 0 : i32
    %dma_start3A_7 = tpu.memref_slice %arg4[%multiple_of3A, %dma_start3A_6] : memref<2560x125xi32, #tpu.memory_space<hbm>> -> memref<80x125xi32, #tpu.memory_space<hbm>>
    %dma_start3A_8 = arith.constant 0 : i32
    %dma_start3A_9 = tpu.memref_slice %arg4[%multiple_of3A, %dma_start3A_8] : memref<2560x125xi32, #tpu.memory_space<hbm>> -> memref<80x125xi32, #tpu.memory_space<hbm>>
    tpu.enqueue_dma source(%dma_start3A_9 : memref<80x125xi32, #tpu.memory_space<hbm>>) target(%arg8 : memref<80x125xi32, #tpu.memory_space<vmem>>) target_semaphore(%arg19 : memref<!tpu.dma_semaphore, #tpu.memory_space<semaphore_mem>>)
    %mul3A_10 = arith.constant 632 : i32
    %mul3A_11 = arith.muli %arg1, %mul3A_10 : i32
    %multiple_of3A_12 = tpu.assume_multiple %mul3A_11, 8 : i32
    %lt3A = arith.constant 15 : i32
    %lt3A_13 = arith.cmpi slt, %arg1, %lt3A : i32
    %convert_element_type3A = arith.extui %lt3A_13 : i1 to i32
    %cond3A = arith.constant 0 : i32
    %cond3A_14 = arith.cmpi ne, %convert_element_type3A, %cond3A : i32
    scf.if %cond3A_14 {
      "tpu.region"() ({
        %run_scoped3A = tpu.sem_alloc : memref<!tpu.dma_semaphore, #tpu.memory_space<semaphore_mem>>
        %dma_start3A_274 = arith.constant 0 : i32
        %dma_start3A_275 = tpu.memref_slice %arg17[%multiple_of3A_12, %dma_start3A_274] : memref<10000x64xf32, #tpu.memory_space<vmem_shared>> -> memref<632x64xf32, #tpu.memory_space<vmem_shared>>
        tpu.enqueue_dma source(%arg5 : memref<632x64xf32, #tpu.memory_space<hbm>>) target(%dma_start3A_275 : memref<632x64xf32, #tpu.memory_space<vmem_shared>>) target_semaphore(%run_scoped3A : memref<!tpu.dma_semaphore, #tpu.memory_space<semaphore_mem>>)
        %dma_wait3A_276 = arith.constant 0 : i32
        %dma_wait3A_277 = tpu.memref_slice %arg17[%multiple_of3A_12, %dma_wait3A_276] : memref<10000x64xf32, #tpu.memory_space<vmem_shared>> -> memref<632x64xf32, #tpu.memory_space<vmem_shared>>
        tpu.wait_dma2 semaphore(%run_scoped3A : memref<!tpu.dma_semaphore, #tpu.memory_space<semaphore_mem>>) src(%arg5 : memref<632x64xf32, #tpu.memory_space<hbm>>) dst(%dma_wait3A_277 : memref<632x64xf32, #tpu.memory_space<vmem_shared>>)
        tpu.yield
      }) : () -> ()
    } else {
    }
    %eq3A = arith.constant 15 : i32
    %eq3A_15 = arith.cmpi eq, %arg1, %eq3A : i32
    %convert_element_type3A_16 = arith.extui %eq3A_15 : i1 to i32
    %cond3A_17 = arith.constant 0 : i32
    %cond3A_18 = arith.cmpi ne, %convert_element_type3A_16, %cond3A_17 : i32
    scf.if %cond3A_18 {
      "tpu.region"() ({
        %run_scoped3A = tpu.sem_alloc : memref<!tpu.dma_semaphore, #tpu.memory_space<semaphore_mem>>
        %dma_start3A_274 = arith.constant 0 : i32
        %dma_start3A_275 = tpu.memref_slice %arg17[%multiple_of3A_12, %dma_start3A_274] : memref<10000x64xf32, #tpu.memory_space<vmem_shared>> -> memref<520x64xf32, #tpu.memory_space<vmem_shared>>
        %dma_start3A_276 = arith.constant 0 : i32
        %dma_start3A_277 = arith.constant 0 : i32
        %dma_start3A_278 = tpu.memref_slice %arg5[%dma_start3A_276, %dma_start3A_277] : memref<632x64xf32, #tpu.memory_space<hbm>> -> memref<520x64xf32, #tpu.memory_space<hbm>>
        tpu.enqueue_dma source(%dma_start3A_278 : memref<520x64xf32, #tpu.memory_space<hbm>>) target(%dma_start3A_275 : memref<520x64xf32, #tpu.memory_space<vmem_shared>>) target_semaphore(%run_scoped3A : memref<!tpu.dma_semaphore, #tpu.memory_space<semaphore_mem>>)
        %dma_wait3A_279 = arith.constant 0 : i32
        %dma_wait3A_280 = tpu.memref_slice %arg17[%multiple_of3A_12, %dma_wait3A_279] : memref<10000x64xf32, #tpu.memory_space<vmem_shared>> -> memref<520x64xf32, #tpu.memory_space<vmem_shared>>
        %dma_wait3A_281 = arith.constant 0 : i32
        %dma_wait3A_282 = arith.constant 0 : i32
        %dma_wait3A_283 = tpu.memref_slice %arg5[%dma_wait3A_281, %dma_wait3A_282] : memref<632x64xf32, #tpu.memory_space<hbm>> -> memref<520x64xf32, #tpu.memory_space<hbm>>
        tpu.wait_dma2 semaphore(%run_scoped3A : memref<!tpu.dma_semaphore, #tpu.memory_space<semaphore_mem>>) src(%dma_wait3A_283 : memref<520x64xf32, #tpu.memory_space<hbm>>) dst(%dma_wait3A_280 : memref<520x64xf32, #tpu.memory_space<vmem_shared>>)
        tpu.yield
      }) : () -> ()
    } else {
    }
    %dma_wait3A = arith.constant 0 : i32
    %dma_wait3A_19 = tpu.memref_slice %arg3[%multiple_of3A, %dma_wait3A] : memref<2560x125xi32, #tpu.memory_space<hbm>> -> memref<80x125xi32, #tpu.memory_space<hbm>>
    %dma_wait3A_20 = arith.constant 0 : i32
    %dma_wait3A_21 = tpu.memref_slice %arg3[%multiple_of3A, %dma_wait3A_20] : memref<2560x125xi32, #tpu.memory_space<hbm>> -> memref<80x125xi32, #tpu.memory_space<hbm>>
    tpu.wait_dma2 semaphore(%arg18 : memref<!tpu.dma_semaphore, #tpu.memory_space<semaphore_mem>>) src(%dma_wait3A_21 : memref<80x125xi32, #tpu.memory_space<hbm>>) dst(%arg7 : memref<80x125xi32, #tpu.memory_space<vmem>>)
    %dma_wait3A_22 = arith.constant 0 : i32
    %dma_wait3A_23 = tpu.memref_slice %arg4[%multiple_of3A, %dma_wait3A_22] : memref<2560x125xi32, #tpu.memory_space<hbm>> -> memref<80x125xi32, #tpu.memory_space<hbm>>
    %dma_wait3A_24 = arith.constant 0 : i32
    %dma_wait3A_25 = tpu.memref_slice %arg4[%multiple_of3A, %dma_wait3A_24] : memref<2560x125xi32, #tpu.memory_space<hbm>> -> memref<80x125xi32, #tpu.memory_space<hbm>>
    tpu.wait_dma2 semaphore(%arg19 : memref<!tpu.dma_semaphore, #tpu.memory_space<semaphore_mem>>) src(%dma_wait3A_25 : memref<80x125xi32, #tpu.memory_space<hbm>>) dst(%arg8 : memref<80x125xi32, #tpu.memory_space<vmem>>)
    %dma_start3A_26 = arith.constant 0 : i32
    %dma_start3A_27 = arith.constant 0 : i32
    %dma_start3A_28 = tpu.memref_slice %arg7[%dma_start3A_26, %dma_start3A_27] : memref<80x125xi32, #tpu.memory_space<vmem>> -> memref<1x125xi32, #tpu.memory_space<vmem>>
    %dma_start3A_29 = tpu.memref_squeeze %dma_start3A_28 : memref<1x125xi32, #tpu.memory_space<vmem>> -> memref<125xi32, #tpu.memory_space<vmem>>
    %dma_start3A_30 = arith.constant 0 : i32
    %dma_start3A_31 = arith.constant 0 : i32
    %dma_start3A_32 = tpu.memref_slice %arg2[%dma_start3A_30, %dma_start3A_31] : memref<10000x64xf32, #tpu.memory_space<hbm>> -> memref<10000x64xf32, #tpu.memory_space<hbm>>
    tpu.enqueue_indirect_dma source(%dma_start3A_32 : memref<10000x64xf32, #tpu.memory_space<hbm>>) target(%arg9 : memref<125x64xf32, #tpu.memory_space<vmem>>) offsets(%dma_start3A_29 : memref<125xi32, #tpu.memory_space<vmem>>) semaphore(%arg18 : memref<!tpu.dma_semaphore, #tpu.memory_space<semaphore_mem>>)
    %dma_start3A_33 = arith.constant 1 : i32
    %dma_start3A_34 = arith.constant 0 : i32
    %dma_start3A_35 = tpu.memref_slice %arg7[%dma_start3A_33, %dma_start3A_34] : memref<80x125xi32, #tpu.memory_space<vmem>> -> memref<1x125xi32, #tpu.memory_space<vmem>>
    %dma_start3A_36 = tpu.memref_squeeze %dma_start3A_35 : memref<1x125xi32, #tpu.memory_space<vmem>> -> memref<125xi32, #tpu.memory_space<vmem>>
    %dma_start3A_37 = arith.constant 0 : i32
    %dma_start3A_38 = arith.constant 0 : i32
    %dma_start3A_39 = tpu.memref_slice %arg2[%dma_start3A_37, %dma_start3A_38] : memref<10000x64xf32, #tpu.memory_space<hbm>> -> memref<10000x64xf32, #tpu.memory_space<hbm>>
    tpu.enqueue_indirect_dma source(%dma_start3A_39 : memref<10000x64xf32, #tpu.memory_space<hbm>>) target(%arg10 : memref<125x64xf32, #tpu.memory_space<vmem>>) offsets(%dma_start3A_36 : memref<125xi32, #tpu.memory_space<vmem>>) semaphore(%arg19 : memref<!tpu.dma_semaphore, #tpu.memory_space<semaphore_mem>>)
    %dma_start3A_40 = arith.constant 2 : i32
    %dma_start3A_41 = arith.constant 0 : i32
    %dma_start3A_42 = tpu.memref_slice %arg7[%dma_start3A_40, %dma_start3A_41] : memref<80x125xi32, #tpu.memory_space<vmem>> -> memref<1x125xi32, #tpu.memory_space<vmem>>
    %dma_start3A_43 = tpu.memref_squeeze %dma_start3A_42 : memref<1x125xi32, #tpu.memory_space<vmem>> -> memref<125xi32, #tpu.memory_space<vmem>>
    %dma_start3A_44 = arith.constant 0 : i32
    %dma_start3A_45 = arith.constant 0 : i32
    %dma_start3A_46 = tpu.memref_slice %arg2[%dma_start3A_44, %dma_start3A_45] : memref<10000x64xf32, #tpu.memory_space<hbm>> -> memref<10000x64xf32, #tpu.memory_space<hbm>>
    tpu.enqueue_indirect_dma source(%dma_start3A_46 : memref<10000x64xf32, #tpu.memory_space<hbm>>) target(%arg11 : memref<125x64xf32, #tpu.memory_space<vmem>>) offsets(%dma_start3A_43 : memref<125xi32, #tpu.memory_space<vmem>>) semaphore(%arg20 : memref<!tpu.dma_semaphore, #tpu.memory_space<semaphore_mem>>)
    %dma_start3A_47 = arith.constant 3 : i32
    %dma_start3A_48 = arith.constant 0 : i32
    %dma_start3A_49 = tpu.memref_slice %arg7[%dma_start3A_47, %dma_start3A_48] : memref<80x125xi32, #tpu.memory_space<vmem>> -> memref<1x125xi32, #tpu.memory_space<vmem>>
    %dma_start3A_50 = tpu.memref_squeeze %dma_start3A_49 : memref<1x125xi32, #tpu.memory_space<vmem>> -> memref<125xi32, #tpu.memory_space<vmem>>
    %dma_start3A_51 = arith.constant 0 : i32
    %dma_start3A_52 = arith.constant 0 : i32
    %dma_start3A_53 = tpu.memref_slice %arg2[%dma_start3A_51, %dma_start3A_52] : memref<10000x64xf32, #tpu.memory_space<hbm>> -> memref<10000x64xf32, #tpu.memory_space<hbm>>
    tpu.enqueue_indirect_dma source(%dma_start3A_53 : memref<10000x64xf32, #tpu.memory_space<hbm>>) target(%arg12 : memref<125x64xf32, #tpu.memory_space<vmem>>) offsets(%dma_start3A_50 : memref<125xi32, #tpu.memory_space<vmem>>) semaphore(%arg21 : memref<!tpu.dma_semaphore, #tpu.memory_space<semaphore_mem>>)
    %dma_start3A_54 = arith.constant 4 : i32
    %dma_start3A_55 = arith.constant 0 : i32
    %dma_start3A_56 = tpu.memref_slice %arg7[%dma_start3A_54, %dma_start3A_55] : memref<80x125xi32, #tpu.memory_space<vmem>> -> memref<1x125xi32, #tpu.memory_space<vmem>>
    %dma_start3A_57 = tpu.memref_squeeze %dma_start3A_56 : memref<1x125xi32, #tpu.memory_space<vmem>> -> memref<125xi32, #tpu.memory_space<vmem>>
    %dma_start3A_58 = arith.constant 0 : i32
    %dma_start3A_59 = arith.constant 0 : i32
    %dma_start3A_60 = tpu.memref_slice %arg2[%dma_start3A_58, %dma_start3A_59] : memref<10000x64xf32, #tpu.memory_space<hbm>> -> memref<10000x64xf32, #tpu.memory_space<hbm>>
    tpu.enqueue_indirect_dma source(%dma_start3A_60 : memref<10000x64xf32, #tpu.memory_space<hbm>>) target(%arg13 : memref<125x64xf32, #tpu.memory_space<vmem>>) offsets(%dma_start3A_57 : memref<125xi32, #tpu.memory_space<vmem>>) semaphore(%arg22 : memref<!tpu.dma_semaphore, #tpu.memory_space<semaphore_mem>>)
    %dma_start3A_61 = arith.constant 5 : i32
    %dma_start3A_62 = arith.constant 0 : i32
    %dma_start3A_63 = tpu.memref_slice %arg7[%dma_start3A_61, %dma_start3A_62] : memref<80x125xi32, #tpu.memory_space<vmem>> -> memref<1x125xi32, #tpu.memory_space<vmem>>
    %dma_start3A_64 = tpu.memref_squeeze %dma_start3A_63 : memref<1x125xi32, #tpu.memory_space<vmem>> -> memref<125xi32, #tpu.memory_space<vmem>>
    %dma_start3A_65 = arith.constant 0 : i32
    %dma_start3A_66 = arith.constant 0 : i32
    %dma_start3A_67 = tpu.memref_slice %arg2[%dma_start3A_65, %dma_start3A_66] : memref<10000x64xf32, #tpu.memory_space<hbm>> -> memref<10000x64xf32, #tpu.memory_space<hbm>>
    tpu.enqueue_indirect_dma source(%dma_start3A_67 : memref<10000x64xf32, #tpu.memory_space<hbm>>) target(%arg14 : memref<125x64xf32, #tpu.memory_space<vmem>>) offsets(%dma_start3A_64 : memref<125xi32, #tpu.memory_space<vmem>>) semaphore(%arg23 : memref<!tpu.dma_semaphore, #tpu.memory_space<semaphore_mem>>)
    %dma_start3A_68 = arith.constant 6 : i32
    %dma_start3A_69 = arith.constant 0 : i32
    %dma_start3A_70 = tpu.memref_slice %arg7[%dma_start3A_68, %dma_start3A_69] : memref<80x125xi32, #tpu.memory_space<vmem>> -> memref<1x125xi32, #tpu.memory_space<vmem>>
    %dma_start3A_71 = tpu.memref_squeeze %dma_start3A_70 : memref<1x125xi32, #tpu.memory_space<vmem>> -> memref<125xi32, #tpu.memory_space<vmem>>
    %dma_start3A_72 = arith.constant 0 : i32
    %dma_start3A_73 = arith.constant 0 : i32
    %dma_start3A_74 = tpu.memref_slice %arg2[%dma_start3A_72, %dma_start3A_73] : memref<10000x64xf32, #tpu.memory_space<hbm>> -> memref<10000x64xf32, #tpu.memory_space<hbm>>
    tpu.enqueue_indirect_dma source(%dma_start3A_74 : memref<10000x64xf32, #tpu.memory_space<hbm>>) target(%arg15 : memref<125x64xf32, #tpu.memory_space<vmem>>) offsets(%dma_start3A_71 : memref<125xi32, #tpu.memory_space<vmem>>) semaphore(%arg24 : memref<!tpu.dma_semaphore, #tpu.memory_space<semaphore_mem>>)
    %dma_start3A_75 = arith.constant 7 : i32
    %dma_start3A_76 = arith.constant 0 : i32
    %dma_start3A_77 = tpu.memref_slice %arg7[%dma_start3A_75, %dma_start3A_76] : memref<80x125xi32, #tpu.memory_space<vmem>> -> memref<1x125xi32, #tpu.memory_space<vmem>>
    %dma_start3A_78 = tpu.memref_squeeze %dma_start3A_77 : memref<1x125xi32, #tpu.memory_space<vmem>> -> memref<125xi32, #tpu.memory_space<vmem>>
    %dma_start3A_79 = arith.constant 0 : i32
    %dma_start3A_80 = arith.constant 0 : i32
    %dma_start3A_81 = tpu.memref_slice %arg2[%dma_start3A_79, %dma_start3A_80] : memref<10000x64xf32, #tpu.memory_space<hbm>> -> memref<10000x64xf32, #tpu.memory_space<hbm>>
    tpu.enqueue_indirect_dma source(%dma_start3A_81 : memref<10000x64xf32, #tpu.memory_space<hbm>>) target(%arg16 : memref<125x64xf32, #tpu.memory_space<vmem>>) offsets(%dma_start3A_78 : memref<125xi32, #tpu.memory_space<vmem>>) semaphore(%arg25 : memref<!tpu.dma_semaphore, #tpu.memory_space<semaphore_mem>>)
    %barrier3A = arith.constant 0 : index
    tpu.barrier barrier_id(%barrier3A)
    %scan3A = arith.constant 0 : i32
    %scan3A_82 = arith.constant 9 : i32
    %scan3A_83 = arith.addi %scan3A, %scan3A_82 : i32
    %scan3A_84 = arith.constant 1 : i32
    scf.for %scan3A_274 = %scan3A to %scan3A_83 step %scan3A_84  : i32 {
      %mul3A_275 = arith.constant 8 : i32
      %mul3A_276 = arith.muli %scan3A_274, %mul3A_275 : i32
      %add3A_277 = arith.constant 0 : i32
      %add3A_278 = arith.addi %add3A_277, %mul3A_276 : i32
      %add3A_279 = arith.constant 0 : i32
      %add3A_280 = arith.addi %add3A_278, %add3A_279 : i32
      %dma_wait3A_281 = arith.constant 0 : i32
      %dma_wait3A_282 = tpu.memref_slice %arg7[%add3A_280, %dma_wait3A_281] : memref<80x125xi32, #tpu.memory_space<vmem>> -> memref<1x125xi32, #tpu.memory_space<vmem>>
      %dma_wait3A_283 = tpu.memref_squeeze %dma_wait3A_282 : memref<1x125xi32, #tpu.memory_space<vmem>> -> memref<125xi32, #tpu.memory_space<vmem>>
      %dma_wait3A_284 = arith.constant 0 : i32
      %dma_wait3A_285 = arith.constant 0 : i32
      %dma_wait3A_286 = tpu.memref_slice %arg2[%dma_wait3A_284, %dma_wait3A_285] : memref<10000x64xf32, #tpu.memory_space<hbm>> -> memref<10000x64xf32, #tpu.memory_space<hbm>>
      tpu.wait_indirect_dma semaphore(%arg18 : memref<!tpu.dma_semaphore, #tpu.memory_space<semaphore_mem>>) src(%dma_wait3A_286 : memref<10000x64xf32, #tpu.memory_space<hbm>>) dst(%arg9 : memref<125x64xf32, #tpu.memory_space<vmem>>)
      %add3A_287 = arith.constant 0 : i32
      %add3A_288 = arith.addi %add3A_278, %add3A_287 : i32
      %dma_start3A_289 = arith.constant 0 : i32
      %dma_start3A_290 = tpu.memref_slice %arg8[%add3A_288, %dma_start3A_289] : memref<80x125xi32, #tpu.memory_space<vmem>> -> memref<1x125xi32, #tpu.memory_space<vmem>>
      %dma_start3A_291 = tpu.memref_squeeze %dma_start3A_290 : memref<1x125xi32, #tpu.memory_space<vmem>> -> memref<125xi32, #tpu.memory_space<vmem>>
      %dma_start3A_292 = arith.constant 0 : i32
      %dma_start3A_293 = arith.constant 0 : i32
      %dma_start3A_294 = tpu.memref_slice %arg17[%dma_start3A_292, %dma_start3A_293] : memref<10000x64xf32, #tpu.memory_space<vmem_shared>> -> memref<10000x64xf32, #tpu.memory_space<vmem_shared>>
      tpu.enqueue_indirect_dma source(%arg9 : memref<125x64xf32, #tpu.memory_space<vmem>>) target(%dma_start3A_294 : memref<10000x64xf32, #tpu.memory_space<vmem_shared>>) offsets(%dma_start3A_291 : memref<125xi32, #tpu.memory_space<vmem>>) semaphore(%arg26 : memref<!tpu.dma_semaphore, #tpu.memory_space<semaphore_mem>>) {add = true}
      %add3A_295 = arith.constant 1 : i32
      %add3A_296 = arith.addi %add3A_278, %add3A_295 : i32
      %dma_wait3A_297 = arith.constant 0 : i32
      %dma_wait3A_298 = tpu.memref_slice %arg7[%add3A_296, %dma_wait3A_297] : memref<80x125xi32, #tpu.memory_space<vmem>> -> memref<1x125xi32, #tpu.memory_space<vmem>>
      %dma_wait3A_299 = tpu.memref_squeeze %dma_wait3A_298 : memref<1x125xi32, #tpu.memory_space<vmem>> -> memref<125xi32, #tpu.memory_space<vmem>>
      %dma_wait3A_300 = arith.constant 0 : i32
      %dma_wait3A_301 = arith.constant 0 : i32
      %dma_wait3A_302 = tpu.memref_slice %arg2[%dma_wait3A_300, %dma_wait3A_301] : memref<10000x64xf32, #tpu.memory_space<hbm>> -> memref<10000x64xf32, #tpu.memory_space<hbm>>
      tpu.wait_indirect_dma semaphore(%arg19 : memref<!tpu.dma_semaphore, #tpu.memory_space<semaphore_mem>>) src(%dma_wait3A_302 : memref<10000x64xf32, #tpu.memory_space<hbm>>) dst(%arg10 : memref<125x64xf32, #tpu.memory_space<vmem>>)
      %add3A_303 = arith.constant 1 : i32
      %add3A_304 = arith.addi %add3A_278, %add3A_303 : i32
      %dma_start3A_305 = arith.constant 0 : i32
      %dma_start3A_306 = tpu.memref_slice %arg8[%add3A_304, %dma_start3A_305] : memref<80x125xi32, #tpu.memory_space<vmem>> -> memref<1x125xi32, #tpu.memory_space<vmem>>
      %dma_start3A_307 = tpu.memref_squeeze %dma_start3A_306 : memref<1x125xi32, #tpu.memory_space<vmem>> -> memref<125xi32, #tpu.memory_space<vmem>>
      %dma_start3A_308 = arith.constant 0 : i32
      %dma_start3A_309 = arith.constant 0 : i32
      %dma_start3A_310 = tpu.memref_slice %arg17[%dma_start3A_308, %dma_start3A_309] : memref<10000x64xf32, #tpu.memory_space<vmem_shared>> -> memref<10000x64xf32, #tpu.memory_space<vmem_shared>>
      tpu.enqueue_indirect_dma source(%arg10 : memref<125x64xf32, #tpu.memory_space<vmem>>) target(%dma_start3A_310 : memref<10000x64xf32, #tpu.memory_space<vmem_shared>>) offsets(%dma_start3A_307 : memref<125xi32, #tpu.memory_space<vmem>>) semaphore(%arg27 : memref<!tpu.dma_semaphore, #tpu.memory_space<semaphore_mem>>) {add = true}
      %add3A_311 = arith.constant 2 : i32
      %add3A_312 = arith.addi %add3A_278, %add3A_311 : i32
      %dma_wait3A_313 = arith.constant 0 : i32
      %dma_wait3A_314 = tpu.memref_slice %arg7[%add3A_312, %dma_wait3A_313] : memref<80x125xi32, #tpu.memory_space<vmem>> -> memref<1x125xi32, #tpu.memory_space<vmem>>
      %dma_wait3A_315 = tpu.memref_squeeze %dma_wait3A_314 : memref<1x125xi32, #tpu.memory_space<vmem>> -> memref<125xi32, #tpu.memory_space<vmem>>
      %dma_wait3A_316 = arith.constant 0 : i32
      %dma_wait3A_317 = arith.constant 0 : i32
      %dma_wait3A_318 = tpu.memref_slice %arg2[%dma_wait3A_316, %dma_wait3A_317] : memref<10000x64xf32, #tpu.memory_space<hbm>> -> memref<10000x64xf32, #tpu.memory_space<hbm>>
      tpu.wait_indirect_dma semaphore(%arg20 : memref<!tpu.dma_semaphore, #tpu.memory_space<semaphore_mem>>) src(%dma_wait3A_318 : memref<10000x64xf32, #tpu.memory_space<hbm>>) dst(%arg11 : memref<125x64xf32, #tpu.memory_space<vmem>>)
      %add3A_319 = arith.constant 2 : i32
      %add3A_320 = arith.addi %add3A_278, %add3A_319 : i32
      %dma_start3A_321 = arith.constant 0 : i32
      %dma_start3A_322 = tpu.memref_slice %arg8[%add3A_320, %dma_start3A_321] : memref<80x125xi32, #tpu.memory_space<vmem>> -> memref<1x125xi32, #tpu.memory_space<vmem>>
      %dma_start3A_323 = tpu.memref_squeeze %dma_start3A_322 : memref<1x125xi32, #tpu.memory_space<vmem>> -> memref<125xi32, #tpu.memory_space<vmem>>
      %dma_start3A_324 = arith.constant 0 : i32
      %dma_start3A_325 = arith.constant 0 : i32
      %dma_start3A_326 = tpu.memref_slice %arg17[%dma_start3A_324, %dma_start3A_325] : memref<10000x64xf32, #tpu.memory_space<vmem_shared>> -> memref<10000x64xf32, #tpu.memory_space<vmem_shared>>
      tpu.enqueue_indirect_dma source(%arg11 : memref<125x64xf32, #tpu.memory_space<vmem>>) target(%dma_start3A_326 : memref<10000x64xf32, #tpu.memory_space<vmem_shared>>) offsets(%dma_start3A_323 : memref<125xi32, #tpu.memory_space<vmem>>) semaphore(%arg28 : memref<!tpu.dma_semaphore, #tpu.memory_space<semaphore_mem>>) {add = true}
      %add3A_327 = arith.constant 3 : i32
      %add3A_328 = arith.addi %add3A_278, %add3A_327 : i32
      %dma_wait3A_329 = arith.constant 0 : i32
      %dma_wait3A_330 = tpu.memref_slice %arg7[%add3A_328, %dma_wait3A_329] : memref<80x125xi32, #tpu.memory_space<vmem>> -> memref<1x125xi32, #tpu.memory_space<vmem>>
      %dma_wait3A_331 = tpu.memref_squeeze %dma_wait3A_330 : memref<1x125xi32, #tpu.memory_space<vmem>> -> memref<125xi32, #tpu.memory_space<vmem>>
      %dma_wait3A_332 = arith.constant 0 : i32
      %dma_wait3A_333 = arith.constant 0 : i32
      %dma_wait3A_334 = tpu.memref_slice %arg2[%dma_wait3A_332, %dma_wait3A_333] : memref<10000x64xf32, #tpu.memory_space<hbm>> -> memref<10000x64xf32, #tpu.memory_space<hbm>>
      tpu.wait_indirect_dma semaphore(%arg21 : memref<!tpu.dma_semaphore, #tpu.memory_space<semaphore_mem>>) src(%dma_wait3A_334 : memref<10000x64xf32, #tpu.memory_space<hbm>>) dst(%arg12 : memref<125x64xf32, #tpu.memory_space<vmem>>)
      %add3A_335 = arith.constant 3 : i32
      %add3A_336 = arith.addi %add3A_278, %add3A_335 : i32
      %dma_start3A_337 = arith.constant 0 : i32
      %dma_start3A_338 = tpu.memref_slice %arg8[%add3A_336, %dma_start3A_337] : memref<80x125xi32, #tpu.memory_space<vmem>> -> memref<1x125xi32, #tpu.memory_space<vmem>>
      %dma_start3A_339 = tpu.memref_squeeze %dma_start3A_338 : memref<1x125xi32, #tpu.memory_space<vmem>> -> memref<125xi32, #tpu.memory_space<vmem>>
      %dma_start3A_340 = arith.constant 0 : i32
      %dma_start3A_341 = arith.constant 0 : i32
      %dma_start3A_342 = tpu.memref_slice %arg17[%dma_start3A_340, %dma_start3A_341] : memref<10000x64xf32, #tpu.memory_space<vmem_shared>> -> memref<10000x64xf32, #tpu.memory_space<vmem_shared>>
      tpu.enqueue_indirect_dma source(%arg12 : memref<125x64xf32, #tpu.memory_space<vmem>>) target(%dma_start3A_342 : memref<10000x64xf32, #tpu.memory_space<vmem_shared>>) offsets(%dma_start3A_339 : memref<125xi32, #tpu.memory_space<vmem>>) semaphore(%arg29 : memref<!tpu.dma_semaphore, #tpu.memory_space<semaphore_mem>>) {add = true}
      %add3A_343 = arith.constant 4 : i32
      %add3A_344 = arith.addi %add3A_278, %add3A_343 : i32
      %dma_wait3A_345 = arith.constant 0 : i32
      %dma_wait3A_346 = tpu.memref_slice %arg7[%add3A_344, %dma_wait3A_345] : memref<80x125xi32, #tpu.memory_space<vmem>> -> memref<1x125xi32, #tpu.memory_space<vmem>>
      %dma_wait3A_347 = tpu.memref_squeeze %dma_wait3A_346 : memref<1x125xi32, #tpu.memory_space<vmem>> -> memref<125xi32, #tpu.memory_space<vmem>>
      %dma_wait3A_348 = arith.constant 0 : i32
      %dma_wait3A_349 = arith.constant 0 : i32
      %dma_wait3A_350 = tpu.memref_slice %arg2[%dma_wait3A_348, %dma_wait3A_349] : memref<10000x64xf32, #tpu.memory_space<hbm>> -> memref<10000x64xf32, #tpu.memory_space<hbm>>
      tpu.wait_indirect_dma semaphore(%arg22 : memref<!tpu.dma_semaphore, #tpu.memory_space<semaphore_mem>>) src(%dma_wait3A_350 : memref<10000x64xf32, #tpu.memory_space<hbm>>) dst(%arg13 : memref<125x64xf32, #tpu.memory_space<vmem>>)
      %add3A_351 = arith.constant 4 : i32
      %add3A_352 = arith.addi %add3A_278, %add3A_351 : i32
      %dma_start3A_353 = arith.constant 0 : i32
      %dma_start3A_354 = tpu.memref_slice %arg8[%add3A_352, %dma_start3A_353] : memref<80x125xi32, #tpu.memory_space<vmem>> -> memref<1x125xi32, #tpu.memory_space<vmem>>
      %dma_start3A_355 = tpu.memref_squeeze %dma_start3A_354 : memref<1x125xi32, #tpu.memory_space<vmem>> -> memref<125xi32, #tpu.memory_space<vmem>>
      %dma_start3A_356 = arith.constant 0 : i32
      %dma_start3A_357 = arith.constant 0 : i32
      %dma_start3A_358 = tpu.memref_slice %arg17[%dma_start3A_356, %dma_start3A_357] : memref<10000x64xf32, #tpu.memory_space<vmem_shared>> -> memref<10000x64xf32, #tpu.memory_space<vmem_shared>>
      tpu.enqueue_indirect_dma source(%arg13 : memref<125x64xf32, #tpu.memory_space<vmem>>) target(%dma_start3A_358 : memref<10000x64xf32, #tpu.memory_space<vmem_shared>>) offsets(%dma_start3A_355 : memref<125xi32, #tpu.memory_space<vmem>>) semaphore(%arg30 : memref<!tpu.dma_semaphore, #tpu.memory_space<semaphore_mem>>) {add = true}
      %add3A_359 = arith.constant 5 : i32
      %add3A_360 = arith.addi %add3A_278, %add3A_359 : i32
      %dma_wait3A_361 = arith.constant 0 : i32
      %dma_wait3A_362 = tpu.memref_slice %arg7[%add3A_360, %dma_wait3A_361] : memref<80x125xi32, #tpu.memory_space<vmem>> -> memref<1x125xi32, #tpu.memory_space<vmem>>
      %dma_wait3A_363 = tpu.memref_squeeze %dma_wait3A_362 : memref<1x125xi32, #tpu.memory_space<vmem>> -> memref<125xi32, #tpu.memory_space<vmem>>
      %dma_wait3A_364 = arith.constant 0 : i32
      %dma_wait3A_365 = arith.constant 0 : i32
      %dma_wait3A_366 = tpu.memref_slice %arg2[%dma_wait3A_364, %dma_wait3A_365] : memref<10000x64xf32, #tpu.memory_space<hbm>> -> memref<10000x64xf32, #tpu.memory_space<hbm>>
      tpu.wait_indirect_dma semaphore(%arg23 : memref<!tpu.dma_semaphore, #tpu.memory_space<semaphore_mem>>) src(%dma_wait3A_366 : memref<10000x64xf32, #tpu.memory_space<hbm>>) dst(%arg14 : memref<125x64xf32, #tpu.memory_space<vmem>>)
      %add3A_367 = arith.constant 5 : i32
      %add3A_368 = arith.addi %add3A_278, %add3A_367 : i32
      %dma_start3A_369 = arith.constant 0 : i32
      %dma_start3A_370 = tpu.memref_slice %arg8[%add3A_368, %dma_start3A_369] : memref<80x125xi32, #tpu.memory_space<vmem>> -> memref<1x125xi32, #tpu.memory_space<vmem>>
      %dma_start3A_371 = tpu.memref_squeeze %dma_start3A_370 : memref<1x125xi32, #tpu.memory_space<vmem>> -> memref<125xi32, #tpu.memory_space<vmem>>
      %dma_start3A_372 = arith.constant 0 : i32
      %dma_start3A_373 = arith.constant 0 : i32
      %dma_start3A_374 = tpu.memref_slice %arg17[%dma_start3A_372, %dma_start3A_373] : memref<10000x64xf32, #tpu.memory_space<vmem_shared>> -> memref<10000x64xf32, #tpu.memory_space<vmem_shared>>
      tpu.enqueue_indirect_dma source(%arg14 : memref<125x64xf32, #tpu.memory_space<vmem>>) target(%dma_start3A_374 : memref<10000x64xf32, #tpu.memory_space<vmem_shared>>) offsets(%dma_start3A_371 : memref<125xi32, #tpu.memory_space<vmem>>) semaphore(%arg31 : memref<!tpu.dma_semaphore, #tpu.memory_space<semaphore_mem>>) {add = true}
      %add3A_375 = arith.constant 6 : i32
      %add3A_376 = arith.addi %add3A_278, %add3A_375 : i32
      %dma_wait3A_377 = arith.constant 0 : i32
      %dma_wait3A_378 = tpu.memref_slice %arg7[%add3A_376, %dma_wait3A_377] : memref<80x125xi32, #tpu.memory_space<vmem>> -> memref<1x125xi32, #tpu.memory_space<vmem>>
      %dma_wait3A_379 = tpu.memref_squeeze %dma_wait3A_378 : memref<1x125xi32, #tpu.memory_space<vmem>> -> memref<125xi32, #tpu.memory_space<vmem>>
      %dma_wait3A_380 = arith.constant 0 : i32
      %dma_wait3A_381 = arith.constant 0 : i32
      %dma_wait3A_382 = tpu.memref_slice %arg2[%dma_wait3A_380, %dma_wait3A_381] : memref<10000x64xf32, #tpu.memory_space<hbm>> -> memref<10000x64xf32, #tpu.memory_space<hbm>>
      tpu.wait_indirect_dma semaphore(%arg24 : memref<!tpu.dma_semaphore, #tpu.memory_space<semaphore_mem>>) src(%dma_wait3A_382 : memref<10000x64xf32, #tpu.memory_space<hbm>>) dst(%arg15 : memref<125x64xf32, #tpu.memory_space<vmem>>)
      %add3A_383 = arith.constant 6 : i32
      %add3A_384 = arith.addi %add3A_278, %add3A_383 : i32
      %dma_start3A_385 = arith.constant 0 : i32
      %dma_start3A_386 = tpu.memref_slice %arg8[%add3A_384, %dma_start3A_385] : memref<80x125xi32, #tpu.memory_space<vmem>> -> memref<1x125xi32, #tpu.memory_space<vmem>>
      %dma_start3A_387 = tpu.memref_squeeze %dma_start3A_386 : memref<1x125xi32, #tpu.memory_space<vmem>> -> memref<125xi32, #tpu.memory_space<vmem>>
      %dma_start3A_388 = arith.constant 0 : i32
      %dma_start3A_389 = arith.constant 0 : i32
      %dma_start3A_390 = tpu.memref_slice %arg17[%dma_start3A_388, %dma_start3A_389] : memref<10000x64xf32, #tpu.memory_space<vmem_shared>> -> memref<10000x64xf32, #tpu.memory_space<vmem_shared>>
      tpu.enqueue_indirect_dma source(%arg15 : memref<125x64xf32, #tpu.memory_space<vmem>>) target(%dma_start3A_390 : memref<10000x64xf32, #tpu.memory_space<vmem_shared>>) offsets(%dma_start3A_387 : memref<125xi32, #tpu.memory_space<vmem>>) semaphore(%arg32 : memref<!tpu.dma_semaphore, #tpu.memory_space<semaphore_mem>>) {add = true}
      %add3A_391 = arith.constant 7 : i32
      %add3A_392 = arith.addi %add3A_278, %add3A_391 : i32
      %dma_wait3A_393 = arith.constant 0 : i32
      %dma_wait3A_394 = tpu.memref_slice %arg7[%add3A_392, %dma_wait3A_393] : memref<80x125xi32, #tpu.memory_space<vmem>> -> memref<1x125xi32, #tpu.memory_space<vmem>>
      %dma_wait3A_395 = tpu.memref_squeeze %dma_wait3A_394 : memref<1x125xi32, #tpu.memory_space<vmem>> -> memref<125xi32, #tpu.memory_space<vmem>>
      %dma_wait3A_396 = arith.constant 0 : i32
      %dma_wait3A_397 = arith.constant 0 : i32
      %dma_wait3A_398 = tpu.memref_slice %arg2[%dma_wait3A_396, %dma_wait3A_397] : memref<10000x64xf32, #tpu.memory_space<hbm>> -> memref<10000x64xf32, #tpu.memory_space<hbm>>
      tpu.wait_indirect_dma semaphore(%arg25 : memref<!tpu.dma_semaphore, #tpu.memory_space<semaphore_mem>>) src(%dma_wait3A_398 : memref<10000x64xf32, #tpu.memory_space<hbm>>) dst(%arg16 : memref<125x64xf32, #tpu.memory_space<vmem>>)
      %add3A_399 = arith.constant 7 : i32
      %add3A_400 = arith.addi %add3A_278, %add3A_399 : i32
      %dma_start3A_401 = arith.constant 0 : i32
      %dma_start3A_402 = tpu.memref_slice %arg8[%add3A_400, %dma_start3A_401] : memref<80x125xi32, #tpu.memory_space<vmem>> -> memref<1x125xi32, #tpu.memory_space<vmem>>
      %dma_start3A_403 = tpu.memref_squeeze %dma_start3A_402 : memref<1x125xi32, #tpu.memory_space<vmem>> -> memref<125xi32, #tpu.memory_space<vmem>>
      %dma_start3A_404 = arith.constant 0 : i32
      %dma_start3A_405 = arith.constant 0 : i32
      %dma_start3A_406 = tpu.memref_slice %arg17[%dma_start3A_404, %dma_start3A_405] : memref<10000x64xf32, #tpu.memory_space<vmem_shared>> -> memref<10000x64xf32, #tpu.memory_space<vmem_shared>>
      tpu.enqueue_indirect_dma source(%arg16 : memref<125x64xf32, #tpu.memory_space<vmem>>) target(%dma_start3A_406 : memref<10000x64xf32, #tpu.memory_space<vmem_shared>>) offsets(%dma_start3A_403 : memref<125xi32, #tpu.memory_space<vmem>>) semaphore(%arg33 : memref<!tpu.dma_semaphore, #tpu.memory_space<semaphore_mem>>) {add = true}
      %add3A_407 = arith.constant 0 : i32
      %add3A_408 = arith.addi %add3A_278, %add3A_407 : i32
      %dma_wait3A_409 = arith.constant 0 : i32
      %dma_wait3A_410 = tpu.memref_slice %arg8[%add3A_408, %dma_wait3A_409] : memref<80x125xi32, #tpu.memory_space<vmem>> -> memref<1x125xi32, #tpu.memory_space<vmem>>
      %dma_wait3A_411 = tpu.memref_squeeze %dma_wait3A_410 : memref<1x125xi32, #tpu.memory_space<vmem>> -> memref<125xi32, #tpu.memory_space<vmem>>
      %dma_wait3A_412 = arith.constant 0 : i32
      %dma_wait3A_413 = arith.constant 0 : i32
      %dma_wait3A_414 = tpu.memref_slice %arg17[%dma_wait3A_412, %dma_wait3A_413] : memref<10000x64xf32, #tpu.memory_space<vmem_shared>> -> memref<10000x64xf32, #tpu.memory_space<vmem_shared>>
      tpu.wait_indirect_dma semaphore(%arg26 : memref<!tpu.dma_semaphore, #tpu.memory_space<semaphore_mem>>) src(%arg9 : memref<125x64xf32, #tpu.memory_space<vmem>>) dst(%dma_wait3A_414 : memref<10000x64xf32, #tpu.memory_space<vmem_shared>>)
      %add3A_415 = arith.constant 0 : i32
      %add3A_416 = arith.addi %add3A_278, %add3A_415 : i32
      %add3A_417 = arith.constant 8 : i32
      %add3A_418 = arith.addi %add3A_416, %add3A_417 : i32
      %dma_start3A_419 = arith.constant 0 : i32
      %dma_start3A_420 = tpu.memref_slice %arg7[%add3A_418, %dma_start3A_419] : memref<80x125xi32, #tpu.memory_space<vmem>> -> memref<1x125xi32, #tpu.memory_space<vmem>>
      %dma_start3A_421 = tpu.memref_squeeze %dma_start3A_420 : memref<1x125xi32, #tpu.memory_space<vmem>> -> memref<125xi32, #tpu.memory_space<vmem>>
      %dma_start3A_422 = arith.constant 0 : i32
      %dma_start3A_423 = arith.constant 0 : i32
      %dma_start3A_424 = tpu.memref_slice %arg2[%dma_start3A_422, %dma_start3A_423] : memref<10000x64xf32, #tpu.memory_space<hbm>> -> memref<10000x64xf32, #tpu.memory_space<hbm>>
      tpu.enqueue_indirect_dma source(%dma_start3A_424 : memref<10000x64xf32, #tpu.memory_space<hbm>>) target(%arg9 : memref<125x64xf32, #tpu.memory_space<vmem>>) offsets(%dma_start3A_421 : memref<125xi32, #tpu.memory_space<vmem>>) semaphore(%arg18 : memref<!tpu.dma_semaphore, #tpu.memory_space<semaphore_mem>>)
      %add3A_425 = arith.constant 1 : i32
      %add3A_426 = arith.addi %add3A_278, %add3A_425 : i32
      %dma_wait3A_427 = arith.constant 0 : i32
      %dma_wait3A_428 = tpu.memref_slice %arg8[%add3A_426, %dma_wait3A_427] : memref<80x125xi32, #tpu.memory_space<vmem>> -> memref<1x125xi32, #tpu.memory_space<vmem>>
      %dma_wait3A_429 = tpu.memref_squeeze %dma_wait3A_428 : memref<1x125xi32, #tpu.memory_space<vmem>> -> memref<125xi32, #tpu.memory_space<vmem>>
      %dma_wait3A_430 = arith.constant 0 : i32
      %dma_wait3A_431 = arith.constant 0 : i32
      %dma_wait3A_432 = tpu.memref_slice %arg17[%dma_wait3A_430, %dma_wait3A_431] : memref<10000x64xf32, #tpu.memory_space<vmem_shared>> -> memref<10000x64xf32, #tpu.memory_space<vmem_shared>>
      tpu.wait_indirect_dma semaphore(%arg27 : memref<!tpu.dma_semaphore, #tpu.memory_space<semaphore_mem>>) src(%arg10 : memref<125x64xf32, #tpu.memory_space<vmem>>) dst(%dma_wait3A_432 : memref<10000x64xf32, #tpu.memory_space<vmem_shared>>)
      %add3A_433 = arith.constant 1 : i32
      %add3A_434 = arith.addi %add3A_278, %add3A_433 : i32
      %add3A_435 = arith.constant 8 : i32
      %add3A_436 = arith.addi %add3A_434, %add3A_435 : i32
      %dma_start3A_437 = arith.constant 0 : i32
      %dma_start3A_438 = tpu.memref_slice %arg7[%add3A_436, %dma_start3A_437] : memref<80x125xi32, #tpu.memory_space<vmem>> -> memref<1x125xi32, #tpu.memory_space<vmem>>
      %dma_start3A_439 = tpu.memref_squeeze %dma_start3A_438 : memref<1x125xi32, #tpu.memory_space<vmem>> -> memref<125xi32, #tpu.memory_space<vmem>>
      %dma_start3A_440 = arith.constant 0 : i32
      %dma_start3A_441 = arith.constant 0 : i32
      %dma_start3A_442 = tpu.memref_slice %arg2[%dma_start3A_440, %dma_start3A_441] : memref<10000x64xf32, #tpu.memory_space<hbm>> -> memref<10000x64xf32, #tpu.memory_space<hbm>>
      tpu.enqueue_indirect_dma source(%dma_start3A_442 : memref<10000x64xf32, #tpu.memory_space<hbm>>) target(%arg10 : memref<125x64xf32, #tpu.memory_space<vmem>>) offsets(%dma_start3A_439 : memref<125xi32, #tpu.memory_space<vmem>>) semaphore(%arg19 : memref<!tpu.dma_semaphore, #tpu.memory_space<semaphore_mem>>)
      %add3A_443 = arith.constant 2 : i32
      %add3A_444 = arith.addi %add3A_278, %add3A_443 : i32
      %dma_wait3A_445 = arith.constant 0 : i32
      %dma_wait3A_446 = tpu.memref_slice %arg8[%add3A_444, %dma_wait3A_445] : memref<80x125xi32, #tpu.memory_space<vmem>> -> memref<1x125xi32, #tpu.memory_space<vmem>>
      %dma_wait3A_447 = tpu.memref_squeeze %dma_wait3A_446 : memref<1x125xi32, #tpu.memory_space<vmem>> -> memref<125xi32, #tpu.memory_space<vmem>>
      %dma_wait3A_448 = arith.constant 0 : i32
      %dma_wait3A_449 = arith.constant 0 : i32
      %dma_wait3A_450 = tpu.memref_slice %arg17[%dma_wait3A_448, %dma_wait3A_449] : memref<10000x64xf32, #tpu.memory_space<vmem_shared>> -> memref<10000x64xf32, #tpu.memory_space<vmem_shared>>
      tpu.wait_indirect_dma semaphore(%arg28 : memref<!tpu.dma_semaphore, #tpu.memory_space<semaphore_mem>>) src(%arg11 : memref<125x64xf32, #tpu.memory_space<vmem>>) dst(%dma_wait3A_450 : memref<10000x64xf32, #tpu.memory_space<vmem_shared>>)
      %add3A_451 = arith.constant 2 : i32
      %add3A_452 = arith.addi %add3A_278, %add3A_451 : i32
      %add3A_453 = arith.constant 8 : i32
      %add3A_454 = arith.addi %add3A_452, %add3A_453 : i32
      %dma_start3A_455 = arith.constant 0 : i32
      %dma_start3A_456 = tpu.memref_slice %arg7[%add3A_454, %dma_start3A_455] : memref<80x125xi32, #tpu.memory_space<vmem>> -> memref<1x125xi32, #tpu.memory_space<vmem>>
      %dma_start3A_457 = tpu.memref_squeeze %dma_start3A_456 : memref<1x125xi32, #tpu.memory_space<vmem>> -> memref<125xi32, #tpu.memory_space<vmem>>
      %dma_start3A_458 = arith.constant 0 : i32
      %dma_start3A_459 = arith.constant 0 : i32
      %dma_start3A_460 = tpu.memref_slice %arg2[%dma_start3A_458, %dma_start3A_459] : memref<10000x64xf32, #tpu.memory_space<hbm>> -> memref<10000x64xf32, #tpu.memory_space<hbm>>
      tpu.enqueue_indirect_dma source(%dma_start3A_460 : memref<10000x64xf32, #tpu.memory_space<hbm>>) target(%arg11 : memref<125x64xf32, #tpu.memory_space<vmem>>) offsets(%dma_start3A_457 : memref<125xi32, #tpu.memory_space<vmem>>) semaphore(%arg20 : memref<!tpu.dma_semaphore, #tpu.memory_space<semaphore_mem>>)
      %add3A_461 = arith.constant 3 : i32
      %add3A_462 = arith.addi %add3A_278, %add3A_461 : i32
      %dma_wait3A_463 = arith.constant 0 : i32
      %dma_wait3A_464 = tpu.memref_slice %arg8[%add3A_462, %dma_wait3A_463] : memref<80x125xi32, #tpu.memory_space<vmem>> -> memref<1x125xi32, #tpu.memory_space<vmem>>
      %dma_wait3A_465 = tpu.memref_squeeze %dma_wait3A_464 : memref<1x125xi32, #tpu.memory_space<vmem>> -> memref<125xi32, #tpu.memory_space<vmem>>
      %dma_wait3A_466 = arith.constant 0 : i32
      %dma_wait3A_467 = arith.constant 0 : i32
      %dma_wait3A_468 = tpu.memref_slice %arg17[%dma_wait3A_466, %dma_wait3A_467] : memref<10000x64xf32, #tpu.memory_space<vmem_shared>> -> memref<10000x64xf32, #tpu.memory_space<vmem_shared>>
      tpu.wait_indirect_dma semaphore(%arg29 : memref<!tpu.dma_semaphore, #tpu.memory_space<semaphore_mem>>) src(%arg12 : memref<125x64xf32, #tpu.memory_space<vmem>>) dst(%dma_wait3A_468 : memref<10000x64xf32, #tpu.memory_space<vmem_shared>>)
      %add3A_469 = arith.constant 3 : i32
      %add3A_470 = arith.addi %add3A_278, %add3A_469 : i32
      %add3A_471 = arith.constant 8 : i32
      %add3A_472 = arith.addi %add3A_470, %add3A_471 : i32
      %dma_start3A_473 = arith.constant 0 : i32
      %dma_start3A_474 = tpu.memref_slice %arg7[%add3A_472, %dma_start3A_473] : memref<80x125xi32, #tpu.memory_space<vmem>> -> memref<1x125xi32, #tpu.memory_space<vmem>>
      %dma_start3A_475 = tpu.memref_squeeze %dma_start3A_474 : memref<1x125xi32, #tpu.memory_space<vmem>> -> memref<125xi32, #tpu.memory_space<vmem>>
      %dma_start3A_476 = arith.constant 0 : i32
      %dma_start3A_477 = arith.constant 0 : i32
      %dma_start3A_478 = tpu.memref_slice %arg2[%dma_start3A_476, %dma_start3A_477] : memref<10000x64xf32, #tpu.memory_space<hbm>> -> memref<10000x64xf32, #tpu.memory_space<hbm>>
      tpu.enqueue_indirect_dma source(%dma_start3A_478 : memref<10000x64xf32, #tpu.memory_space<hbm>>) target(%arg12 : memref<125x64xf32, #tpu.memory_space<vmem>>) offsets(%dma_start3A_475 : memref<125xi32, #tpu.memory_space<vmem>>) semaphore(%arg21 : memref<!tpu.dma_semaphore, #tpu.memory_space<semaphore_mem>>)
      %add3A_479 = arith.constant 4 : i32
      %add3A_480 = arith.addi %add3A_278, %add3A_479 : i32
      %dma_wait3A_481 = arith.constant 0 : i32
      %dma_wait3A_482 = tpu.memref_slice %arg8[%add3A_480, %dma_wait3A_481] : memref<80x125xi32, #tpu.memory_space<vmem>> -> memref<1x125xi32, #tpu.memory_space<vmem>>
      %dma_wait3A_483 = tpu.memref_squeeze %dma_wait3A_482 : memref<1x125xi32, #tpu.memory_space<vmem>> -> memref<125xi32, #tpu.memory_space<vmem>>
      %dma_wait3A_484 = arith.constant 0 : i32
      %dma_wait3A_485 = arith.constant 0 : i32
      %dma_wait3A_486 = tpu.memref_slice %arg17[%dma_wait3A_484, %dma_wait3A_485] : memref<10000x64xf32, #tpu.memory_space<vmem_shared>> -> memref<10000x64xf32, #tpu.memory_space<vmem_shared>>
      tpu.wait_indirect_dma semaphore(%arg30 : memref<!tpu.dma_semaphore, #tpu.memory_space<semaphore_mem>>) src(%arg13 : memref<125x64xf32, #tpu.memory_space<vmem>>) dst(%dma_wait3A_486 : memref<10000x64xf32, #tpu.memory_space<vmem_shared>>)
      %add3A_487 = arith.constant 4 : i32
      %add3A_488 = arith.addi %add3A_278, %add3A_487 : i32
      %add3A_489 = arith.constant 8 : i32
      %add3A_490 = arith.addi %add3A_488, %add3A_489 : i32
      %dma_start3A_491 = arith.constant 0 : i32
      %dma_start3A_492 = tpu.memref_slice %arg7[%add3A_490, %dma_start3A_491] : memref<80x125xi32, #tpu.memory_space<vmem>> -> memref<1x125xi32, #tpu.memory_space<vmem>>
      %dma_start3A_493 = tpu.memref_squeeze %dma_start3A_492 : memref<1x125xi32, #tpu.memory_space<vmem>> -> memref<125xi32, #tpu.memory_space<vmem>>
      %dma_start3A_494 = arith.constant 0 : i32
      %dma_start3A_495 = arith.constant 0 : i32
      %dma_start3A_496 = tpu.memref_slice %arg2[%dma_start3A_494, %dma_start3A_495] : memref<10000x64xf32, #tpu.memory_space<hbm>> -> memref<10000x64xf32, #tpu.memory_space<hbm>>
      tpu.enqueue_indirect_dma source(%dma_start3A_496 : memref<10000x64xf32, #tpu.memory_space<hbm>>) target(%arg13 : memref<125x64xf32, #tpu.memory_space<vmem>>) offsets(%dma_start3A_493 : memref<125xi32, #tpu.memory_space<vmem>>) semaphore(%arg22 : memref<!tpu.dma_semaphore, #tpu.memory_space<semaphore_mem>>)
      %add3A_497 = arith.constant 5 : i32
      %add3A_498 = arith.addi %add3A_278, %add3A_497 : i32
      %dma_wait3A_499 = arith.constant 0 : i32
      %dma_wait3A_500 = tpu.memref_slice %arg8[%add3A_498, %dma_wait3A_499] : memref<80x125xi32, #tpu.memory_space<vmem>> -> memref<1x125xi32, #tpu.memory_space<vmem>>
      %dma_wait3A_501 = tpu.memref_squeeze %dma_wait3A_500 : memref<1x125xi32, #tpu.memory_space<vmem>> -> memref<125xi32, #tpu.memory_space<vmem>>
      %dma_wait3A_502 = arith.constant 0 : i32
      %dma_wait3A_503 = arith.constant 0 : i32
      %dma_wait3A_504 = tpu.memref_slice %arg17[%dma_wait3A_502, %dma_wait3A_503] : memref<10000x64xf32, #tpu.memory_space<vmem_shared>> -> memref<10000x64xf32, #tpu.memory_space<vmem_shared>>
      tpu.wait_indirect_dma semaphore(%arg31 : memref<!tpu.dma_semaphore, #tpu.memory_space<semaphore_mem>>) src(%arg14 : memref<125x64xf32, #tpu.memory_space<vmem>>) dst(%dma_wait3A_504 : memref<10000x64xf32, #tpu.memory_space<vmem_shared>>)
      %add3A_505 = arith.constant 5 : i32
      %add3A_506 = arith.addi %add3A_278, %add3A_505 : i32
      %add3A_507 = arith.constant 8 : i32
      %add3A_508 = arith.addi %add3A_506, %add3A_507 : i32
      %dma_start3A_509 = arith.constant 0 : i32
      %dma_start3A_510 = tpu.memref_slice %arg7[%add3A_508, %dma_start3A_509] : memref<80x125xi32, #tpu.memory_space<vmem>> -> memref<1x125xi32, #tpu.memory_space<vmem>>
      %dma_start3A_511 = tpu.memref_squeeze %dma_start3A_510 : memref<1x125xi32, #tpu.memory_space<vmem>> -> memref<125xi32, #tpu.memory_space<vmem>>
      %dma_start3A_512 = arith.constant 0 : i32
      %dma_start3A_513 = arith.constant 0 : i32
      %dma_start3A_514 = tpu.memref_slice %arg2[%dma_start3A_512, %dma_start3A_513] : memref<10000x64xf32, #tpu.memory_space<hbm>> -> memref<10000x64xf32, #tpu.memory_space<hbm>>
      tpu.enqueue_indirect_dma source(%dma_start3A_514 : memref<10000x64xf32, #tpu.memory_space<hbm>>) target(%arg14 : memref<125x64xf32, #tpu.memory_space<vmem>>) offsets(%dma_start3A_511 : memref<125xi32, #tpu.memory_space<vmem>>) semaphore(%arg23 : memref<!tpu.dma_semaphore, #tpu.memory_space<semaphore_mem>>)
      %add3A_515 = arith.constant 6 : i32
      %add3A_516 = arith.addi %add3A_278, %add3A_515 : i32
      %dma_wait3A_517 = arith.constant 0 : i32
      %dma_wait3A_518 = tpu.memref_slice %arg8[%add3A_516, %dma_wait3A_517] : memref<80x125xi32, #tpu.memory_space<vmem>> -> memref<1x125xi32, #tpu.memory_space<vmem>>
      %dma_wait3A_519 = tpu.memref_squeeze %dma_wait3A_518 : memref<1x125xi32, #tpu.memory_space<vmem>> -> memref<125xi32, #tpu.memory_space<vmem>>
      %dma_wait3A_520 = arith.constant 0 : i32
      %dma_wait3A_521 = arith.constant 0 : i32
      %dma_wait3A_522 = tpu.memref_slice %arg17[%dma_wait3A_520, %dma_wait3A_521] : memref<10000x64xf32, #tpu.memory_space<vmem_shared>> -> memref<10000x64xf32, #tpu.memory_space<vmem_shared>>
      tpu.wait_indirect_dma semaphore(%arg32 : memref<!tpu.dma_semaphore, #tpu.memory_space<semaphore_mem>>) src(%arg15 : memref<125x64xf32, #tpu.memory_space<vmem>>) dst(%dma_wait3A_522 : memref<10000x64xf32, #tpu.memory_space<vmem_shared>>)
      %add3A_523 = arith.constant 6 : i32
      %add3A_524 = arith.addi %add3A_278, %add3A_523 : i32
      %add3A_525 = arith.constant 8 : i32
      %add3A_526 = arith.addi %add3A_524, %add3A_525 : i32
      %dma_start3A_527 = arith.constant 0 : i32
      %dma_start3A_528 = tpu.memref_slice %arg7[%add3A_526, %dma_start3A_527] : memref<80x125xi32, #tpu.memory_space<vmem>> -> memref<1x125xi32, #tpu.memory_space<vmem>>
      %dma_start3A_529 = tpu.memref_squeeze %dma_start3A_528 : memref<1x125xi32, #tpu.memory_space<vmem>> -> memref<125xi32, #tpu.memory_space<vmem>>
      %dma_start3A_530 = arith.constant 0 : i32
      %dma_start3A_531 = arith.constant 0 : i32
      %dma_start3A_532 = tpu.memref_slice %arg2[%dma_start3A_530, %dma_start3A_531] : memref<10000x64xf32, #tpu.memory_space<hbm>> -> memref<10000x64xf32, #tpu.memory_space<hbm>>
      tpu.enqueue_indirect_dma source(%dma_start3A_532 : memref<10000x64xf32, #tpu.memory_space<hbm>>) target(%arg15 : memref<125x64xf32, #tpu.memory_space<vmem>>) offsets(%dma_start3A_529 : memref<125xi32, #tpu.memory_space<vmem>>) semaphore(%arg24 : memref<!tpu.dma_semaphore, #tpu.memory_space<semaphore_mem>>)
      %add3A_533 = arith.constant 7 : i32
      %add3A_534 = arith.addi %add3A_278, %add3A_533 : i32
      %dma_wait3A_535 = arith.constant 0 : i32
      %dma_wait3A_536 = tpu.memref_slice %arg8[%add3A_534, %dma_wait3A_535] : memref<80x125xi32, #tpu.memory_space<vmem>> -> memref<1x125xi32, #tpu.memory_space<vmem>>
      %dma_wait3A_537 = tpu.memref_squeeze %dma_wait3A_536 : memref<1x125xi32, #tpu.memory_space<vmem>> -> memref<125xi32, #tpu.memory_space<vmem>>
      %dma_wait3A_538 = arith.constant 0 : i32
      %dma_wait3A_539 = arith.constant 0 : i32
      %dma_wait3A_540 = tpu.memref_slice %arg17[%dma_wait3A_538, %dma_wait3A_539] : memref<10000x64xf32, #tpu.memory_space<vmem_shared>> -> memref<10000x64xf32, #tpu.memory_space<vmem_shared>>
      tpu.wait_indirect_dma semaphore(%arg33 : memref<!tpu.dma_semaphore, #tpu.memory_space<semaphore_mem>>) src(%arg16 : memref<125x64xf32, #tpu.memory_space<vmem>>) dst(%dma_wait3A_540 : memref<10000x64xf32, #tpu.memory_space<vmem_shared>>)
      %add3A_541 = arith.constant 7 : i32
      %add3A_542 = arith.addi %add3A_278, %add3A_541 : i32
      %add3A_543 = arith.constant 8 : i32
      %add3A_544 = arith.addi %add3A_542, %add3A_543 : i32
      %dma_start3A_545 = arith.constant 0 : i32
      %dma_start3A_546 = tpu.memref_slice %arg7[%add3A_544, %dma_start3A_545] : memref<80x125xi32, #tpu.memory_space<vmem>> -> memref<1x125xi32, #tpu.memory_space<vmem>>
      %dma_start3A_547 = tpu.memref_squeeze %dma_start3A_546 : memref<1x125xi32, #tpu.memory_space<vmem>> -> memref<125xi32, #tpu.memory_space<vmem>>
      %dma_start3A_548 = arith.constant 0 : i32
      %dma_start3A_549 = arith.constant 0 : i32
      %dma_start3A_550 = tpu.memref_slice %arg2[%dma_start3A_548, %dma_start3A_549] : memref<10000x64xf32, #tpu.memory_space<hbm>> -> memref<10000x64xf32, #tpu.memory_space<hbm>>
      tpu.enqueue_indirect_dma source(%dma_start3A_550 : memref<10000x64xf32, #tpu.memory_space<hbm>>) target(%arg16 : memref<125x64xf32, #tpu.memory_space<vmem>>) offsets(%dma_start3A_547 : memref<125xi32, #tpu.memory_space<vmem>>) semaphore(%arg25 : memref<!tpu.dma_semaphore, #tpu.memory_space<semaphore_mem>>)
    }
    %scan3A_85 = arith.constant 9 : i32
    %dma_wait3A_86 = arith.constant 72 : i32
    %dma_wait3A_87 = arith.constant 0 : i32
    %dma_wait3A_88 = tpu.memref_slice %arg7[%dma_wait3A_86, %dma_wait3A_87] : memref<80x125xi32, #tpu.memory_space<vmem>> -> memref<1x125xi32, #tpu.memory_space<vmem>>
    %dma_wait3A_89 = tpu.memref_squeeze %dma_wait3A_88 : memref<1x125xi32, #tpu.memory_space<vmem>> -> memref<125xi32, #tpu.memory_space<vmem>>
    %dma_wait3A_90 = arith.constant 0 : i32
    %dma_wait3A_91 = arith.constant 0 : i32
    %dma_wait3A_92 = tpu.memref_slice %arg2[%dma_wait3A_90, %dma_wait3A_91] : memref<10000x64xf32, #tpu.memory_space<hbm>> -> memref<10000x64xf32, #tpu.memory_space<hbm>>
    tpu.wait_indirect_dma semaphore(%arg18 : memref<!tpu.dma_semaphore, #tpu.memory_space<semaphore_mem>>) src(%dma_wait3A_92 : memref<10000x64xf32, #tpu.memory_space<hbm>>) dst(%arg9 : memref<125x64xf32, #tpu.memory_space<vmem>>)
    %dma_start3A_93 = arith.constant 72 : i32
    %dma_start3A_94 = arith.constant 0 : i32
    %dma_start3A_95 = tpu.memref_slice %arg8[%dma_start3A_93, %dma_start3A_94] : memref<80x125xi32, #tpu.memory_space<vmem>> -> memref<1x125xi32, #tpu.memory_space<vmem>>
    %dma_start3A_96 = tpu.memref_squeeze %dma_start3A_95 : memref<1x125xi32, #tpu.memory_space<vmem>> -> memref<125xi32, #tpu.memory_space<vmem>>
    %dma_start3A_97 = arith.constant 0 : i32
    %dma_start3A_98 = arith.constant 0 : i32
    %dma_start3A_99 = tpu.memref_slice %arg17[%dma_start3A_97, %dma_start3A_98] : memref<10000x64xf32, #tpu.memory_space<vmem_shared>> -> memref<10000x64xf32, #tpu.memory_space<vmem_shared>>
    tpu.enqueue_indirect_dma source(%arg9 : memref<125x64xf32, #tpu.memory_space<vmem>>) target(%dma_start3A_99 : memref<10000x64xf32, #tpu.memory_space<vmem_shared>>) offsets(%dma_start3A_96 : memref<125xi32, #tpu.memory_space<vmem>>) semaphore(%arg26 : memref<!tpu.dma_semaphore, #tpu.memory_space<semaphore_mem>>) {add = true}
    %dma_wait3A_100 = arith.constant 73 : i32
    %dma_wait3A_101 = arith.constant 0 : i32
    %dma_wait3A_102 = tpu.memref_slice %arg7[%dma_wait3A_100, %dma_wait3A_101] : memref<80x125xi32, #tpu.memory_space<vmem>> -> memref<1x125xi32, #tpu.memory_space<vmem>>
    %dma_wait3A_103 = tpu.memref_squeeze %dma_wait3A_102 : memref<1x125xi32, #tpu.memory_space<vmem>> -> memref<125xi32, #tpu.memory_space<vmem>>
    %dma_wait3A_104 = arith.constant 0 : i32
    %dma_wait3A_105 = arith.constant 0 : i32
    %dma_wait3A_106 = tpu.memref_slice %arg2[%dma_wait3A_104, %dma_wait3A_105] : memref<10000x64xf32, #tpu.memory_space<hbm>> -> memref<10000x64xf32, #tpu.memory_space<hbm>>
    tpu.wait_indirect_dma semaphore(%arg19 : memref<!tpu.dma_semaphore, #tpu.memory_space<semaphore_mem>>) src(%dma_wait3A_106 : memref<10000x64xf32, #tpu.memory_space<hbm>>) dst(%arg10 : memref<125x64xf32, #tpu.memory_space<vmem>>)
    %dma_start3A_107 = arith.constant 73 : i32
    %dma_start3A_108 = arith.constant 0 : i32
    %dma_start3A_109 = tpu.memref_slice %arg8[%dma_start3A_107, %dma_start3A_108] : memref<80x125xi32, #tpu.memory_space<vmem>> -> memref<1x125xi32, #tpu.memory_space<vmem>>
    %dma_start3A_110 = tpu.memref_squeeze %dma_start3A_109 : memref<1x125xi32, #tpu.memory_space<vmem>> -> memref<125xi32, #tpu.memory_space<vmem>>
    %dma_start3A_111 = arith.constant 0 : i32
    %dma_start3A_112 = arith.constant 0 : i32
    %dma_start3A_113 = tpu.memref_slice %arg17[%dma_start3A_111, %dma_start3A_112] : memref<10000x64xf32, #tpu.memory_space<vmem_shared>> -> memref<10000x64xf32, #tpu.memory_space<vmem_shared>>
    tpu.enqueue_indirect_dma source(%arg10 : memref<125x64xf32, #tpu.memory_space<vmem>>) target(%dma_start3A_113 : memref<10000x64xf32, #tpu.memory_space<vmem_shared>>) offsets(%dma_start3A_110 : memref<125xi32, #tpu.memory_space<vmem>>) semaphore(%arg27 : memref<!tpu.dma_semaphore, #tpu.memory_space<semaphore_mem>>) {add = true}
    %dma_wait3A_114 = arith.constant 74 : i32
    %dma_wait3A_115 = arith.constant 0 : i32
    %dma_wait3A_116 = tpu.memref_slice %arg7[%dma_wait3A_114, %dma_wait3A_115] : memref<80x125xi32, #tpu.memory_space<vmem>> -> memref<1x125xi32, #tpu.memory_space<vmem>>
    %dma_wait3A_117 = tpu.memref_squeeze %dma_wait3A_116 : memref<1x125xi32, #tpu.memory_space<vmem>> -> memref<125xi32, #tpu.memory_space<vmem>>
    %dma_wait3A_118 = arith.constant 0 : i32
    %dma_wait3A_119 = arith.constant 0 : i32
    %dma_wait3A_120 = tpu.memref_slice %arg2[%dma_wait3A_118, %dma_wait3A_119] : memref<10000x64xf32, #tpu.memory_space<hbm>> -> memref<10000x64xf32, #tpu.memory_space<hbm>>
    tpu.wait_indirect_dma semaphore(%arg20 : memref<!tpu.dma_semaphore, #tpu.memory_space<semaphore_mem>>) src(%dma_wait3A_120 : memref<10000x64xf32, #tpu.memory_space<hbm>>) dst(%arg11 : memref<125x64xf32, #tpu.memory_space<vmem>>)
    %dma_start3A_121 = arith.constant 74 : i32
    %dma_start3A_122 = arith.constant 0 : i32
    %dma_start3A_123 = tpu.memref_slice %arg8[%dma_start3A_121, %dma_start3A_122] : memref<80x125xi32, #tpu.memory_space<vmem>> -> memref<1x125xi32, #tpu.memory_space<vmem>>
    %dma_start3A_124 = tpu.memref_squeeze %dma_start3A_123 : memref<1x125xi32, #tpu.memory_space<vmem>> -> memref<125xi32, #tpu.memory_space<vmem>>
    %dma_start3A_125 = arith.constant 0 : i32
    %dma_start3A_126 = arith.constant 0 : i32
    %dma_start3A_127 = tpu.memref_slice %arg17[%dma_start3A_125, %dma_start3A_126] : memref<10000x64xf32, #tpu.memory_space<vmem_shared>> -> memref<10000x64xf32, #tpu.memory_space<vmem_shared>>
    tpu.enqueue_indirect_dma source(%arg11 : memref<125x64xf32, #tpu.memory_space<vmem>>) target(%dma_start3A_127 : memref<10000x64xf32, #tpu.memory_space<vmem_shared>>) offsets(%dma_start3A_124 : memref<125xi32, #tpu.memory_space<vmem>>) semaphore(%arg28 : memref<!tpu.dma_semaphore, #tpu.memory_space<semaphore_mem>>) {add = true}
    %dma_wait3A_128 = arith.constant 75 : i32
    %dma_wait3A_129 = arith.constant 0 : i32
    %dma_wait3A_130 = tpu.memref_slice %arg7[%dma_wait3A_128, %dma_wait3A_129] : memref<80x125xi32, #tpu.memory_space<vmem>> -> memref<1x125xi32, #tpu.memory_space<vmem>>
    %dma_wait3A_131 = tpu.memref_squeeze %dma_wait3A_130 : memref<1x125xi32, #tpu.memory_space<vmem>> -> memref<125xi32, #tpu.memory_space<vmem>>
    %dma_wait3A_132 = arith.constant 0 : i32
    %dma_wait3A_133 = arith.constant 0 : i32
    %dma_wait3A_134 = tpu.memref_slice %arg2[%dma_wait3A_132, %dma_wait3A_133] : memref<10000x64xf32, #tpu.memory_space<hbm>> -> memref<10000x64xf32, #tpu.memory_space<hbm>>
    tpu.wait_indirect_dma semaphore(%arg21 : memref<!tpu.dma_semaphore, #tpu.memory_space<semaphore_mem>>) src(%dma_wait3A_134 : memref<10000x64xf32, #tpu.memory_space<hbm>>) dst(%arg12 : memref<125x64xf32, #tpu.memory_space<vmem>>)
    %dma_start3A_135 = arith.constant 75 : i32
    %dma_start3A_136 = arith.constant 0 : i32
    %dma_start3A_137 = tpu.memref_slice %arg8[%dma_start3A_135, %dma_start3A_136] : memref<80x125xi32, #tpu.memory_space<vmem>> -> memref<1x125xi32, #tpu.memory_space<vmem>>
    %dma_start3A_138 = tpu.memref_squeeze %dma_start3A_137 : memref<1x125xi32, #tpu.memory_space<vmem>> -> memref<125xi32, #tpu.memory_space<vmem>>
    %dma_start3A_139 = arith.constant 0 : i32
    %dma_start3A_140 = arith.constant 0 : i32
    %dma_start3A_141 = tpu.memref_slice %arg17[%dma_start3A_139, %dma_start3A_140] : memref<10000x64xf32, #tpu.memory_space<vmem_shared>> -> memref<10000x64xf32, #tpu.memory_space<vmem_shared>>
    tpu.enqueue_indirect_dma source(%arg12 : memref<125x64xf32, #tpu.memory_space<vmem>>) target(%dma_start3A_141 : memref<10000x64xf32, #tpu.memory_space<vmem_shared>>) offsets(%dma_start3A_138 : memref<125xi32, #tpu.memory_space<vmem>>) semaphore(%arg29 : memref<!tpu.dma_semaphore, #tpu.memory_space<semaphore_mem>>) {add = true}
    %dma_wait3A_142 = arith.constant 76 : i32
    %dma_wait3A_143 = arith.constant 0 : i32
    %dma_wait3A_144 = tpu.memref_slice %arg7[%dma_wait3A_142, %dma_wait3A_143] : memref<80x125xi32, #tpu.memory_space<vmem>> -> memref<1x125xi32, #tpu.memory_space<vmem>>
    %dma_wait3A_145 = tpu.memref_squeeze %dma_wait3A_144 : memref<1x125xi32, #tpu.memory_space<vmem>> -> memref<125xi32, #tpu.memory_space<vmem>>
    %dma_wait3A_146 = arith.constant 0 : i32
    %dma_wait3A_147 = arith.constant 0 : i32
    %dma_wait3A_148 = tpu.memref_slice %arg2[%dma_wait3A_146, %dma_wait3A_147] : memref<10000x64xf32, #tpu.memory_space<hbm>> -> memref<10000x64xf32, #tpu.memory_space<hbm>>
    tpu.wait_indirect_dma semaphore(%arg22 : memref<!tpu.dma_semaphore, #tpu.memory_space<semaphore_mem>>) src(%dma_wait3A_148 : memref<10000x64xf32, #tpu.memory_space<hbm>>) dst(%arg13 : memref<125x64xf32, #tpu.memory_space<vmem>>)
    %dma_start3A_149 = arith.constant 76 : i32
    %dma_start3A_150 = arith.constant 0 : i32
    %dma_start3A_151 = tpu.memref_slice %arg8[%dma_start3A_149, %dma_start3A_150] : memref<80x125xi32, #tpu.memory_space<vmem>> -> memref<1x125xi32, #tpu.memory_space<vmem>>
    %dma_start3A_152 = tpu.memref_squeeze %dma_start3A_151 : memref<1x125xi32, #tpu.memory_space<vmem>> -> memref<125xi32, #tpu.memory_space<vmem>>
    %dma_start3A_153 = arith.constant 0 : i32
    %dma_start3A_154 = arith.constant 0 : i32
    %dma_start3A_155 = tpu.memref_slice %arg17[%dma_start3A_153, %dma_start3A_154] : memref<10000x64xf32, #tpu.memory_space<vmem_shared>> -> memref<10000x64xf32, #tpu.memory_space<vmem_shared>>
    tpu.enqueue_indirect_dma source(%arg13 : memref<125x64xf32, #tpu.memory_space<vmem>>) target(%dma_start3A_155 : memref<10000x64xf32, #tpu.memory_space<vmem_shared>>) offsets(%dma_start3A_152 : memref<125xi32, #tpu.memory_space<vmem>>) semaphore(%arg30 : memref<!tpu.dma_semaphore, #tpu.memory_space<semaphore_mem>>) {add = true}
    %dma_wait3A_156 = arith.constant 77 : i32
    %dma_wait3A_157 = arith.constant 0 : i32
    %dma_wait3A_158 = tpu.memref_slice %arg7[%dma_wait3A_156, %dma_wait3A_157] : memref<80x125xi32, #tpu.memory_space<vmem>> -> memref<1x125xi32, #tpu.memory_space<vmem>>
    %dma_wait3A_159 = tpu.memref_squeeze %dma_wait3A_158 : memref<1x125xi32, #tpu.memory_space<vmem>> -> memref<125xi32, #tpu.memory_space<vmem>>
    %dma_wait3A_160 = arith.constant 0 : i32
    %dma_wait3A_161 = arith.constant 0 : i32
    %dma_wait3A_162 = tpu.memref_slice %arg2[%dma_wait3A_160, %dma_wait3A_161] : memref<10000x64xf32, #tpu.memory_space<hbm>> -> memref<10000x64xf32, #tpu.memory_space<hbm>>
    tpu.wait_indirect_dma semaphore(%arg23 : memref<!tpu.dma_semaphore, #tpu.memory_space<semaphore_mem>>) src(%dma_wait3A_162 : memref<10000x64xf32, #tpu.memory_space<hbm>>) dst(%arg14 : memref<125x64xf32, #tpu.memory_space<vmem>>)
    %dma_start3A_163 = arith.constant 77 : i32
    %dma_start3A_164 = arith.constant 0 : i32
    %dma_start3A_165 = tpu.memref_slice %arg8[%dma_start3A_163, %dma_start3A_164] : memref<80x125xi32, #tpu.memory_space<vmem>> -> memref<1x125xi32, #tpu.memory_space<vmem>>
    %dma_start3A_166 = tpu.memref_squeeze %dma_start3A_165 : memref<1x125xi32, #tpu.memory_space<vmem>> -> memref<125xi32, #tpu.memory_space<vmem>>
    %dma_start3A_167 = arith.constant 0 : i32
    %dma_start3A_168 = arith.constant 0 : i32
    %dma_start3A_169 = tpu.memref_slice %arg17[%dma_start3A_167, %dma_start3A_168] : memref<10000x64xf32, #tpu.memory_space<vmem_shared>> -> memref<10000x64xf32, #tpu.memory_space<vmem_shared>>
    tpu.enqueue_indirect_dma source(%arg14 : memref<125x64xf32, #tpu.memory_space<vmem>>) target(%dma_start3A_169 : memref<10000x64xf32, #tpu.memory_space<vmem_shared>>) offsets(%dma_start3A_166 : memref<125xi32, #tpu.memory_space<vmem>>) semaphore(%arg31 : memref<!tpu.dma_semaphore, #tpu.memory_space<semaphore_mem>>) {add = true}
    %dma_wait3A_170 = arith.constant 78 : i32
    %dma_wait3A_171 = arith.constant 0 : i32
    %dma_wait3A_172 = tpu.memref_slice %arg7[%dma_wait3A_170, %dma_wait3A_171] : memref<80x125xi32, #tpu.memory_space<vmem>> -> memref<1x125xi32, #tpu.memory_space<vmem>>
    %dma_wait3A_173 = tpu.memref_squeeze %dma_wait3A_172 : memref<1x125xi32, #tpu.memory_space<vmem>> -> memref<125xi32, #tpu.memory_space<vmem>>
    %dma_wait3A_174 = arith.constant 0 : i32
    %dma_wait3A_175 = arith.constant 0 : i32
    %dma_wait3A_176 = tpu.memref_slice %arg2[%dma_wait3A_174, %dma_wait3A_175] : memref<10000x64xf32, #tpu.memory_space<hbm>> -> memref<10000x64xf32, #tpu.memory_space<hbm>>
    tpu.wait_indirect_dma semaphore(%arg24 : memref<!tpu.dma_semaphore, #tpu.memory_space<semaphore_mem>>) src(%dma_wait3A_176 : memref<10000x64xf32, #tpu.memory_space<hbm>>) dst(%arg15 : memref<125x64xf32, #tpu.memory_space<vmem>>)
    %dma_start3A_177 = arith.constant 78 : i32
    %dma_start3A_178 = arith.constant 0 : i32
    %dma_start3A_179 = tpu.memref_slice %arg8[%dma_start3A_177, %dma_start3A_178] : memref<80x125xi32, #tpu.memory_space<vmem>> -> memref<1x125xi32, #tpu.memory_space<vmem>>
    %dma_start3A_180 = tpu.memref_squeeze %dma_start3A_179 : memref<1x125xi32, #tpu.memory_space<vmem>> -> memref<125xi32, #tpu.memory_space<vmem>>
    %dma_start3A_181 = arith.constant 0 : i32
    %dma_start3A_182 = arith.constant 0 : i32
    %dma_start3A_183 = tpu.memref_slice %arg17[%dma_start3A_181, %dma_start3A_182] : memref<10000x64xf32, #tpu.memory_space<vmem_shared>> -> memref<10000x64xf32, #tpu.memory_space<vmem_shared>>
    tpu.enqueue_indirect_dma source(%arg15 : memref<125x64xf32, #tpu.memory_space<vmem>>) target(%dma_start3A_183 : memref<10000x64xf32, #tpu.memory_space<vmem_shared>>) offsets(%dma_start3A_180 : memref<125xi32, #tpu.memory_space<vmem>>) semaphore(%arg32 : memref<!tpu.dma_semaphore, #tpu.memory_space<semaphore_mem>>) {add = true}
    %dma_wait3A_184 = arith.constant 79 : i32
    %dma_wait3A_185 = arith.constant 0 : i32
    %dma_wait3A_186 = tpu.memref_slice %arg7[%dma_wait3A_184, %dma_wait3A_185] : memref<80x125xi32, #tpu.memory_space<vmem>> -> memref<1x125xi32, #tpu.memory_space<vmem>>
    %dma_wait3A_187 = tpu.memref_squeeze %dma_wait3A_186 : memref<1x125xi32, #tpu.memory_space<vmem>> -> memref<125xi32, #tpu.memory_space<vmem>>
    %dma_wait3A_188 = arith.constant 0 : i32
    %dma_wait3A_189 = arith.constant 0 : i32
    %dma_wait3A_190 = tpu.memref_slice %arg2[%dma_wait3A_188, %dma_wait3A_189] : memref<10000x64xf32, #tpu.memory_space<hbm>> -> memref<10000x64xf32, #tpu.memory_space<hbm>>
    tpu.wait_indirect_dma semaphore(%arg25 : memref<!tpu.dma_semaphore, #tpu.memory_space<semaphore_mem>>) src(%dma_wait3A_190 : memref<10000x64xf32, #tpu.memory_space<hbm>>) dst(%arg16 : memref<125x64xf32, #tpu.memory_space<vmem>>)
    %dma_start3A_191 = arith.constant 79 : i32
    %dma_start3A_192 = arith.constant 0 : i32
    %dma_start3A_193 = tpu.memref_slice %arg8[%dma_start3A_191, %dma_start3A_192] : memref<80x125xi32, #tpu.memory_space<vmem>> -> memref<1x125xi32, #tpu.memory_space<vmem>>
    %dma_start3A_194 = tpu.memref_squeeze %dma_start3A_193 : memref<1x125xi32, #tpu.memory_space<vmem>> -> memref<125xi32, #tpu.memory_space<vmem>>
    %dma_start3A_195 = arith.constant 0 : i32
    %dma_start3A_196 = arith.constant 0 : i32
    %dma_start3A_197 = tpu.memref_slice %arg17[%dma_start3A_195, %dma_start3A_196] : memref<10000x64xf32, #tpu.memory_space<vmem_shared>> -> memref<10000x64xf32, #tpu.memory_space<vmem_shared>>
    tpu.enqueue_indirect_dma source(%arg16 : memref<125x64xf32, #tpu.memory_space<vmem>>) target(%dma_start3A_197 : memref<10000x64xf32, #tpu.memory_space<vmem_shared>>) offsets(%dma_start3A_194 : memref<125xi32, #tpu.memory_space<vmem>>) semaphore(%arg33 : memref<!tpu.dma_semaphore, #tpu.memory_space<semaphore_mem>>) {add = true}
    %dma_wait3A_198 = arith.constant 72 : i32
    %dma_wait3A_199 = arith.constant 0 : i32
    %dma_wait3A_200 = tpu.memref_slice %arg8[%dma_wait3A_198, %dma_wait3A_199] : memref<80x125xi32, #tpu.memory_space<vmem>> -> memref<1x125xi32, #tpu.memory_space<vmem>>
    %dma_wait3A_201 = tpu.memref_squeeze %dma_wait3A_200 : memref<1x125xi32, #tpu.memory_space<vmem>> -> memref<125xi32, #tpu.memory_space<vmem>>
    %dma_wait3A_202 = arith.constant 0 : i32
    %dma_wait3A_203 = arith.constant 0 : i32
    %dma_wait3A_204 = tpu.memref_slice %arg17[%dma_wait3A_202, %dma_wait3A_203] : memref<10000x64xf32, #tpu.memory_space<vmem_shared>> -> memref<10000x64xf32, #tpu.memory_space<vmem_shared>>
    tpu.wait_indirect_dma semaphore(%arg26 : memref<!tpu.dma_semaphore, #tpu.memory_space<semaphore_mem>>) src(%arg9 : memref<125x64xf32, #tpu.memory_space<vmem>>) dst(%dma_wait3A_204 : memref<10000x64xf32, #tpu.memory_space<vmem_shared>>)
    %dma_wait3A_205 = arith.constant 73 : i32
    %dma_wait3A_206 = arith.constant 0 : i32
    %dma_wait3A_207 = tpu.memref_slice %arg8[%dma_wait3A_205, %dma_wait3A_206] : memref<80x125xi32, #tpu.memory_space<vmem>> -> memref<1x125xi32, #tpu.memory_space<vmem>>
    %dma_wait3A_208 = tpu.memref_squeeze %dma_wait3A_207 : memref<1x125xi32, #tpu.memory_space<vmem>> -> memref<125xi32, #tpu.memory_space<vmem>>
    %dma_wait3A_209 = arith.constant 0 : i32
    %dma_wait3A_210 = arith.constant 0 : i32
    %dma_wait3A_211 = tpu.memref_slice %arg17[%dma_wait3A_209, %dma_wait3A_210] : memref<10000x64xf32, #tpu.memory_space<vmem_shared>> -> memref<10000x64xf32, #tpu.memory_space<vmem_shared>>
    tpu.wait_indirect_dma semaphore(%arg27 : memref<!tpu.dma_semaphore, #tpu.memory_space<semaphore_mem>>) src(%arg10 : memref<125x64xf32, #tpu.memory_space<vmem>>) dst(%dma_wait3A_211 : memref<10000x64xf32, #tpu.memory_space<vmem_shared>>)
    %dma_wait3A_212 = arith.constant 74 : i32
    %dma_wait3A_213 = arith.constant 0 : i32
    %dma_wait3A_214 = tpu.memref_slice %arg8[%dma_wait3A_212, %dma_wait3A_213] : memref<80x125xi32, #tpu.memory_space<vmem>> -> memref<1x125xi32, #tpu.memory_space<vmem>>
    %dma_wait3A_215 = tpu.memref_squeeze %dma_wait3A_214 : memref<1x125xi32, #tpu.memory_space<vmem>> -> memref<125xi32, #tpu.memory_space<vmem>>
    %dma_wait3A_216 = arith.constant 0 : i32
    %dma_wait3A_217 = arith.constant 0 : i32
    %dma_wait3A_218 = tpu.memref_slice %arg17[%dma_wait3A_216, %dma_wait3A_217] : memref<10000x64xf32, #tpu.memory_space<vmem_shared>> -> memref<10000x64xf32, #tpu.memory_space<vmem_shared>>
    tpu.wait_indirect_dma semaphore(%arg28 : memref<!tpu.dma_semaphore, #tpu.memory_space<semaphore_mem>>) src(%arg11 : memref<125x64xf32, #tpu.memory_space<vmem>>) dst(%dma_wait3A_218 : memref<10000x64xf32, #tpu.memory_space<vmem_shared>>)
    %dma_wait3A_219 = arith.constant 75 : i32
    %dma_wait3A_220 = arith.constant 0 : i32
    %dma_wait3A_221 = tpu.memref_slice %arg8[%dma_wait3A_219, %dma_wait3A_220] : memref<80x125xi32, #tpu.memory_space<vmem>> -> memref<1x125xi32, #tpu.memory_space<vmem>>
    %dma_wait3A_222 = tpu.memref_squeeze %dma_wait3A_221 : memref<1x125xi32, #tpu.memory_space<vmem>> -> memref<125xi32, #tpu.memory_space<vmem>>
    %dma_wait3A_223 = arith.constant 0 : i32
    %dma_wait3A_224 = arith.constant 0 : i32
    %dma_wait3A_225 = tpu.memref_slice %arg17[%dma_wait3A_223, %dma_wait3A_224] : memref<10000x64xf32, #tpu.memory_space<vmem_shared>> -> memref<10000x64xf32, #tpu.memory_space<vmem_shared>>
    tpu.wait_indirect_dma semaphore(%arg29 : memref<!tpu.dma_semaphore, #tpu.memory_space<semaphore_mem>>) src(%arg12 : memref<125x64xf32, #tpu.memory_space<vmem>>) dst(%dma_wait3A_225 : memref<10000x64xf32, #tpu.memory_space<vmem_shared>>)
    %dma_wait3A_226 = arith.constant 76 : i32
    %dma_wait3A_227 = arith.constant 0 : i32
    %dma_wait3A_228 = tpu.memref_slice %arg8[%dma_wait3A_226, %dma_wait3A_227] : memref<80x125xi32, #tpu.memory_space<vmem>> -> memref<1x125xi32, #tpu.memory_space<vmem>>
    %dma_wait3A_229 = tpu.memref_squeeze %dma_wait3A_228 : memref<1x125xi32, #tpu.memory_space<vmem>> -> memref<125xi32, #tpu.memory_space<vmem>>
    %dma_wait3A_230 = arith.constant 0 : i32
    %dma_wait3A_231 = arith.constant 0 : i32
    %dma_wait3A_232 = tpu.memref_slice %arg17[%dma_wait3A_230, %dma_wait3A_231] : memref<10000x64xf32, #tpu.memory_space<vmem_shared>> -> memref<10000x64xf32, #tpu.memory_space<vmem_shared>>
    tpu.wait_indirect_dma semaphore(%arg30 : memref<!tpu.dma_semaphore, #tpu.memory_space<semaphore_mem>>) src(%arg13 : memref<125x64xf32, #tpu.memory_space<vmem>>) dst(%dma_wait3A_232 : memref<10000x64xf32, #tpu.memory_space<vmem_shared>>)
    %dma_wait3A_233 = arith.constant 77 : i32
    %dma_wait3A_234 = arith.constant 0 : i32
    %dma_wait3A_235 = tpu.memref_slice %arg8[%dma_wait3A_233, %dma_wait3A_234] : memref<80x125xi32, #tpu.memory_space<vmem>> -> memref<1x125xi32, #tpu.memory_space<vmem>>
    %dma_wait3A_236 = tpu.memref_squeeze %dma_wait3A_235 : memref<1x125xi32, #tpu.memory_space<vmem>> -> memref<125xi32, #tpu.memory_space<vmem>>
    %dma_wait3A_237 = arith.constant 0 : i32
    %dma_wait3A_238 = arith.constant 0 : i32
    %dma_wait3A_239 = tpu.memref_slice %arg17[%dma_wait3A_237, %dma_wait3A_238] : memref<10000x64xf32, #tpu.memory_space<vmem_shared>> -> memref<10000x64xf32, #tpu.memory_space<vmem_shared>>
    tpu.wait_indirect_dma semaphore(%arg31 : memref<!tpu.dma_semaphore, #tpu.memory_space<semaphore_mem>>) src(%arg14 : memref<125x64xf32, #tpu.memory_space<vmem>>) dst(%dma_wait3A_239 : memref<10000x64xf32, #tpu.memory_space<vmem_shared>>)
    %dma_wait3A_240 = arith.constant 78 : i32
    %dma_wait3A_241 = arith.constant 0 : i32
    %dma_wait3A_242 = tpu.memref_slice %arg8[%dma_wait3A_240, %dma_wait3A_241] : memref<80x125xi32, #tpu.memory_space<vmem>> -> memref<1x125xi32, #tpu.memory_space<vmem>>
    %dma_wait3A_243 = tpu.memref_squeeze %dma_wait3A_242 : memref<1x125xi32, #tpu.memory_space<vmem>> -> memref<125xi32, #tpu.memory_space<vmem>>
    %dma_wait3A_244 = arith.constant 0 : i32
    %dma_wait3A_245 = arith.constant 0 : i32
    %dma_wait3A_246 = tpu.memref_slice %arg17[%dma_wait3A_244, %dma_wait3A_245] : memref<10000x64xf32, #tpu.memory_space<vmem_shared>> -> memref<10000x64xf32, #tpu.memory_space<vmem_shared>>
    tpu.wait_indirect_dma semaphore(%arg32 : memref<!tpu.dma_semaphore, #tpu.memory_space<semaphore_mem>>) src(%arg15 : memref<125x64xf32, #tpu.memory_space<vmem>>) dst(%dma_wait3A_246 : memref<10000x64xf32, #tpu.memory_space<vmem_shared>>)
    %dma_wait3A_247 = arith.constant 79 : i32
    %dma_wait3A_248 = arith.constant 0 : i32
    %dma_wait3A_249 = tpu.memref_slice %arg8[%dma_wait3A_247, %dma_wait3A_248] : memref<80x125xi32, #tpu.memory_space<vmem>> -> memref<1x125xi32, #tpu.memory_space<vmem>>
    %dma_wait3A_250 = tpu.memref_squeeze %dma_wait3A_249 : memref<1x125xi32, #tpu.memory_space<vmem>> -> memref<125xi32, #tpu.memory_space<vmem>>
    %dma_wait3A_251 = arith.constant 0 : i32
    %dma_wait3A_252 = arith.constant 0 : i32
    %dma_wait3A_253 = tpu.memref_slice %arg17[%dma_wait3A_251, %dma_wait3A_252] : memref<10000x64xf32, #tpu.memory_space<vmem_shared>> -> memref<10000x64xf32, #tpu.memory_space<vmem_shared>>
    tpu.wait_indirect_dma semaphore(%arg33 : memref<!tpu.dma_semaphore, #tpu.memory_space<semaphore_mem>>) src(%arg16 : memref<125x64xf32, #tpu.memory_space<vmem>>) dst(%dma_wait3A_253 : memref<10000x64xf32, #tpu.memory_space<vmem_shared>>)
    %barrier3A_254 = arith.constant 0 : index
    tpu.barrier barrier_id(%barrier3A_254)
    %mul3A_255 = arith.constant 632 : i32
    %mul3A_256 = arith.muli %arg1, %mul3A_255 : i32
    %multiple_of3A_257 = tpu.assume_multiple %mul3A_256, 8 : i32
    %mul3A_258 = arith.constant 10000 : i32
    %mul3A_259 = arith.muli %arg0, %mul3A_258 : i32
    %mul3A_260 = arith.constant 632 : i32
    %mul3A_261 = arith.muli %arg1, %mul3A_260 : i32
    %add3A_262 = arith.addi %mul3A_259, %mul3A_261 : i32
    %multiple_of3A_263 = tpu.assume_multiple %add3A_262, 8 : i32
    %lt3A_264 = arith.constant 15 : i32
    %lt3A_265 = arith.cmpi slt, %arg1, %lt3A_264 : i32
    %convert_element_type3A_266 = arith.extui %lt3A_265 : i1 to i32
    %cond3A_267 = arith.constant 0 : i32
    %cond3A_268 = arith.cmpi ne, %convert_element_type3A_266, %cond3A_267 : i32
    scf.if %cond3A_268 {
      "tpu.region"() ({
        %run_scoped3A = tpu.sem_alloc : memref<!tpu.dma_semaphore, #tpu.memory_space<semaphore_mem>>
        %dma_start3A_274 = arith.constant 0 : i32
        %dma_start3A_275 = tpu.memref_slice %arg6[%multiple_of3A_263, %dma_start3A_274] : memref<20000x64xf32, #tpu.memory_space<hbm>> -> memref<632x64xf32, #tpu.memory_space<hbm>>
        %dma_start3A_276 = arith.constant 0 : i32
        %dma_start3A_277 = tpu.memref_slice %arg17[%multiple_of3A_257, %dma_start3A_276] : memref<10000x64xf32, #tpu.memory_space<vmem_shared>> -> memref<632x64xf32, #tpu.memory_space<vmem_shared>>
        tpu.enqueue_dma source(%dma_start3A_277 : memref<632x64xf32, #tpu.memory_space<vmem_shared>>) target(%dma_start3A_275 : memref<632x64xf32, #tpu.memory_space<hbm>>) target_semaphore(%run_scoped3A : memref<!tpu.dma_semaphore, #tpu.memory_space<semaphore_mem>>)
        %dma_wait3A_278 = arith.constant 0 : i32
        %dma_wait3A_279 = tpu.memref_slice %arg6[%multiple_of3A_263, %dma_wait3A_278] : memref<20000x64xf32, #tpu.memory_space<hbm>> -> memref<632x64xf32, #tpu.memory_space<hbm>>
        %dma_wait3A_280 = arith.constant 0 : i32
        %dma_wait3A_281 = tpu.memref_slice %arg17[%multiple_of3A_257, %dma_wait3A_280] : memref<10000x64xf32, #tpu.memory_space<vmem_shared>> -> memref<632x64xf32, #tpu.memory_space<vmem_shared>>
        tpu.wait_dma2 semaphore(%run_scoped3A : memref<!tpu.dma_semaphore, #tpu.memory_space<semaphore_mem>>) src(%dma_wait3A_281 : memref<632x64xf32, #tpu.memory_space<vmem_shared>>) dst(%dma_wait3A_279 : memref<632x64xf32, #tpu.memory_space<hbm>>)
        tpu.yield
      }) : () -> ()
    } else {
    }
    %eq3A_269 = arith.constant 15 : i32
    %eq3A_270 = arith.cmpi eq, %arg1, %eq3A_269 : i32
    %convert_element_type3A_271 = arith.extui %eq3A_270 : i1 to i32
    %cond3A_272 = arith.constant 0 : i32
    %cond3A_273 = arith.cmpi ne, %convert_element_type3A_271, %cond3A_272 : i32
    scf.if %cond3A_273 {
      "tpu.region"() ({
        %run_scoped3A = tpu.sem_alloc : memref<!tpu.dma_semaphore, #tpu.memory_space<semaphore_mem>>
        %dma_start3A_274 = arith.constant 0 : i32
        %dma_start3A_275 = tpu.memref_slice %arg6[%multiple_of3A_263, %dma_start3A_274] : memref<20000x64xf32, #tpu.memory_space<hbm>> -> memref<520x64xf32, #tpu.memory_space<hbm>>
        %dma_start3A_276 = arith.constant 0 : i32
        %dma_start3A_277 = tpu.memref_slice %arg17[%multiple_of3A_257, %dma_start3A_276] : memref<10000x64xf32, #tpu.memory_space<vmem_shared>> -> memref<520x64xf32, #tpu.memory_space<vmem_shared>>
        tpu.enqueue_dma source(%dma_start3A_277 : memref<520x64xf32, #tpu.memory_space<vmem_shared>>) target(%dma_start3A_275 : memref<520x64xf32, #tpu.memory_space<hbm>>) target_semaphore(%run_scoped3A : memref<!tpu.dma_semaphore, #tpu.memory_space<semaphore_mem>>)
        %dma_wait3A_278 = arith.constant 0 : i32
        %dma_wait3A_279 = tpu.memref_slice %arg6[%multiple_of3A_263, %dma_wait3A_278] : memref<20000x64xf32, #tpu.memory_space<hbm>> -> memref<520x64xf32, #tpu.memory_space<hbm>>
        %dma_wait3A_280 = arith.constant 0 : i32
        %dma_wait3A_281 = tpu.memref_slice %arg17[%multiple_of3A_257, %dma_wait3A_280] : memref<10000x64xf32, #tpu.memory_space<vmem_shared>> -> memref<520x64xf32, #tpu.memory_space<vmem_shared>>
        tpu.wait_dma2 semaphore(%run_scoped3A : memref<!tpu.dma_semaphore, #tpu.memory_space<semaphore_mem>>) src(%dma_wait3A_281 : memref<520x64xf32, #tpu.memory_space<vmem_shared>>) dst(%dma_wait3A_279 : memref<520x64xf32, #tpu.memory_space<hbm>>)
        tpu.yield
      }) : () -> ()
    } else {
    }
    return
  }
}

#map = affine_map<(d0, d1) -> (0, 0)>
module attributes {stable_mosaic.version = 14 : i64} {
  func.func @k(%arg0: i32, %arg1: i32, %arg2: memref<10000x64xf32, #tpu.memory_space<hbm>>, %arg3: memref<2560x125xi32, #tpu.memory_space<hbm>>, %arg4: memref<2560x125xi32, #tpu.memory_space<hbm>>, %arg5: memref<632x64xf32, #tpu.memory_space<hbm>>, %arg6: memref<20000x64xf32, #tpu.memory_space<hbm>>, %arg7: memref<80x125xi32, #tpu.memory_space<vmem>>, %arg8: memref<80x125xi32, #tpu.memory_space<vmem>>, %arg9: memref<125x64xf32, #tpu.memory_space<vmem>>, %arg10: memref<125x64xf32, #tpu.memory_space<vmem>>, %arg11: memref<125x64xf32, #tpu.memory_space<vmem>>, %arg12: memref<125x64xf32, #tpu.memory_space<vmem>>, %arg13: memref<125x64xf32, #tpu.memory_space<vmem>>, %arg14: memref<125x64xf32, #tpu.memory_space<vmem>>, %arg15: memref<125x64xf32, #tpu.memory_space<vmem>>, %arg16: memref<125x64xf32, #tpu.memory_space<vmem>>, %arg17: memref<10000x64xf32, #tpu.memory_space<vmem_shared>>, %arg18: memref<!tpu.dma_semaphore, #tpu.memory_space<semaphore_mem>>, %arg19: memref<!tpu.dma_semaphore, #tpu.memory_space<semaphore_mem>>, %arg20: memref<!tpu.dma_semaphore, #tpu.memory_space<semaphore_mem>>, %arg21: memref<!tpu.dma_semaphore, #tpu.memory_space<semaphore_mem>>, %arg22: memref<!tpu.dma_semaphore, #tpu.memory_space<semaphore_mem>>, %arg23: memref<!tpu.dma_semaphore, #tpu.memory_space<semaphore_mem>>, %arg24: memref<!tpu.dma_semaphore, #tpu.memory_space<semaphore_mem>>, %arg25: memref<!tpu.dma_semaphore, #tpu.memory_space<semaphore_mem>>, %arg26: memref<!tpu.dma_semaphore, #tpu.memory_space<semaphore_mem>>, %arg27: memref<!tpu.dma_semaphore, #tpu.memory_space<semaphore_mem>>, %arg28: memref<!tpu.dma_semaphore, #tpu.memory_space<semaphore_mem>>, %arg29: memref<!tpu.dma_semaphore, #tpu.memory_space<semaphore_mem>>, %arg30: memref<!tpu.dma_semaphore, #tpu.memory_space<semaphore_mem>>, %arg31: memref<!tpu.dma_semaphore, #tpu.memory_space<semaphore_mem>>, %arg32: memref<!tpu.dma_semaphore, #tpu.memory_space<semaphore_mem>>, %arg33: memref<!tpu.dma_semaphore, #tpu.memory_space<semaphore_mem>>) attributes {dimension_semantics = [#tpu.dimension_semantics<core_parallel>, #tpu.dimension_semantics<subcore_parallel>], iteration_bounds = array<i64: 2, 16>, scalar_prefetch = 0 : i64, scratch_operands = 27 : i64, tpu.core_type = #tpu.core_type<sc_vector_subcore>, window_params = [{transform_indices = #map}, {transform_indices = #map}, {transform_indices = #map}, {transform_indices = #map}, {transform_indices = #map}]} {
    %mul3A = arith.constant 2 : i32
    %mul3A_0 = arith.muli %arg1, %mul3A : i32
    %add3A = arith.addi %mul3A_0, %arg0 : i32
    %mul3A_1 = arith.constant 80 : i32
    %mul3A_2 = arith.muli %add3A, %mul3A_1 : i32
    %multiple_of3A = tpu.assume_multiple %mul3A_2, 8 : i32
    %dma_start3A = arith.constant 0 : i32
    %dma_start3A_3 = tpu.memref_slice %arg3[%multiple_of3A, %dma_start3A] : memref<2560x125xi32, #tpu.memory_space<hbm>> -> memref<80x125xi32, #tpu.memory_space<hbm>>
    %dma_start3A_4 = arith.constant 0 : i32
    %dma_start3A_5 = tpu.memref_slice %arg3[%multiple_of3A, %dma_start3A_4] : memref<2560x125xi32, #tpu.memory_space<hbm>> -> memref<80x125xi32, #tpu.memory_space<hbm>>
    tpu.enqueue_dma source(%dma_start3A_5 : memref<80x125xi32, #tpu.memory_space<hbm>>) target(%arg7 : memref<80x125xi32, #tpu.memory_space<vmem>>) target_semaphore(%arg18 : memref<!tpu.dma_semaphore, #tpu.memory_space<semaphore_mem>>)
    %dma_start3A_6 = arith.constant 0 : i32
    %dma_start3A_7 = tpu.memref_slice %arg4[%multiple_of3A, %dma_start3A_6] : memref<2560x125xi32, #tpu.memory_space<hbm>> -> memref<80x125xi32, #tpu.memory_space<hbm>>
    %dma_start3A_8 = arith.constant 0 : i32
    %dma_start3A_9 = tpu.memref_slice %arg4[%multiple_of3A, %dma_start3A_8] : memref<2560x125xi32, #tpu.memory_space<hbm>> -> memref<80x125xi32, #tpu.memory_space<hbm>>
    tpu.enqueue_dma source(%dma_start3A_9 : memref<80x125xi32, #tpu.memory_space<hbm>>) target(%arg8 : memref<80x125xi32, #tpu.memory_space<vmem>>) target_semaphore(%arg19 : memref<!tpu.dma_semaphore, #tpu.memory_space<semaphore_mem>>)
    %mul3A_10 = arith.constant 632 : i32
    %mul3A_11 = arith.muli %arg1, %mul3A_10 : i32
    %multiple_of3A_12 = tpu.assume_multiple %mul3A_11, 8 : i32
    %lt3A = arith.constant 15 : i32
    %lt3A_13 = arith.cmpi slt, %arg1, %lt3A : i32
    %convert_element_type3A = arith.extui %lt3A_13 : i1 to i32
    %cond3A = arith.constant 0 : i32
    %cond3A_14 = arith.cmpi ne, %convert_element_type3A, %cond3A : i32
    scf.if %cond3A_14 {
      "tpu.region"() ({
        %run_scoped3A = tpu.sem_alloc : memref<!tpu.dma_semaphore, #tpu.memory_space<semaphore_mem>>
        %dma_start3A_274 = arith.constant 0 : i32
        %dma_start3A_275 = tpu.memref_slice %arg17[%multiple_of3A_12, %dma_start3A_274] : memref<10000x64xf32, #tpu.memory_space<vmem_shared>> -> memref<632x64xf32, #tpu.memory_space<vmem_shared>>
        tpu.enqueue_dma source(%arg5 : memref<632x64xf32, #tpu.memory_space<hbm>>) target(%dma_start3A_275 : memref<632x64xf32, #tpu.memory_space<vmem_shared>>) target_semaphore(%run_scoped3A : memref<!tpu.dma_semaphore, #tpu.memory_space<semaphore_mem>>)
        %dma_wait3A_276 = arith.constant 0 : i32
        %dma_wait3A_277 = tpu.memref_slice %arg17[%multiple_of3A_12, %dma_wait3A_276] : memref<10000x64xf32, #tpu.memory_space<vmem_shared>> -> memref<632x64xf32, #tpu.memory_space<vmem_shared>>
        tpu.wait_dma2 semaphore(%run_scoped3A : memref<!tpu.dma_semaphore, #tpu.memory_space<semaphore_mem>>) src(%arg5 : memref<632x64xf32, #tpu.memory_space<hbm>>) dst(%dma_wait3A_277 : memref<632x64xf32, #tpu.memory_space<vmem_shared>>)
        tpu.yield
      }) : () -> ()
    } else {
    }
    %eq3A = arith.constant 15 : i32
    %eq3A_15 = arith.cmpi eq, %arg1, %eq3A : i32
    %convert_element_type3A_16 = arith.extui %eq3A_15 : i1 to i32
    %cond3A_17 = arith.constant 0 : i32
    %cond3A_18 = arith.cmpi ne, %convert_element_type3A_16, %cond3A_17 : i32
    scf.if %cond3A_18 {
      "tpu.region"() ({
        %run_scoped3A = tpu.sem_alloc : memref<!tpu.dma_semaphore, #tpu.memory_space<semaphore_mem>>
        %dma_start3A_274 = arith.constant 0 : i32
        %dma_start3A_275 = tpu.memref_slice %arg17[%multiple_of3A_12, %dma_start3A_274] : memref<10000x64xf32, #tpu.memory_space<vmem_shared>> -> memref<520x64xf32, #tpu.memory_space<vmem_shared>>
        %dma_start3A_276 = arith.constant 0 : i32
        %dma_start3A_277 = arith.constant 0 : i32
        %dma_start3A_278 = tpu.memref_slice %arg5[%dma_start3A_276, %dma_start3A_277] : memref<632x64xf32, #tpu.memory_space<hbm>> -> memref<520x64xf32, #tpu.memory_space<hbm>>
        tpu.enqueue_dma source(%dma_start3A_278 : memref<520x64xf32, #tpu.memory_space<hbm>>) target(%dma_start3A_275 : memref<520x64xf32, #tpu.memory_space<vmem_shared>>) target_semaphore(%run_scoped3A : memref<!tpu.dma_semaphore, #tpu.memory_space<semaphore_mem>>)
        %dma_wait3A_279 = arith.constant 0 : i32
        %dma_wait3A_280 = tpu.memref_slice %arg17[%multiple_of3A_12, %dma_wait3A_279] : memref<10000x64xf32, #tpu.memory_space<vmem_shared>> -> memref<520x64xf32, #tpu.memory_space<vmem_shared>>
        %dma_wait3A_281 = arith.constant 0 : i32
        %dma_wait3A_282 = arith.constant 0 : i32
        %dma_wait3A_283 = tpu.memref_slice %arg5[%dma_wait3A_281, %dma_wait3A_282] : memref<632x64xf32, #tpu.memory_space<hbm>> -> memref<520x64xf32, #tpu.memory_space<hbm>>
        tpu.wait_dma2 semaphore(%run_scoped3A : memref<!tpu.dma_semaphore, #tpu.memory_space<semaphore_mem>>) src(%dma_wait3A_283 : memref<520x64xf32, #tpu.memory_space<hbm>>) dst(%dma_wait3A_280 : memref<520x64xf32, #tpu.memory_space<vmem_shared>>)
        tpu.yield
      }) : () -> ()
    } else {
    }
    %dma_wait3A = arith.constant 0 : i32
    %dma_wait3A_19 = tpu.memref_slice %arg3[%multiple_of3A, %dma_wait3A] : memref<2560x125xi32, #tpu.memory_space<hbm>> -> memref<80x125xi32, #tpu.memory_space<hbm>>
    %dma_wait3A_20 = arith.constant 0 : i32
    %dma_wait3A_21 = tpu.memref_slice %arg3[%multiple_of3A, %dma_wait3A_20] : memref<2560x125xi32, #tpu.memory_space<hbm>> -> memref<80x125xi32, #tpu.memory_space<hbm>>
    tpu.wait_dma2 semaphore(%arg18 : memref<!tpu.dma_semaphore, #tpu.memory_space<semaphore_mem>>) src(%dma_wait3A_21 : memref<80x125xi32, #tpu.memory_space<hbm>>) dst(%arg7 : memref<80x125xi32, #tpu.memory_space<vmem>>)
    %dma_wait3A_22 = arith.constant 0 : i32
    %dma_wait3A_23 = tpu.memref_slice %arg4[%multiple_of3A, %dma_wait3A_22] : memref<2560x125xi32, #tpu.memory_space<hbm>> -> memref<80x125xi32, #tpu.memory_space<hbm>>
    %dma_wait3A_24 = arith.constant 0 : i32
    %dma_wait3A_25 = tpu.memref_slice %arg4[%multiple_of3A, %dma_wait3A_24] : memref<2560x125xi32, #tpu.memory_space<hbm>> -> memref<80x125xi32, #tpu.memory_space<hbm>>
    tpu.wait_dma2 semaphore(%arg19 : memref<!tpu.dma_semaphore, #tpu.memory_space<semaphore_mem>>) src(%dma_wait3A_25 : memref<80x125xi32, #tpu.memory_space<hbm>>) dst(%arg8 : memref<80x125xi32, #tpu.memory_space<vmem>>)
    %dma_start3A_26 = arith.constant 0 : i32
    %dma_start3A_27 = arith.constant 0 : i32
    %dma_start3A_28 = tpu.memref_slice %arg7[%dma_start3A_26, %dma_start3A_27] : memref<80x125xi32, #tpu.memory_space<vmem>> -> memref<1x125xi32, #tpu.memory_space<vmem>>
    %dma_start3A_29 = tpu.memref_squeeze %dma_start3A_28 : memref<1x125xi32, #tpu.memory_space<vmem>> -> memref<125xi32, #tpu.memory_space<vmem>>
    %dma_start3A_30 = arith.constant 0 : i32
    %dma_start3A_31 = arith.constant 0 : i32
    %dma_start3A_32 = tpu.memref_slice %arg2[%dma_start3A_30, %dma_start3A_31] : memref<10000x64xf32, #tpu.memory_space<hbm>> -> memref<10000x64xf32, #tpu.memory_space<hbm>>
    tpu.enqueue_indirect_dma source(%dma_start3A_32 : memref<10000x64xf32, #tpu.memory_space<hbm>>) target(%arg9 : memref<125x64xf32, #tpu.memory_space<vmem>>) offsets(%dma_start3A_29 : memref<125xi32, #tpu.memory_space<vmem>>) semaphore(%arg18 : memref<!tpu.dma_semaphore, #tpu.memory_space<semaphore_mem>>)
    %dma_start3A_33 = arith.constant 1 : i32
    %dma_start3A_34 = arith.constant 0 : i32
    %dma_start3A_35 = tpu.memref_slice %arg7[%dma_start3A_33, %dma_start3A_34] : memref<80x125xi32, #tpu.memory_space<vmem>> -> memref<1x125xi32, #tpu.memory_space<vmem>>
    %dma_start3A_36 = tpu.memref_squeeze %dma_start3A_35 : memref<1x125xi32, #tpu.memory_space<vmem>> -> memref<125xi32, #tpu.memory_space<vmem>>
    %dma_start3A_37 = arith.constant 0 : i32
    %dma_start3A_38 = arith.constant 0 : i32
    %dma_start3A_39 = tpu.memref_slice %arg2[%dma_start3A_37, %dma_start3A_38] : memref<10000x64xf32, #tpu.memory_space<hbm>> -> memref<10000x64xf32, #tpu.memory_space<hbm>>
    tpu.enqueue_indirect_dma source(%dma_start3A_39 : memref<10000x64xf32, #tpu.memory_space<hbm>>) target(%arg10 : memref<125x64xf32, #tpu.memory_space<vmem>>) offsets(%dma_start3A_36 : memref<125xi32, #tpu.memory_space<vmem>>) semaphore(%arg19 : memref<!tpu.dma_semaphore, #tpu.memory_space<semaphore_mem>>)
    %dma_start3A_40 = arith.constant 2 : i32
    %dma_start3A_41 = arith.constant 0 : i32
    %dma_start3A_42 = tpu.memref_slice %arg7[%dma_start3A_40, %dma_start3A_41] : memref<80x125xi32, #tpu.memory_space<vmem>> -> memref<1x125xi32, #tpu.memory_space<vmem>>
    %dma_start3A_43 = tpu.memref_squeeze %dma_start3A_42 : memref<1x125xi32, #tpu.memory_space<vmem>> -> memref<125xi32, #tpu.memory_space<vmem>>
    %dma_start3A_44 = arith.constant 0 : i32
    %dma_start3A_45 = arith.constant 0 : i32
    %dma_start3A_46 = tpu.memref_slice %arg2[%dma_start3A_44, %dma_start3A_45] : memref<10000x64xf32, #tpu.memory_space<hbm>> -> memref<10000x64xf32, #tpu.memory_space<hbm>>
    tpu.enqueue_indirect_dma source(%dma_start3A_46 : memref<10000x64xf32, #tpu.memory_space<hbm>>) target(%arg11 : memref<125x64xf32, #tpu.memory_space<vmem>>) offsets(%dma_start3A_43 : memref<125xi32, #tpu.memory_space<vmem>>) semaphore(%arg20 : memref<!tpu.dma_semaphore, #tpu.memory_space<semaphore_mem>>)
    %dma_start3A_47 = arith.constant 3 : i32
    %dma_start3A_48 = arith.constant 0 : i32
    %dma_start3A_49 = tpu.memref_slice %arg7[%dma_start3A_47, %dma_start3A_48] : memref<80x125xi32, #tpu.memory_space<vmem>> -> memref<1x125xi32, #tpu.memory_space<vmem>>
    %dma_start3A_50 = tpu.memref_squeeze %dma_start3A_49 : memref<1x125xi32, #tpu.memory_space<vmem>> -> memref<125xi32, #tpu.memory_space<vmem>>
    %dma_start3A_51 = arith.constant 0 : i32
    %dma_start3A_52 = arith.constant 0 : i32
    %dma_start3A_53 = tpu.memref_slice %arg2[%dma_start3A_51, %dma_start3A_52] : memref<10000x64xf32, #tpu.memory_space<hbm>> -> memref<10000x64xf32, #tpu.memory_space<hbm>>
    tpu.enqueue_indirect_dma source(%dma_start3A_53 : memref<10000x64xf32, #tpu.memory_space<hbm>>) target(%arg12 : memref<125x64xf32, #tpu.memory_space<vmem>>) offsets(%dma_start3A_50 : memref<125xi32, #tpu.memory_space<vmem>>) semaphore(%arg21 : memref<!tpu.dma_semaphore, #tpu.memory_space<semaphore_mem>>)
    %dma_start3A_54 = arith.constant 4 : i32
    %dma_start3A_55 = arith.constant 0 : i32
    %dma_start3A_56 = tpu.memref_slice %arg7[%dma_start3A_54, %dma_start3A_55] : memref<80x125xi32, #tpu.memory_space<vmem>> -> memref<1x125xi32, #tpu.memory_space<vmem>>
    %dma_start3A_57 = tpu.memref_squeeze %dma_start3A_56 : memref<1x125xi32, #tpu.memory_space<vmem>> -> memref<125xi32, #tpu.memory_space<vmem>>
    %dma_start3A_58 = arith.constant 0 : i32
    %dma_start3A_59 = arith.constant 0 : i32
    %dma_start3A_60 = tpu.memref_slice %arg2[%dma_start3A_58, %dma_start3A_59] : memref<10000x64xf32, #tpu.memory_space<hbm>> -> memref<10000x64xf32, #tpu.memory_space<hbm>>
    tpu.enqueue_indirect_dma source(%dma_start3A_60 : memref<10000x64xf32, #tpu.memory_space<hbm>>) target(%arg13 : memref<125x64xf32, #tpu.memory_space<vmem>>) offsets(%dma_start3A_57 : memref<125xi32, #tpu.memory_space<vmem>>) semaphore(%arg22 : memref<!tpu.dma_semaphore, #tpu.memory_space<semaphore_mem>>)
    %dma_start3A_61 = arith.constant 5 : i32
    %dma_start3A_62 = arith.constant 0 : i32
    %dma_start3A_63 = tpu.memref_slice %arg7[%dma_start3A_61, %dma_start3A_62] : memref<80x125xi32, #tpu.memory_space<vmem>> -> memref<1x125xi32, #tpu.memory_space<vmem>>
    %dma_start3A_64 = tpu.memref_squeeze %dma_start3A_63 : memref<1x125xi32, #tpu.memory_space<vmem>> -> memref<125xi32, #tpu.memory_space<vmem>>
    %dma_start3A_65 = arith.constant 0 : i32
    %dma_start3A_66 = arith.constant 0 : i32
    %dma_start3A_67 = tpu.memref_slice %arg2[%dma_start3A_65, %dma_start3A_66] : memref<10000x64xf32, #tpu.memory_space<hbm>> -> memref<10000x64xf32, #tpu.memory_space<hbm>>
    tpu.enqueue_indirect_dma source(%dma_start3A_67 : memref<10000x64xf32, #tpu.memory_space<hbm>>) target(%arg14 : memref<125x64xf32, #tpu.memory_space<vmem>>) offsets(%dma_start3A_64 : memref<125xi32, #tpu.memory_space<vmem>>) semaphore(%arg23 : memref<!tpu.dma_semaphore, #tpu.memory_space<semaphore_mem>>)
    %dma_start3A_68 = arith.constant 6 : i32
    %dma_start3A_69 = arith.constant 0 : i32
    %dma_start3A_70 = tpu.memref_slice %arg7[%dma_start3A_68, %dma_start3A_69] : memref<80x125xi32, #tpu.memory_space<vmem>> -> memref<1x125xi32, #tpu.memory_space<vmem>>
    %dma_start3A_71 = tpu.memref_squeeze %dma_start3A_70 : memref<1x125xi32, #tpu.memory_space<vmem>> -> memref<125xi32, #tpu.memory_space<vmem>>
    %dma_start3A_72 = arith.constant 0 : i32
    %dma_start3A_73 = arith.constant 0 : i32
    %dma_start3A_74 = tpu.memref_slice %arg2[%dma_start3A_72, %dma_start3A_73] : memref<10000x64xf32, #tpu.memory_space<hbm>> -> memref<10000x64xf32, #tpu.memory_space<hbm>>
    tpu.enqueue_indirect_dma source(%dma_start3A_74 : memref<10000x64xf32, #tpu.memory_space<hbm>>) target(%arg15 : memref<125x64xf32, #tpu.memory_space<vmem>>) offsets(%dma_start3A_71 : memref<125xi32, #tpu.memory_space<vmem>>) semaphore(%arg24 : memref<!tpu.dma_semaphore, #tpu.memory_space<semaphore_mem>>)
    %dma_start3A_75 = arith.constant 7 : i32
    %dma_start3A_76 = arith.constant 0 : i32
    %dma_start3A_77 = tpu.memref_slice %arg7[%dma_start3A_75, %dma_start3A_76] : memref<80x125xi32, #tpu.memory_space<vmem>> -> memref<1x125xi32, #tpu.memory_space<vmem>>
    %dma_start3A_78 = tpu.memref_squeeze %dma_start3A_77 : memref<1x125xi32, #tpu.memory_space<vmem>> -> memref<125xi32, #tpu.memory_space<vmem>>
    %dma_start3A_79 = arith.constant 0 : i32
    %dma_start3A_80 = arith.constant 0 : i32
    %dma_start3A_81 = tpu.memref_slice %arg2[%dma_start3A_79, %dma_start3A_80] : memref<10000x64xf32, #tpu.memory_space<hbm>> -> memref<10000x64xf32, #tpu.memory_space<hbm>>
    tpu.enqueue_indirect_dma source(%dma_start3A_81 : memref<10000x64xf32, #tpu.memory_space<hbm>>) target(%arg16 : memref<125x64xf32, #tpu.memory_space<vmem>>) offsets(%dma_start3A_78 : memref<125xi32, #tpu.memory_space<vmem>>) semaphore(%arg25 : memref<!tpu.dma_semaphore, #tpu.memory_space<semaphore_mem>>)
    %barrier3A = arith.constant 0 : index
    tpu.barrier barrier_id(%barrier3A)
    %scan3A = arith.constant 0 : i32
    %scan3A_82 = arith.constant 9 : i32
    %scan3A_83 = arith.addi %scan3A, %scan3A_82 : i32
    %scan3A_84 = arith.constant 1 : i32
    scf.for %scan3A_274 = %scan3A to %scan3A_83 step %scan3A_84  : i32 {
      %mul3A_275 = arith.constant 8 : i32
      %mul3A_276 = arith.muli %scan3A_274, %mul3A_275 : i32
      %add3A_277 = arith.constant 0 : i32
      %add3A_278 = arith.addi %add3A_277, %mul3A_276 : i32
      %add3A_279 = arith.constant 0 : i32
      %add3A_280 = arith.addi %add3A_278, %add3A_279 : i32
      %dma_wait3A_281 = arith.constant 0 : i32
      %dma_wait3A_282 = tpu.memref_slice %arg7[%add3A_280, %dma_wait3A_281] : memref<80x125xi32, #tpu.memory_space<vmem>> -> memref<1x125xi32, #tpu.memory_space<vmem>>
      %dma_wait3A_283 = tpu.memref_squeeze %dma_wait3A_282 : memref<1x125xi32, #tpu.memory_space<vmem>> -> memref<125xi32, #tpu.memory_space<vmem>>
      %dma_wait3A_284 = arith.constant 0 : i32
      %dma_wait3A_285 = arith.constant 0 : i32
      %dma_wait3A_286 = tpu.memref_slice %arg2[%dma_wait3A_284, %dma_wait3A_285] : memref<10000x64xf32, #tpu.memory_space<hbm>> -> memref<10000x64xf32, #tpu.memory_space<hbm>>
      tpu.wait_indirect_dma semaphore(%arg18 : memref<!tpu.dma_semaphore, #tpu.memory_space<semaphore_mem>>) src(%dma_wait3A_286 : memref<10000x64xf32, #tpu.memory_space<hbm>>) dst(%arg9 : memref<125x64xf32, #tpu.memory_space<vmem>>)
      %add3A_287 = arith.constant 0 : i32
      %add3A_288 = arith.addi %add3A_278, %add3A_287 : i32
      %dma_start3A_289 = arith.constant 0 : i32
      %dma_start3A_290 = tpu.memref_slice %arg8[%add3A_288, %dma_start3A_289] : memref<80x125xi32, #tpu.memory_space<vmem>> -> memref<1x125xi32, #tpu.memory_space<vmem>>
      %dma_start3A_291 = tpu.memref_squeeze %dma_start3A_290 : memref<1x125xi32, #tpu.memory_space<vmem>> -> memref<125xi32, #tpu.memory_space<vmem>>
      %dma_start3A_292 = arith.constant 0 : i32
      %dma_start3A_293 = arith.constant 0 : i32
      %dma_start3A_294 = tpu.memref_slice %arg17[%dma_start3A_292, %dma_start3A_293] : memref<10000x64xf32, #tpu.memory_space<vmem_shared>> -> memref<10000x64xf32, #tpu.memory_space<vmem_shared>>
      tpu.enqueue_indirect_dma source(%arg9 : memref<125x64xf32, #tpu.memory_space<vmem>>) target(%dma_start3A_294 : memref<10000x64xf32, #tpu.memory_space<vmem_shared>>) offsets(%dma_start3A_291 : memref<125xi32, #tpu.memory_space<vmem>>) semaphore(%arg26 : memref<!tpu.dma_semaphore, #tpu.memory_space<semaphore_mem>>) {add = true}
      %add3A_295 = arith.constant 1 : i32
      %add3A_296 = arith.addi %add3A_278, %add3A_295 : i32
      %dma_wait3A_297 = arith.constant 0 : i32
      %dma_wait3A_298 = tpu.memref_slice %arg7[%add3A_296, %dma_wait3A_297] : memref<80x125xi32, #tpu.memory_space<vmem>> -> memref<1x125xi32, #tpu.memory_space<vmem>>
      %dma_wait3A_299 = tpu.memref_squeeze %dma_wait3A_298 : memref<1x125xi32, #tpu.memory_space<vmem>> -> memref<125xi32, #tpu.memory_space<vmem>>
      %dma_wait3A_300 = arith.constant 0 : i32
      %dma_wait3A_301 = arith.constant 0 : i32
      %dma_wait3A_302 = tpu.memref_slice %arg2[%dma_wait3A_300, %dma_wait3A_301] : memref<10000x64xf32, #tpu.memory_space<hbm>> -> memref<10000x64xf32, #tpu.memory_space<hbm>>
      tpu.wait_indirect_dma semaphore(%arg19 : memref<!tpu.dma_semaphore, #tpu.memory_space<semaphore_mem>>) src(%dma_wait3A_302 : memref<10000x64xf32, #tpu.memory_space<hbm>>) dst(%arg10 : memref<125x64xf32, #tpu.memory_space<vmem>>)
      %add3A_303 = arith.constant 1 : i32
      %add3A_304 = arith.addi %add3A_278, %add3A_303 : i32
      %dma_start3A_305 = arith.constant 0 : i32
      %dma_start3A_306 = tpu.memref_slice %arg8[%add3A_304, %dma_start3A_305] : memref<80x125xi32, #tpu.memory_space<vmem>> -> memref<1x125xi32, #tpu.memory_space<vmem>>
      %dma_start3A_307 = tpu.memref_squeeze %dma_start3A_306 : memref<1x125xi32, #tpu.memory_space<vmem>> -> memref<125xi32, #tpu.memory_space<vmem>>
      %dma_start3A_308 = arith.constant 0 : i32
      %dma_start3A_309 = arith.constant 0 : i32
      %dma_start3A_310 = tpu.memref_slice %arg17[%dma_start3A_308, %dma_start3A_309] : memref<10000x64xf32, #tpu.memory_space<vmem_shared>> -> memref<10000x64xf32, #tpu.memory_space<vmem_shared>>
      tpu.enqueue_indirect_dma source(%arg10 : memref<125x64xf32, #tpu.memory_space<vmem>>) target(%dma_start3A_310 : memref<10000x64xf32, #tpu.memory_space<vmem_shared>>) offsets(%dma_start3A_307 : memref<125xi32, #tpu.memory_space<vmem>>) semaphore(%arg27 : memref<!tpu.dma_semaphore, #tpu.memory_space<semaphore_mem>>) {add = true}
      %add3A_311 = arith.constant 2 : i32
      %add3A_312 = arith.addi %add3A_278, %add3A_311 : i32
      %dma_wait3A_313 = arith.constant 0 : i32
      %dma_wait3A_314 = tpu.memref_slice %arg7[%add3A_312, %dma_wait3A_313] : memref<80x125xi32, #tpu.memory_space<vmem>> -> memref<1x125xi32, #tpu.memory_space<vmem>>
      %dma_wait3A_315 = tpu.memref_squeeze %dma_wait3A_314 : memref<1x125xi32, #tpu.memory_space<vmem>> -> memref<125xi32, #tpu.memory_space<vmem>>
      %dma_wait3A_316 = arith.constant 0 : i32
      %dma_wait3A_317 = arith.constant 0 : i32
      %dma_wait3A_318 = tpu.memref_slice %arg2[%dma_wait3A_316, %dma_wait3A_317] : memref<10000x64xf32, #tpu.memory_space<hbm>> -> memref<10000x64xf32, #tpu.memory_space<hbm>>
      tpu.wait_indirect_dma semaphore(%arg20 : memref<!tpu.dma_semaphore, #tpu.memory_space<semaphore_mem>>) src(%dma_wait3A_318 : memref<10000x64xf32, #tpu.memory_space<hbm>>) dst(%arg11 : memref<125x64xf32, #tpu.memory_space<vmem>>)
      %add3A_319 = arith.constant 2 : i32
      %add3A_320 = arith.addi %add3A_278, %add3A_319 : i32
      %dma_start3A_321 = arith.constant 0 : i32
      %dma_start3A_322 = tpu.memref_slice %arg8[%add3A_320, %dma_start3A_321] : memref<80x125xi32, #tpu.memory_space<vmem>> -> memref<1x125xi32, #tpu.memory_space<vmem>>
      %dma_start3A_323 = tpu.memref_squeeze %dma_start3A_322 : memref<1x125xi32, #tpu.memory_space<vmem>> -> memref<125xi32, #tpu.memory_space<vmem>>
      %dma_start3A_324 = arith.constant 0 : i32
      %dma_start3A_325 = arith.constant 0 : i32
      %dma_start3A_326 = tpu.memref_slice %arg17[%dma_start3A_324, %dma_start3A_325] : memref<10000x64xf32, #tpu.memory_space<vmem_shared>> -> memref<10000x64xf32, #tpu.memory_space<vmem_shared>>
      tpu.enqueue_indirect_dma source(%arg11 : memref<125x64xf32, #tpu.memory_space<vmem>>) target(%dma_start3A_326 : memref<10000x64xf32, #tpu.memory_space<vmem_shared>>) offsets(%dma_start3A_323 : memref<125xi32, #tpu.memory_space<vmem>>) semaphore(%arg28 : memref<!tpu.dma_semaphore, #tpu.memory_space<semaphore_mem>>) {add = true}
      %add3A_327 = arith.constant 3 : i32
      %add3A_328 = arith.addi %add3A_278, %add3A_327 : i32
      %dma_wait3A_329 = arith.constant 0 : i32
      %dma_wait3A_330 = tpu.memref_slice %arg7[%add3A_328, %dma_wait3A_329] : memref<80x125xi32, #tpu.memory_space<vmem>> -> memref<1x125xi32, #tpu.memory_space<vmem>>
      %dma_wait3A_331 = tpu.memref_squeeze %dma_wait3A_330 : memref<1x125xi32, #tpu.memory_space<vmem>> -> memref<125xi32, #tpu.memory_space<vmem>>
      %dma_wait3A_332 = arith.constant 0 : i32
      %dma_wait3A_333 = arith.constant 0 : i32
      %dma_wait3A_334 = tpu.memref_slice %arg2[%dma_wait3A_332, %dma_wait3A_333] : memref<10000x64xf32, #tpu.memory_space<hbm>> -> memref<10000x64xf32, #tpu.memory_space<hbm>>
      tpu.wait_indirect_dma semaphore(%arg21 : memref<!tpu.dma_semaphore, #tpu.memory_space<semaphore_mem>>) src(%dma_wait3A_334 : memref<10000x64xf32, #tpu.memory_space<hbm>>) dst(%arg12 : memref<125x64xf32, #tpu.memory_space<vmem>>)
      %add3A_335 = arith.constant 3 : i32
      %add3A_336 = arith.addi %add3A_278, %add3A_335 : i32
      %dma_start3A_337 = arith.constant 0 : i32
      %dma_start3A_338 = tpu.memref_slice %arg8[%add3A_336, %dma_start3A_337] : memref<80x125xi32, #tpu.memory_space<vmem>> -> memref<1x125xi32, #tpu.memory_space<vmem>>
      %dma_start3A_339 = tpu.memref_squeeze %dma_start3A_338 : memref<1x125xi32, #tpu.memory_space<vmem>> -> memref<125xi32, #tpu.memory_space<vmem>>
      %dma_start3A_340 = arith.constant 0 : i32
      %dma_start3A_341 = arith.constant 0 : i32
      %dma_start3A_342 = tpu.memref_slice %arg17[%dma_start3A_340, %dma_start3A_341] : memref<10000x64xf32, #tpu.memory_space<vmem_shared>> -> memref<10000x64xf32, #tpu.memory_space<vmem_shared>>
      tpu.enqueue_indirect_dma source(%arg12 : memref<125x64xf32, #tpu.memory_space<vmem>>) target(%dma_start3A_342 : memref<10000x64xf32, #tpu.memory_space<vmem_shared>>) offsets(%dma_start3A_339 : memref<125xi32, #tpu.memory_space<vmem>>) semaphore(%arg29 : memref<!tpu.dma_semaphore, #tpu.memory_space<semaphore_mem>>) {add = true}
      %add3A_343 = arith.constant 4 : i32
      %add3A_344 = arith.addi %add3A_278, %add3A_343 : i32
      %dma_wait3A_345 = arith.constant 0 : i32
      %dma_wait3A_346 = tpu.memref_slice %arg7[%add3A_344, %dma_wait3A_345] : memref<80x125xi32, #tpu.memory_space<vmem>> -> memref<1x125xi32, #tpu.memory_space<vmem>>
      %dma_wait3A_347 = tpu.memref_squeeze %dma_wait3A_346 : memref<1x125xi32, #tpu.memory_space<vmem>> -> memref<125xi32, #tpu.memory_space<vmem>>
      %dma_wait3A_348 = arith.constant 0 : i32
      %dma_wait3A_349 = arith.constant 0 : i32
      %dma_wait3A_350 = tpu.memref_slice %arg2[%dma_wait3A_348, %dma_wait3A_349] : memref<10000x64xf32, #tpu.memory_space<hbm>> -> memref<10000x64xf32, #tpu.memory_space<hbm>>
      tpu.wait_indirect_dma semaphore(%arg22 : memref<!tpu.dma_semaphore, #tpu.memory_space<semaphore_mem>>) src(%dma_wait3A_350 : memref<10000x64xf32, #tpu.memory_space<hbm>>) dst(%arg13 : memref<125x64xf32, #tpu.memory_space<vmem>>)
      %add3A_351 = arith.constant 4 : i32
      %add3A_352 = arith.addi %add3A_278, %add3A_351 : i32
      %dma_start3A_353 = arith.constant 0 : i32
      %dma_start3A_354 = tpu.memref_slice %arg8[%add3A_352, %dma_start3A_353] : memref<80x125xi32, #tpu.memory_space<vmem>> -> memref<1x125xi32, #tpu.memory_space<vmem>>
      %dma_start3A_355 = tpu.memref_squeeze %dma_start3A_354 : memref<1x125xi32, #tpu.memory_space<vmem>> -> memref<125xi32, #tpu.memory_space<vmem>>
      %dma_start3A_356 = arith.constant 0 : i32
      %dma_start3A_357 = arith.constant 0 : i32
      %dma_start3A_358 = tpu.memref_slice %arg17[%dma_start3A_356, %dma_start3A_357] : memref<10000x64xf32, #tpu.memory_space<vmem_shared>> -> memref<10000x64xf32, #tpu.memory_space<vmem_shared>>
      tpu.enqueue_indirect_dma source(%arg13 : memref<125x64xf32, #tpu.memory_space<vmem>>) target(%dma_start3A_358 : memref<10000x64xf32, #tpu.memory_space<vmem_shared>>) offsets(%dma_start3A_355 : memref<125xi32, #tpu.memory_space<vmem>>) semaphore(%arg30 : memref<!tpu.dma_semaphore, #tpu.memory_space<semaphore_mem>>) {add = true}
      %add3A_359 = arith.constant 5 : i32
      %add3A_360 = arith.addi %add3A_278, %add3A_359 : i32
      %dma_wait3A_361 = arith.constant 0 : i32
      %dma_wait3A_362 = tpu.memref_slice %arg7[%add3A_360, %dma_wait3A_361] : memref<80x125xi32, #tpu.memory_space<vmem>> -> memref<1x125xi32, #tpu.memory_space<vmem>>
      %dma_wait3A_363 = tpu.memref_squeeze %dma_wait3A_362 : memref<1x125xi32, #tpu.memory_space<vmem>> -> memref<125xi32, #tpu.memory_space<vmem>>
      %dma_wait3A_364 = arith.constant 0 : i32
      %dma_wait3A_365 = arith.constant 0 : i32
      %dma_wait3A_366 = tpu.memref_slice %arg2[%dma_wait3A_364, %dma_wait3A_365] : memref<10000x64xf32, #tpu.memory_space<hbm>> -> memref<10000x64xf32, #tpu.memory_space<hbm>>
      tpu.wait_indirect_dma semaphore(%arg23 : memref<!tpu.dma_semaphore, #tpu.memory_space<semaphore_mem>>) src(%dma_wait3A_366 : memref<10000x64xf32, #tpu.memory_space<hbm>>) dst(%arg14 : memref<125x64xf32, #tpu.memory_space<vmem>>)
      %add3A_367 = arith.constant 5 : i32
      %add3A_368 = arith.addi %add3A_278, %add3A_367 : i32
      %dma_start3A_369 = arith.constant 0 : i32
      %dma_start3A_370 = tpu.memref_slice %arg8[%add3A_368, %dma_start3A_369] : memref<80x125xi32, #tpu.memory_space<vmem>> -> memref<1x125xi32, #tpu.memory_space<vmem>>
      %dma_start3A_371 = tpu.memref_squeeze %dma_start3A_370 : memref<1x125xi32, #tpu.memory_space<vmem>> -> memref<125xi32, #tpu.memory_space<vmem>>
      %dma_start3A_372 = arith.constant 0 : i32
      %dma_start3A_373 = arith.constant 0 : i32
      %dma_start3A_374 = tpu.memref_slice %arg17[%dma_start3A_372, %dma_start3A_373] : memref<10000x64xf32, #tpu.memory_space<vmem_shared>> -> memref<10000x64xf32, #tpu.memory_space<vmem_shared>>
      tpu.enqueue_indirect_dma source(%arg14 : memref<125x64xf32, #tpu.memory_space<vmem>>) target(%dma_start3A_374 : memref<10000x64xf32, #tpu.memory_space<vmem_shared>>) offsets(%dma_start3A_371 : memref<125xi32, #tpu.memory_space<vmem>>) semaphore(%arg31 : memref<!tpu.dma_semaphore, #tpu.memory_space<semaphore_mem>>) {add = true}
      %add3A_375 = arith.constant 6 : i32
      %add3A_376 = arith.addi %add3A_278, %add3A_375 : i32
      %dma_wait3A_377 = arith.constant 0 : i32
      %dma_wait3A_378 = tpu.memref_slice %arg7[%add3A_376, %dma_wait3A_377] : memref<80x125xi32, #tpu.memory_space<vmem>> -> memref<1x125xi32, #tpu.memory_space<vmem>>
      %dma_wait3A_379 = tpu.memref_squeeze %dma_wait3A_378 : memref<1x125xi32, #tpu.memory_space<vmem>> -> memref<125xi32, #tpu.memory_space<vmem>>
      %dma_wait3A_380 = arith.constant 0 : i32
      %dma_wait3A_381 = arith.constant 0 : i32
      %dma_wait3A_382 = tpu.memref_slice %arg2[%dma_wait3A_380, %dma_wait3A_381] : memref<10000x64xf32, #tpu.memory_space<hbm>> -> memref<10000x64xf32, #tpu.memory_space<hbm>>
      tpu.wait_indirect_dma semaphore(%arg24 : memref<!tpu.dma_semaphore, #tpu.memory_space<semaphore_mem>>) src(%dma_wait3A_382 : memref<10000x64xf32, #tpu.memory_space<hbm>>) dst(%arg15 : memref<125x64xf32, #tpu.memory_space<vmem>>)
      %add3A_383 = arith.constant 6 : i32
      %add3A_384 = arith.addi %add3A_278, %add3A_383 : i32
      %dma_start3A_385 = arith.constant 0 : i32
      %dma_start3A_386 = tpu.memref_slice %arg8[%add3A_384, %dma_start3A_385] : memref<80x125xi32, #tpu.memory_space<vmem>> -> memref<1x125xi32, #tpu.memory_space<vmem>>
      %dma_start3A_387 = tpu.memref_squeeze %dma_start3A_386 : memref<1x125xi32, #tpu.memory_space<vmem>> -> memref<125xi32, #tpu.memory_space<vmem>>
      %dma_start3A_388 = arith.constant 0 : i32
      %dma_start3A_389 = arith.constant 0 : i32
      %dma_start3A_390 = tpu.memref_slice %arg17[%dma_start3A_388, %dma_start3A_389] : memref<10000x64xf32, #tpu.memory_space<vmem_shared>> -> memref<10000x64xf32, #tpu.memory_space<vmem_shared>>
      tpu.enqueue_indirect_dma source(%arg15 : memref<125x64xf32, #tpu.memory_space<vmem>>) target(%dma_start3A_390 : memref<10000x64xf32, #tpu.memory_space<vmem_shared>>) offsets(%dma_start3A_387 : memref<125xi32, #tpu.memory_space<vmem>>) semaphore(%arg32 : memref<!tpu.dma_semaphore, #tpu.memory_space<semaphore_mem>>) {add = true}
      %add3A_391 = arith.constant 7 : i32
      %add3A_392 = arith.addi %add3A_278, %add3A_391 : i32
      %dma_wait3A_393 = arith.constant 0 : i32
      %dma_wait3A_394 = tpu.memref_slice %arg7[%add3A_392, %dma_wait3A_393] : memref<80x125xi32, #tpu.memory_space<vmem>> -> memref<1x125xi32, #tpu.memory_space<vmem>>
      %dma_wait3A_395 = tpu.memref_squeeze %dma_wait3A_394 : memref<1x125xi32, #tpu.memory_space<vmem>> -> memref<125xi32, #tpu.memory_space<vmem>>
      %dma_wait3A_396 = arith.constant 0 : i32
      %dma_wait3A_397 = arith.constant 0 : i32
      %dma_wait3A_398 = tpu.memref_slice %arg2[%dma_wait3A_396, %dma_wait3A_397] : memref<10000x64xf32, #tpu.memory_space<hbm>> -> memref<10000x64xf32, #tpu.memory_space<hbm>>
      tpu.wait_indirect_dma semaphore(%arg25 : memref<!tpu.dma_semaphore, #tpu.memory_space<semaphore_mem>>) src(%dma_wait3A_398 : memref<10000x64xf32, #tpu.memory_space<hbm>>) dst(%arg16 : memref<125x64xf32, #tpu.memory_space<vmem>>)
      %add3A_399 = arith.constant 7 : i32
      %add3A_400 = arith.addi %add3A_278, %add3A_399 : i32
      %dma_start3A_401 = arith.constant 0 : i32
      %dma_start3A_402 = tpu.memref_slice %arg8[%add3A_400, %dma_start3A_401] : memref<80x125xi32, #tpu.memory_space<vmem>> -> memref<1x125xi32, #tpu.memory_space<vmem>>
      %dma_start3A_403 = tpu.memref_squeeze %dma_start3A_402 : memref<1x125xi32, #tpu.memory_space<vmem>> -> memref<125xi32, #tpu.memory_space<vmem>>
      %dma_start3A_404 = arith.constant 0 : i32
      %dma_start3A_405 = arith.constant 0 : i32
      %dma_start3A_406 = tpu.memref_slice %arg17[%dma_start3A_404, %dma_start3A_405] : memref<10000x64xf32, #tpu.memory_space<vmem_shared>> -> memref<10000x64xf32, #tpu.memory_space<vmem_shared>>
      tpu.enqueue_indirect_dma source(%arg16 : memref<125x64xf32, #tpu.memory_space<vmem>>) target(%dma_start3A_406 : memref<10000x64xf32, #tpu.memory_space<vmem_shared>>) offsets(%dma_start3A_403 : memref<125xi32, #tpu.memory_space<vmem>>) semaphore(%arg33 : memref<!tpu.dma_semaphore, #tpu.memory_space<semaphore_mem>>) {add = true}
      %add3A_407 = arith.constant 0 : i32
      %add3A_408 = arith.addi %add3A_278, %add3A_407 : i32
      %dma_wait3A_409 = arith.constant 0 : i32
      %dma_wait3A_410 = tpu.memref_slice %arg8[%add3A_408, %dma_wait3A_409] : memref<80x125xi32, #tpu.memory_space<vmem>> -> memref<1x125xi32, #tpu.memory_space<vmem>>
      %dma_wait3A_411 = tpu.memref_squeeze %dma_wait3A_410 : memref<1x125xi32, #tpu.memory_space<vmem>> -> memref<125xi32, #tpu.memory_space<vmem>>
      %dma_wait3A_412 = arith.constant 0 : i32
      %dma_wait3A_413 = arith.constant 0 : i32
      %dma_wait3A_414 = tpu.memref_slice %arg17[%dma_wait3A_412, %dma_wait3A_413] : memref<10000x64xf32, #tpu.memory_space<vmem_shared>> -> memref<10000x64xf32, #tpu.memory_space<vmem_shared>>
      tpu.wait_indirect_dma semaphore(%arg26 : memref<!tpu.dma_semaphore, #tpu.memory_space<semaphore_mem>>) src(%arg9 : memref<125x64xf32, #tpu.memory_space<vmem>>) dst(%dma_wait3A_414 : memref<10000x64xf32, #tpu.memory_space<vmem_shared>>)
      %add3A_415 = arith.constant 0 : i32
      %add3A_416 = arith.addi %add3A_278, %add3A_415 : i32
      %add3A_417 = arith.constant 8 : i32
      %add3A_418 = arith.addi %add3A_416, %add3A_417 : i32
      %dma_start3A_419 = arith.constant 0 : i32
      %dma_start3A_420 = tpu.memref_slice %arg7[%add3A_418, %dma_start3A_419] : memref<80x125xi32, #tpu.memory_space<vmem>> -> memref<1x125xi32, #tpu.memory_space<vmem>>
      %dma_start3A_421 = tpu.memref_squeeze %dma_start3A_420 : memref<1x125xi32, #tpu.memory_space<vmem>> -> memref<125xi32, #tpu.memory_space<vmem>>
      %dma_start3A_422 = arith.constant 0 : i32
      %dma_start3A_423 = arith.constant 0 : i32
      %dma_start3A_424 = tpu.memref_slice %arg2[%dma_start3A_422, %dma_start3A_423] : memref<10000x64xf32, #tpu.memory_space<hbm>> -> memref<10000x64xf32, #tpu.memory_space<hbm>>
      tpu.enqueue_indirect_dma source(%dma_start3A_424 : memref<10000x64xf32, #tpu.memory_space<hbm>>) target(%arg9 : memref<125x64xf32, #tpu.memory_space<vmem>>) offsets(%dma_start3A_421 : memref<125xi32, #tpu.memory_space<vmem>>) semaphore(%arg18 : memref<!tpu.dma_semaphore, #tpu.memory_space<semaphore_mem>>)
      %add3A_425 = arith.constant 1 : i32
      %add3A_426 = arith.addi %add3A_278, %add3A_425 : i32
      %dma_wait3A_427 = arith.constant 0 : i32
      %dma_wait3A_428 = tpu.memref_slice %arg8[%add3A_426, %dma_wait3A_427] : memref<80x125xi32, #tpu.memory_space<vmem>> -> memref<1x125xi32, #tpu.memory_space<vmem>>
      %dma_wait3A_429 = tpu.memref_squeeze %dma_wait3A_428 : memref<1x125xi32, #tpu.memory_space<vmem>> -> memref<125xi32, #tpu.memory_space<vmem>>
      %dma_wait3A_430 = arith.constant 0 : i32
      %dma_wait3A_431 = arith.constant 0 : i32
      %dma_wait3A_432 = tpu.memref_slice %arg17[%dma_wait3A_430, %dma_wait3A_431] : memref<10000x64xf32, #tpu.memory_space<vmem_shared>> -> memref<10000x64xf32, #tpu.memory_space<vmem_shared>>
      tpu.wait_indirect_dma semaphore(%arg27 : memref<!tpu.dma_semaphore, #tpu.memory_space<semaphore_mem>>) src(%arg10 : memref<125x64xf32, #tpu.memory_space<vmem>>) dst(%dma_wait3A_432 : memref<10000x64xf32, #tpu.memory_space<vmem_shared>>)
      %add3A_433 = arith.constant 1 : i32
      %add3A_434 = arith.addi %add3A_278, %add3A_433 : i32
      %add3A_435 = arith.constant 8 : i32
      %add3A_436 = arith.addi %add3A_434, %add3A_435 : i32
      %dma_start3A_437 = arith.constant 0 : i32
      %dma_start3A_438 = tpu.memref_slice %arg7[%add3A_436, %dma_start3A_437] : memref<80x125xi32, #tpu.memory_space<vmem>> -> memref<1x125xi32, #tpu.memory_space<vmem>>
      %dma_start3A_439 = tpu.memref_squeeze %dma_start3A_438 : memref<1x125xi32, #tpu.memory_space<vmem>> -> memref<125xi32, #tpu.memory_space<vmem>>
      %dma_start3A_440 = arith.constant 0 : i32
      %dma_start3A_441 = arith.constant 0 : i32
      %dma_start3A_442 = tpu.memref_slice %arg2[%dma_start3A_440, %dma_start3A_441] : memref<10000x64xf32, #tpu.memory_space<hbm>> -> memref<10000x64xf32, #tpu.memory_space<hbm>>
      tpu.enqueue_indirect_dma source(%dma_start3A_442 : memref<10000x64xf32, #tpu.memory_space<hbm>>) target(%arg10 : memref<125x64xf32, #tpu.memory_space<vmem>>) offsets(%dma_start3A_439 : memref<125xi32, #tpu.memory_space<vmem>>) semaphore(%arg19 : memref<!tpu.dma_semaphore, #tpu.memory_space<semaphore_mem>>)
      %add3A_443 = arith.constant 2 : i32
      %add3A_444 = arith.addi %add3A_278, %add3A_443 : i32
      %dma_wait3A_445 = arith.constant 0 : i32
      %dma_wait3A_446 = tpu.memref_slice %arg8[%add3A_444, %dma_wait3A_445] : memref<80x125xi32, #tpu.memory_space<vmem>> -> memref<1x125xi32, #tpu.memory_space<vmem>>
      %dma_wait3A_447 = tpu.memref_squeeze %dma_wait3A_446 : memref<1x125xi32, #tpu.memory_space<vmem>> -> memref<125xi32, #tpu.memory_space<vmem>>
      %dma_wait3A_448 = arith.constant 0 : i32
      %dma_wait3A_449 = arith.constant 0 : i32
      %dma_wait3A_450 = tpu.memref_slice %arg17[%dma_wait3A_448, %dma_wait3A_449] : memref<10000x64xf32, #tpu.memory_space<vmem_shared>> -> memref<10000x64xf32, #tpu.memory_space<vmem_shared>>
      tpu.wait_indirect_dma semaphore(%arg28 : memref<!tpu.dma_semaphore, #tpu.memory_space<semaphore_mem>>) src(%arg11 : memref<125x64xf32, #tpu.memory_space<vmem>>) dst(%dma_wait3A_450 : memref<10000x64xf32, #tpu.memory_space<vmem_shared>>)
      %add3A_451 = arith.constant 2 : i32
      %add3A_452 = arith.addi %add3A_278, %add3A_451 : i32
      %add3A_453 = arith.constant 8 : i32
      %add3A_454 = arith.addi %add3A_452, %add3A_453 : i32
      %dma_start3A_455 = arith.constant 0 : i32
      %dma_start3A_456 = tpu.memref_slice %arg7[%add3A_454, %dma_start3A_455] : memref<80x125xi32, #tpu.memory_space<vmem>> -> memref<1x125xi32, #tpu.memory_space<vmem>>
      %dma_start3A_457 = tpu.memref_squeeze %dma_start3A_456 : memref<1x125xi32, #tpu.memory_space<vmem>> -> memref<125xi32, #tpu.memory_space<vmem>>
      %dma_start3A_458 = arith.constant 0 : i32
      %dma_start3A_459 = arith.constant 0 : i32
      %dma_start3A_460 = tpu.memref_slice %arg2[%dma_start3A_458, %dma_start3A_459] : memref<10000x64xf32, #tpu.memory_space<hbm>> -> memref<10000x64xf32, #tpu.memory_space<hbm>>
      tpu.enqueue_indirect_dma source(%dma_start3A_460 : memref<10000x64xf32, #tpu.memory_space<hbm>>) target(%arg11 : memref<125x64xf32, #tpu.memory_space<vmem>>) offsets(%dma_start3A_457 : memref<125xi32, #tpu.memory_space<vmem>>) semaphore(%arg20 : memref<!tpu.dma_semaphore, #tpu.memory_space<semaphore_mem>>)
      %add3A_461 = arith.constant 3 : i32
      %add3A_462 = arith.addi %add3A_278, %add3A_461 : i32
      %dma_wait3A_463 = arith.constant 0 : i32
      %dma_wait3A_464 = tpu.memref_slice %arg8[%add3A_462, %dma_wait3A_463] : memref<80x125xi32, #tpu.memory_space<vmem>> -> memref<1x125xi32, #tpu.memory_space<vmem>>
      %dma_wait3A_465 = tpu.memref_squeeze %dma_wait3A_464 : memref<1x125xi32, #tpu.memory_space<vmem>> -> memref<125xi32, #tpu.memory_space<vmem>>
      %dma_wait3A_466 = arith.constant 0 : i32
      %dma_wait3A_467 = arith.constant 0 : i32
      %dma_wait3A_468 = tpu.memref_slice %arg17[%dma_wait3A_466, %dma_wait3A_467] : memref<10000x64xf32, #tpu.memory_space<vmem_shared>> -> memref<10000x64xf32, #tpu.memory_space<vmem_shared>>
      tpu.wait_indirect_dma semaphore(%arg29 : memref<!tpu.dma_semaphore, #tpu.memory_space<semaphore_mem>>) src(%arg12 : memref<125x64xf32, #tpu.memory_space<vmem>>) dst(%dma_wait3A_468 : memref<10000x64xf32, #tpu.memory_space<vmem_shared>>)
      %add3A_469 = arith.constant 3 : i32
      %add3A_470 = arith.addi %add3A_278, %add3A_469 : i32
      %add3A_471 = arith.constant 8 : i32
      %add3A_472 = arith.addi %add3A_470, %add3A_471 : i32
      %dma_start3A_473 = arith.constant 0 : i32
      %dma_start3A_474 = tpu.memref_slice %arg7[%add3A_472, %dma_start3A_473] : memref<80x125xi32, #tpu.memory_space<vmem>> -> memref<1x125xi32, #tpu.memory_space<vmem>>
      %dma_start3A_475 = tpu.memref_squeeze %dma_start3A_474 : memref<1x125xi32, #tpu.memory_space<vmem>> -> memref<125xi32, #tpu.memory_space<vmem>>
      %dma_start3A_476 = arith.constant 0 : i32
      %dma_start3A_477 = arith.constant 0 : i32
      %dma_start3A_478 = tpu.memref_slice %arg2[%dma_start3A_476, %dma_start3A_477] : memref<10000x64xf32, #tpu.memory_space<hbm>> -> memref<10000x64xf32, #tpu.memory_space<hbm>>
      tpu.enqueue_indirect_dma source(%dma_start3A_478 : memref<10000x64xf32, #tpu.memory_space<hbm>>) target(%arg12 : memref<125x64xf32, #tpu.memory_space<vmem>>) offsets(%dma_start3A_475 : memref<125xi32, #tpu.memory_space<vmem>>) semaphore(%arg21 : memref<!tpu.dma_semaphore, #tpu.memory_space<semaphore_mem>>)
      %add3A_479 = arith.constant 4 : i32
      %add3A_480 = arith.addi %add3A_278, %add3A_479 : i32
      %dma_wait3A_481 = arith.constant 0 : i32
      %dma_wait3A_482 = tpu.memref_slice %arg8[%add3A_480, %dma_wait3A_481] : memref<80x125xi32, #tpu.memory_space<vmem>> -> memref<1x125xi32, #tpu.memory_space<vmem>>
      %dma_wait3A_483 = tpu.memref_squeeze %dma_wait3A_482 : memref<1x125xi32, #tpu.memory_space<vmem>> -> memref<125xi32, #tpu.memory_space<vmem>>
      %dma_wait3A_484 = arith.constant 0 : i32
      %dma_wait3A_485 = arith.constant 0 : i32
      %dma_wait3A_486 = tpu.memref_slice %arg17[%dma_wait3A_484, %dma_wait3A_485] : memref<10000x64xf32, #tpu.memory_space<vmem_shared>> -> memref<10000x64xf32, #tpu.memory_space<vmem_shared>>
      tpu.wait_indirect_dma semaphore(%arg30 : memref<!tpu.dma_semaphore, #tpu.memory_space<semaphore_mem>>) src(%arg13 : memref<125x64xf32, #tpu.memory_space<vmem>>) dst(%dma_wait3A_486 : memref<10000x64xf32, #tpu.memory_space<vmem_shared>>)
      %add3A_487 = arith.constant 4 : i32
      %add3A_488 = arith.addi %add3A_278, %add3A_487 : i32
      %add3A_489 = arith.constant 8 : i32
      %add3A_490 = arith.addi %add3A_488, %add3A_489 : i32
      %dma_start3A_491 = arith.constant 0 : i32
      %dma_start3A_492 = tpu.memref_slice %arg7[%add3A_490, %dma_start3A_491] : memref<80x125xi32, #tpu.memory_space<vmem>> -> memref<1x125xi32, #tpu.memory_space<vmem>>
      %dma_start3A_493 = tpu.memref_squeeze %dma_start3A_492 : memref<1x125xi32, #tpu.memory_space<vmem>> -> memref<125xi32, #tpu.memory_space<vmem>>
      %dma_start3A_494 = arith.constant 0 : i32
      %dma_start3A_495 = arith.constant 0 : i32
      %dma_start3A_496 = tpu.memref_slice %arg2[%dma_start3A_494, %dma_start3A_495] : memref<10000x64xf32, #tpu.memory_space<hbm>> -> memref<10000x64xf32, #tpu.memory_space<hbm>>
      tpu.enqueue_indirect_dma source(%dma_start3A_496 : memref<10000x64xf32, #tpu.memory_space<hbm>>) target(%arg13 : memref<125x64xf32, #tpu.memory_space<vmem>>) offsets(%dma_start3A_493 : memref<125xi32, #tpu.memory_space<vmem>>) semaphore(%arg22 : memref<!tpu.dma_semaphore, #tpu.memory_space<semaphore_mem>>)
      %add3A_497 = arith.constant 5 : i32
      %add3A_498 = arith.addi %add3A_278, %add3A_497 : i32
      %dma_wait3A_499 = arith.constant 0 : i32
      %dma_wait3A_500 = tpu.memref_slice %arg8[%add3A_498, %dma_wait3A_499] : memref<80x125xi32, #tpu.memory_space<vmem>> -> memref<1x125xi32, #tpu.memory_space<vmem>>
      %dma_wait3A_501 = tpu.memref_squeeze %dma_wait3A_500 : memref<1x125xi32, #tpu.memory_space<vmem>> -> memref<125xi32, #tpu.memory_space<vmem>>
      %dma_wait3A_502 = arith.constant 0 : i32
      %dma_wait3A_503 = arith.constant 0 : i32
      %dma_wait3A_504 = tpu.memref_slice %arg17[%dma_wait3A_502, %dma_wait3A_503] : memref<10000x64xf32, #tpu.memory_space<vmem_shared>> -> memref<10000x64xf32, #tpu.memory_space<vmem_shared>>
      tpu.wait_indirect_dma semaphore(%arg31 : memref<!tpu.dma_semaphore, #tpu.memory_space<semaphore_mem>>) src(%arg14 : memref<125x64xf32, #tpu.memory_space<vmem>>) dst(%dma_wait3A_504 : memref<10000x64xf32, #tpu.memory_space<vmem_shared>>)
      %add3A_505 = arith.constant 5 : i32
      %add3A_506 = arith.addi %add3A_278, %add3A_505 : i32
      %add3A_507 = arith.constant 8 : i32
      %add3A_508 = arith.addi %add3A_506, %add3A_507 : i32
      %dma_start3A_509 = arith.constant 0 : i32
      %dma_start3A_510 = tpu.memref_slice %arg7[%add3A_508, %dma_start3A_509] : memref<80x125xi32, #tpu.memory_space<vmem>> -> memref<1x125xi32, #tpu.memory_space<vmem>>
      %dma_start3A_511 = tpu.memref_squeeze %dma_start3A_510 : memref<1x125xi32, #tpu.memory_space<vmem>> -> memref<125xi32, #tpu.memory_space<vmem>>
      %dma_start3A_512 = arith.constant 0 : i32
      %dma_start3A_513 = arith.constant 0 : i32
      %dma_start3A_514 = tpu.memref_slice %arg2[%dma_start3A_512, %dma_start3A_513] : memref<10000x64xf32, #tpu.memory_space<hbm>> -> memref<10000x64xf32, #tpu.memory_space<hbm>>
      tpu.enqueue_indirect_dma source(%dma_start3A_514 : memref<10000x64xf32, #tpu.memory_space<hbm>>) target(%arg14 : memref<125x64xf32, #tpu.memory_space<vmem>>) offsets(%dma_start3A_511 : memref<125xi32, #tpu.memory_space<vmem>>) semaphore(%arg23 : memref<!tpu.dma_semaphore, #tpu.memory_space<semaphore_mem>>)
      %add3A_515 = arith.constant 6 : i32
      %add3A_516 = arith.addi %add3A_278, %add3A_515 : i32
      %dma_wait3A_517 = arith.constant 0 : i32
      %dma_wait3A_518 = tpu.memref_slice %arg8[%add3A_516, %dma_wait3A_517] : memref<80x125xi32, #tpu.memory_space<vmem>> -> memref<1x125xi32, #tpu.memory_space<vmem>>
      %dma_wait3A_519 = tpu.memref_squeeze %dma_wait3A_518 : memref<1x125xi32, #tpu.memory_space<vmem>> -> memref<125xi32, #tpu.memory_space<vmem>>
      %dma_wait3A_520 = arith.constant 0 : i32
      %dma_wait3A_521 = arith.constant 0 : i32
      %dma_wait3A_522 = tpu.memref_slice %arg17[%dma_wait3A_520, %dma_wait3A_521] : memref<10000x64xf32, #tpu.memory_space<vmem_shared>> -> memref<10000x64xf32, #tpu.memory_space<vmem_shared>>
      tpu.wait_indirect_dma semaphore(%arg32 : memref<!tpu.dma_semaphore, #tpu.memory_space<semaphore_mem>>) src(%arg15 : memref<125x64xf32, #tpu.memory_space<vmem>>) dst(%dma_wait3A_522 : memref<10000x64xf32, #tpu.memory_space<vmem_shared>>)
      %add3A_523 = arith.constant 6 : i32
      %add3A_524 = arith.addi %add3A_278, %add3A_523 : i32
      %add3A_525 = arith.constant 8 : i32
      %add3A_526 = arith.addi %add3A_524, %add3A_525 : i32
      %dma_start3A_527 = arith.constant 0 : i32
      %dma_start3A_528 = tpu.memref_slice %arg7[%add3A_526, %dma_start3A_527] : memref<80x125xi32, #tpu.memory_space<vmem>> -> memref<1x125xi32, #tpu.memory_space<vmem>>
      %dma_start3A_529 = tpu.memref_squeeze %dma_start3A_528 : memref<1x125xi32, #tpu.memory_space<vmem>> -> memref<125xi32, #tpu.memory_space<vmem>>
      %dma_start3A_530 = arith.constant 0 : i32
      %dma_start3A_531 = arith.constant 0 : i32
      %dma_start3A_532 = tpu.memref_slice %arg2[%dma_start3A_530, %dma_start3A_531] : memref<10000x64xf32, #tpu.memory_space<hbm>> -> memref<10000x64xf32, #tpu.memory_space<hbm>>
      tpu.enqueue_indirect_dma source(%dma_start3A_532 : memref<10000x64xf32, #tpu.memory_space<hbm>>) target(%arg15 : memref<125x64xf32, #tpu.memory_space<vmem>>) offsets(%dma_start3A_529 : memref<125xi32, #tpu.memory_space<vmem>>) semaphore(%arg24 : memref<!tpu.dma_semaphore, #tpu.memory_space<semaphore_mem>>)
      %add3A_533 = arith.constant 7 : i32
      %add3A_534 = arith.addi %add3A_278, %add3A_533 : i32
      %dma_wait3A_535 = arith.constant 0 : i32
      %dma_wait3A_536 = tpu.memref_slice %arg8[%add3A_534, %dma_wait3A_535] : memref<80x125xi32, #tpu.memory_space<vmem>> -> memref<1x125xi32, #tpu.memory_space<vmem>>
      %dma_wait3A_537 = tpu.memref_squeeze %dma_wait3A_536 : memref<1x125xi32, #tpu.memory_space<vmem>> -> memref<125xi32, #tpu.memory_space<vmem>>
      %dma_wait3A_538 = arith.constant 0 : i32
      %dma_wait3A_539 = arith.constant 0 : i32
      %dma_wait3A_540 = tpu.memref_slice %arg17[%dma_wait3A_538, %dma_wait3A_539] : memref<10000x64xf32, #tpu.memory_space<vmem_shared>> -> memref<10000x64xf32, #tpu.memory_space<vmem_shared>>
      tpu.wait_indirect_dma semaphore(%arg33 : memref<!tpu.dma_semaphore, #tpu.memory_space<semaphore_mem>>) src(%arg16 : memref<125x64xf32, #tpu.memory_space<vmem>>) dst(%dma_wait3A_540 : memref<10000x64xf32, #tpu.memory_space<vmem_shared>>)
      %add3A_541 = arith.constant 7 : i32
      %add3A_542 = arith.addi %add3A_278, %add3A_541 : i32
      %add3A_543 = arith.constant 8 : i32
      %add3A_544 = arith.addi %add3A_542, %add3A_543 : i32
      %dma_start3A_545 = arith.constant 0 : i32
      %dma_start3A_546 = tpu.memref_slice %arg7[%add3A_544, %dma_start3A_545] : memref<80x125xi32, #tpu.memory_space<vmem>> -> memref<1x125xi32, #tpu.memory_space<vmem>>
      %dma_start3A_547 = tpu.memref_squeeze %dma_start3A_546 : memref<1x125xi32, #tpu.memory_space<vmem>> -> memref<125xi32, #tpu.memory_space<vmem>>
      %dma_start3A_548 = arith.constant 0 : i32
      %dma_start3A_549 = arith.constant 0 : i32
      %dma_start3A_550 = tpu.memref_slice %arg2[%dma_start3A_548, %dma_start3A_549] : memref<10000x64xf32, #tpu.memory_space<hbm>> -> memref<10000x64xf32, #tpu.memory_space<hbm>>
      tpu.enqueue_indirect_dma source(%dma_start3A_550 : memref<10000x64xf32, #tpu.memory_space<hbm>>) target(%arg16 : memref<125x64xf32, #tpu.memory_space<vmem>>) offsets(%dma_start3A_547 : memref<125xi32, #tpu.memory_space<vmem>>) semaphore(%arg25 : memref<!tpu.dma_semaphore, #tpu.memory_space<semaphore_mem>>)
    }
    %scan3A_85 = arith.constant 9 : i32
    %dma_wait3A_86 = arith.constant 72 : i32
    %dma_wait3A_87 = arith.constant 0 : i32
    %dma_wait3A_88 = tpu.memref_slice %arg7[%dma_wait3A_86, %dma_wait3A_87] : memref<80x125xi32, #tpu.memory_space<vmem>> -> memref<1x125xi32, #tpu.memory_space<vmem>>
    %dma_wait3A_89 = tpu.memref_squeeze %dma_wait3A_88 : memref<1x125xi32, #tpu.memory_space<vmem>> -> memref<125xi32, #tpu.memory_space<vmem>>
    %dma_wait3A_90 = arith.constant 0 : i32
    %dma_wait3A_91 = arith.constant 0 : i32
    %dma_wait3A_92 = tpu.memref_slice %arg2[%dma_wait3A_90, %dma_wait3A_91] : memref<10000x64xf32, #tpu.memory_space<hbm>> -> memref<10000x64xf32, #tpu.memory_space<hbm>>
    tpu.wait_indirect_dma semaphore(%arg18 : memref<!tpu.dma_semaphore, #tpu.memory_space<semaphore_mem>>) src(%dma_wait3A_92 : memref<10000x64xf32, #tpu.memory_space<hbm>>) dst(%arg9 : memref<125x64xf32, #tpu.memory_space<vmem>>)
    %dma_start3A_93 = arith.constant 72 : i32
    %dma_start3A_94 = arith.constant 0 : i32
    %dma_start3A_95 = tpu.memref_slice %arg8[%dma_start3A_93, %dma_start3A_94] : memref<80x125xi32, #tpu.memory_space<vmem>> -> memref<1x125xi32, #tpu.memory_space<vmem>>
    %dma_start3A_96 = tpu.memref_squeeze %dma_start3A_95 : memref<1x125xi32, #tpu.memory_space<vmem>> -> memref<125xi32, #tpu.memory_space<vmem>>
    %dma_start3A_97 = arith.constant 0 : i32
    %dma_start3A_98 = arith.constant 0 : i32
    %dma_start3A_99 = tpu.memref_slice %arg17[%dma_start3A_97, %dma_start3A_98] : memref<10000x64xf32, #tpu.memory_space<vmem_shared>> -> memref<10000x64xf32, #tpu.memory_space<vmem_shared>>
    tpu.enqueue_indirect_dma source(%arg9 : memref<125x64xf32, #tpu.memory_space<vmem>>) target(%dma_start3A_99 : memref<10000x64xf32, #tpu.memory_space<vmem_shared>>) offsets(%dma_start3A_96 : memref<125xi32, #tpu.memory_space<vmem>>) semaphore(%arg26 : memref<!tpu.dma_semaphore, #tpu.memory_space<semaphore_mem>>) {add = true}
    %dma_wait3A_100 = arith.constant 73 : i32
    %dma_wait3A_101 = arith.constant 0 : i32
    %dma_wait3A_102 = tpu.memref_slice %arg7[%dma_wait3A_100, %dma_wait3A_101] : memref<80x125xi32, #tpu.memory_space<vmem>> -> memref<1x125xi32, #tpu.memory_space<vmem>>
    %dma_wait3A_103 = tpu.memref_squeeze %dma_wait3A_102 : memref<1x125xi32, #tpu.memory_space<vmem>> -> memref<125xi32, #tpu.memory_space<vmem>>
    %dma_wait3A_104 = arith.constant 0 : i32
    %dma_wait3A_105 = arith.constant 0 : i32
    %dma_wait3A_106 = tpu.memref_slice %arg2[%dma_wait3A_104, %dma_wait3A_105] : memref<10000x64xf32, #tpu.memory_space<hbm>> -> memref<10000x64xf32, #tpu.memory_space<hbm>>
    tpu.wait_indirect_dma semaphore(%arg19 : memref<!tpu.dma_semaphore, #tpu.memory_space<semaphore_mem>>) src(%dma_wait3A_106 : memref<10000x64xf32, #tpu.memory_space<hbm>>) dst(%arg10 : memref<125x64xf32, #tpu.memory_space<vmem>>)
    %dma_start3A_107 = arith.constant 73 : i32
    %dma_start3A_108 = arith.constant 0 : i32
    %dma_start3A_109 = tpu.memref_slice %arg8[%dma_start3A_107, %dma_start3A_108] : memref<80x125xi32, #tpu.memory_space<vmem>> -> memref<1x125xi32, #tpu.memory_space<vmem>>
    %dma_start3A_110 = tpu.memref_squeeze %dma_start3A_109 : memref<1x125xi32, #tpu.memory_space<vmem>> -> memref<125xi32, #tpu.memory_space<vmem>>
    %dma_start3A_111 = arith.constant 0 : i32
    %dma_start3A_112 = arith.constant 0 : i32
    %dma_start3A_113 = tpu.memref_slice %arg17[%dma_start3A_111, %dma_start3A_112] : memref<10000x64xf32, #tpu.memory_space<vmem_shared>> -> memref<10000x64xf32, #tpu.memory_space<vmem_shared>>
    tpu.enqueue_indirect_dma source(%arg10 : memref<125x64xf32, #tpu.memory_space<vmem>>) target(%dma_start3A_113 : memref<10000x64xf32, #tpu.memory_space<vmem_shared>>) offsets(%dma_start3A_110 : memref<125xi32, #tpu.memory_space<vmem>>) semaphore(%arg27 : memref<!tpu.dma_semaphore, #tpu.memory_space<semaphore_mem>>) {add = true}
    %dma_wait3A_114 = arith.constant 74 : i32
    %dma_wait3A_115 = arith.constant 0 : i32
    %dma_wait3A_116 = tpu.memref_slice %arg7[%dma_wait3A_114, %dma_wait3A_115] : memref<80x125xi32, #tpu.memory_space<vmem>> -> memref<1x125xi32, #tpu.memory_space<vmem>>
    %dma_wait3A_117 = tpu.memref_squeeze %dma_wait3A_116 : memref<1x125xi32, #tpu.memory_space<vmem>> -> memref<125xi32, #tpu.memory_space<vmem>>
    %dma_wait3A_118 = arith.constant 0 : i32
    %dma_wait3A_119 = arith.constant 0 : i32
    %dma_wait3A_120 = tpu.memref_slice %arg2[%dma_wait3A_118, %dma_wait3A_119] : memref<10000x64xf32, #tpu.memory_space<hbm>> -> memref<10000x64xf32, #tpu.memory_space<hbm>>
    tpu.wait_indirect_dma semaphore(%arg20 : memref<!tpu.dma_semaphore, #tpu.memory_space<semaphore_mem>>) src(%dma_wait3A_120 : memref<10000x64xf32, #tpu.memory_space<hbm>>) dst(%arg11 : memref<125x64xf32, #tpu.memory_space<vmem>>)
    %dma_start3A_121 = arith.constant 74 : i32
    %dma_start3A_122 = arith.constant 0 : i32
    %dma_start3A_123 = tpu.memref_slice %arg8[%dma_start3A_121, %dma_start3A_122] : memref<80x125xi32, #tpu.memory_space<vmem>> -> memref<1x125xi32, #tpu.memory_space<vmem>>
    %dma_start3A_124 = tpu.memref_squeeze %dma_start3A_123 : memref<1x125xi32, #tpu.memory_space<vmem>> -> memref<125xi32, #tpu.memory_space<vmem>>
    %dma_start3A_125 = arith.constant 0 : i32
    %dma_start3A_126 = arith.constant 0 : i32
    %dma_start3A_127 = tpu.memref_slice %arg17[%dma_start3A_125, %dma_start3A_126] : memref<10000x64xf32, #tpu.memory_space<vmem_shared>> -> memref<10000x64xf32, #tpu.memory_space<vmem_shared>>
    tpu.enqueue_indirect_dma source(%arg11 : memref<125x64xf32, #tpu.memory_space<vmem>>) target(%dma_start3A_127 : memref<10000x64xf32, #tpu.memory_space<vmem_shared>>) offsets(%dma_start3A_124 : memref<125xi32, #tpu.memory_space<vmem>>) semaphore(%arg28 : memref<!tpu.dma_semaphore, #tpu.memory_space<semaphore_mem>>) {add = true}
    %dma_wait3A_128 = arith.constant 75 : i32
    %dma_wait3A_129 = arith.constant 0 : i32
    %dma_wait3A_130 = tpu.memref_slice %arg7[%dma_wait3A_128, %dma_wait3A_129] : memref<80x125xi32, #tpu.memory_space<vmem>> -> memref<1x125xi32, #tpu.memory_space<vmem>>
    %dma_wait3A_131 = tpu.memref_squeeze %dma_wait3A_130 : memref<1x125xi32, #tpu.memory_space<vmem>> -> memref<125xi32, #tpu.memory_space<vmem>>
    %dma_wait3A_132 = arith.constant 0 : i32
    %dma_wait3A_133 = arith.constant 0 : i32
    %dma_wait3A_134 = tpu.memref_slice %arg2[%dma_wait3A_132, %dma_wait3A_133] : memref<10000x64xf32, #tpu.memory_space<hbm>> -> memref<10000x64xf32, #tpu.memory_space<hbm>>
    tpu.wait_indirect_dma semaphore(%arg21 : memref<!tpu.dma_semaphore, #tpu.memory_space<semaphore_mem>>) src(%dma_wait3A_134 : memref<10000x64xf32, #tpu.memory_space<hbm>>) dst(%arg12 : memref<125x64xf32, #tpu.memory_space<vmem>>)
    %dma_start3A_135 = arith.constant 75 : i32
    %dma_start3A_136 = arith.constant 0 : i32
    %dma_start3A_137 = tpu.memref_slice %arg8[%dma_start3A_135, %dma_start3A_136] : memref<80x125xi32, #tpu.memory_space<vmem>> -> memref<1x125xi32, #tpu.memory_space<vmem>>
    %dma_start3A_138 = tpu.memref_squeeze %dma_start3A_137 : memref<1x125xi32, #tpu.memory_space<vmem>> -> memref<125xi32, #tpu.memory_space<vmem>>
    %dma_start3A_139 = arith.constant 0 : i32
    %dma_start3A_140 = arith.constant 0 : i32
    %dma_start3A_141 = tpu.memref_slice %arg17[%dma_start3A_139, %dma_start3A_140] : memref<10000x64xf32, #tpu.memory_space<vmem_shared>> -> memref<10000x64xf32, #tpu.memory_space<vmem_shared>>
    tpu.enqueue_indirect_dma source(%arg12 : memref<125x64xf32, #tpu.memory_space<vmem>>) target(%dma_start3A_141 : memref<10000x64xf32, #tpu.memory_space<vmem_shared>>) offsets(%dma_start3A_138 : memref<125xi32, #tpu.memory_space<vmem>>) semaphore(%arg29 : memref<!tpu.dma_semaphore, #tpu.memory_space<semaphore_mem>>) {add = true}
    %dma_wait3A_142 = arith.constant 76 : i32
    %dma_wait3A_143 = arith.constant 0 : i32
    %dma_wait3A_144 = tpu.memref_slice %arg7[%dma_wait3A_142, %dma_wait3A_143] : memref<80x125xi32, #tpu.memory_space<vmem>> -> memref<1x125xi32, #tpu.memory_space<vmem>>
    %dma_wait3A_145 = tpu.memref_squeeze %dma_wait3A_144 : memref<1x125xi32, #tpu.memory_space<vmem>> -> memref<125xi32, #tpu.memory_space<vmem>>
    %dma_wait3A_146 = arith.constant 0 : i32
    %dma_wait3A_147 = arith.constant 0 : i32
    %dma_wait3A_148 = tpu.memref_slice %arg2[%dma_wait3A_146, %dma_wait3A_147] : memref<10000x64xf32, #tpu.memory_space<hbm>> -> memref<10000x64xf32, #tpu.memory_space<hbm>>
    tpu.wait_indirect_dma semaphore(%arg22 : memref<!tpu.dma_semaphore, #tpu.memory_space<semaphore_mem>>) src(%dma_wait3A_148 : memref<10000x64xf32, #tpu.memory_space<hbm>>) dst(%arg13 : memref<125x64xf32, #tpu.memory_space<vmem>>)
    %dma_start3A_149 = arith.constant 76 : i32
    %dma_start3A_150 = arith.constant 0 : i32
    %dma_start3A_151 = tpu.memref_slice %arg8[%dma_start3A_149, %dma_start3A_150] : memref<80x125xi32, #tpu.memory_space<vmem>> -> memref<1x125xi32, #tpu.memory_space<vmem>>
    %dma_start3A_152 = tpu.memref_squeeze %dma_start3A_151 : memref<1x125xi32, #tpu.memory_space<vmem>> -> memref<125xi32, #tpu.memory_space<vmem>>
    %dma_start3A_153 = arith.constant 0 : i32
    %dma_start3A_154 = arith.constant 0 : i32
    %dma_start3A_155 = tpu.memref_slice %arg17[%dma_start3A_153, %dma_start3A_154] : memref<10000x64xf32, #tpu.memory_space<vmem_shared>> -> memref<10000x64xf32, #tpu.memory_space<vmem_shared>>
    tpu.enqueue_indirect_dma source(%arg13 : memref<125x64xf32, #tpu.memory_space<vmem>>) target(%dma_start3A_155 : memref<10000x64xf32, #tpu.memory_space<vmem_shared>>) offsets(%dma_start3A_152 : memref<125xi32, #tpu.memory_space<vmem>>) semaphore(%arg30 : memref<!tpu.dma_semaphore, #tpu.memory_space<semaphore_mem>>) {add = true}
    %dma_wait3A_156 = arith.constant 77 : i32
    %dma_wait3A_157 = arith.constant 0 : i32
    %dma_wait3A_158 = tpu.memref_slice %arg7[%dma_wait3A_156, %dma_wait3A_157] : memref<80x125xi32, #tpu.memory_space<vmem>> -> memref<1x125xi32, #tpu.memory_space<vmem>>
    %dma_wait3A_159 = tpu.memref_squeeze %dma_wait3A_158 : memref<1x125xi32, #tpu.memory_space<vmem>> -> memref<125xi32, #tpu.memory_space<vmem>>
    %dma_wait3A_160 = arith.constant 0 : i32
    %dma_wait3A_161 = arith.constant 0 : i32
    %dma_wait3A_162 = tpu.memref_slice %arg2[%dma_wait3A_160, %dma_wait3A_161] : memref<10000x64xf32, #tpu.memory_space<hbm>> -> memref<10000x64xf32, #tpu.memory_space<hbm>>
    tpu.wait_indirect_dma semaphore(%arg23 : memref<!tpu.dma_semaphore, #tpu.memory_space<semaphore_mem>>) src(%dma_wait3A_162 : memref<10000x64xf32, #tpu.memory_space<hbm>>) dst(%arg14 : memref<125x64xf32, #tpu.memory_space<vmem>>)
    %dma_start3A_163 = arith.constant 77 : i32
    %dma_start3A_164 = arith.constant 0 : i32
    %dma_start3A_165 = tpu.memref_slice %arg8[%dma_start3A_163, %dma_start3A_164] : memref<80x125xi32, #tpu.memory_space<vmem>> -> memref<1x125xi32, #tpu.memory_space<vmem>>
    %dma_start3A_166 = tpu.memref_squeeze %dma_start3A_165 : memref<1x125xi32, #tpu.memory_space<vmem>> -> memref<125xi32, #tpu.memory_space<vmem>>
    %dma_start3A_167 = arith.constant 0 : i32
    %dma_start3A_168 = arith.constant 0 : i32
    %dma_start3A_169 = tpu.memref_slice %arg17[%dma_start3A_167, %dma_start3A_168] : memref<10000x64xf32, #tpu.memory_space<vmem_shared>> -> memref<10000x64xf32, #tpu.memory_space<vmem_shared>>
    tpu.enqueue_indirect_dma source(%arg14 : memref<125x64xf32, #tpu.memory_space<vmem>>) target(%dma_start3A_169 : memref<10000x64xf32, #tpu.memory_space<vmem_shared>>) offsets(%dma_start3A_166 : memref<125xi32, #tpu.memory_space<vmem>>) semaphore(%arg31 : memref<!tpu.dma_semaphore, #tpu.memory_space<semaphore_mem>>) {add = true}
    %dma_wait3A_170 = arith.constant 78 : i32
    %dma_wait3A_171 = arith.constant 0 : i32
    %dma_wait3A_172 = tpu.memref_slice %arg7[%dma_wait3A_170, %dma_wait3A_171] : memref<80x125xi32, #tpu.memory_space<vmem>> -> memref<1x125xi32, #tpu.memory_space<vmem>>
    %dma_wait3A_173 = tpu.memref_squeeze %dma_wait3A_172 : memref<1x125xi32, #tpu.memory_space<vmem>> -> memref<125xi32, #tpu.memory_space<vmem>>
    %dma_wait3A_174 = arith.constant 0 : i32
    %dma_wait3A_175 = arith.constant 0 : i32
    %dma_wait3A_176 = tpu.memref_slice %arg2[%dma_wait3A_174, %dma_wait3A_175] : memref<10000x64xf32, #tpu.memory_space<hbm>> -> memref<10000x64xf32, #tpu.memory_space<hbm>>
    tpu.wait_indirect_dma semaphore(%arg24 : memref<!tpu.dma_semaphore, #tpu.memory_space<semaphore_mem>>) src(%dma_wait3A_176 : memref<10000x64xf32, #tpu.memory_space<hbm>>) dst(%arg15 : memref<125x64xf32, #tpu.memory_space<vmem>>)
    %dma_start3A_177 = arith.constant 78 : i32
    %dma_start3A_178 = arith.constant 0 : i32
    %dma_start3A_179 = tpu.memref_slice %arg8[%dma_start3A_177, %dma_start3A_178] : memref<80x125xi32, #tpu.memory_space<vmem>> -> memref<1x125xi32, #tpu.memory_space<vmem>>
    %dma_start3A_180 = tpu.memref_squeeze %dma_start3A_179 : memref<1x125xi32, #tpu.memory_space<vmem>> -> memref<125xi32, #tpu.memory_space<vmem>>
    %dma_start3A_181 = arith.constant 0 : i32
    %dma_start3A_182 = arith.constant 0 : i32
    %dma_start3A_183 = tpu.memref_slice %arg17[%dma_start3A_181, %dma_start3A_182] : memref<10000x64xf32, #tpu.memory_space<vmem_shared>> -> memref<10000x64xf32, #tpu.memory_space<vmem_shared>>
    tpu.enqueue_indirect_dma source(%arg15 : memref<125x64xf32, #tpu.memory_space<vmem>>) target(%dma_start3A_183 : memref<10000x64xf32, #tpu.memory_space<vmem_shared>>) offsets(%dma_start3A_180 : memref<125xi32, #tpu.memory_space<vmem>>) semaphore(%arg32 : memref<!tpu.dma_semaphore, #tpu.memory_space<semaphore_mem>>) {add = true}
    %dma_wait3A_184 = arith.constant 79 : i32
    %dma_wait3A_185 = arith.constant 0 : i32
    %dma_wait3A_186 = tpu.memref_slice %arg7[%dma_wait3A_184, %dma_wait3A_185] : memref<80x125xi32, #tpu.memory_space<vmem>> -> memref<1x125xi32, #tpu.memory_space<vmem>>
    %dma_wait3A_187 = tpu.memref_squeeze %dma_wait3A_186 : memref<1x125xi32, #tpu.memory_space<vmem>> -> memref<125xi32, #tpu.memory_space<vmem>>
    %dma_wait3A_188 = arith.constant 0 : i32
    %dma_wait3A_189 = arith.constant 0 : i32
    %dma_wait3A_190 = tpu.memref_slice %arg2[%dma_wait3A_188, %dma_wait3A_189] : memref<10000x64xf32, #tpu.memory_space<hbm>> -> memref<10000x64xf32, #tpu.memory_space<hbm>>
    tpu.wait_indirect_dma semaphore(%arg25 : memref<!tpu.dma_semaphore, #tpu.memory_space<semaphore_mem>>) src(%dma_wait3A_190 : memref<10000x64xf32, #tpu.memory_space<hbm>>) dst(%arg16 : memref<125x64xf32, #tpu.memory_space<vmem>>)
    %dma_start3A_191 = arith.constant 79 : i32
    %dma_start3A_192 = arith.constant 0 : i32
    %dma_start3A_193 = tpu.memref_slice %arg8[%dma_start3A_191, %dma_start3A_192] : memref<80x125xi32, #tpu.memory_space<vmem>> -> memref<1x125xi32, #tpu.memory_space<vmem>>
    %dma_start3A_194 = tpu.memref_squeeze %dma_start3A_193 : memref<1x125xi32, #tpu.memory_space<vmem>> -> memref<125xi32, #tpu.memory_space<vmem>>
    %dma_start3A_195 = arith.constant 0 : i32
    %dma_start3A_196 = arith.constant 0 : i32
    %dma_start3A_197 = tpu.memref_slice %arg17[%dma_start3A_195, %dma_start3A_196] : memref<10000x64xf32, #tpu.memory_space<vmem_shared>> -> memref<10000x64xf32, #tpu.memory_space<vmem_shared>>
    tpu.enqueue_indirect_dma source(%arg16 : memref<125x64xf32, #tpu.memory_space<vmem>>) target(%dma_start3A_197 : memref<10000x64xf32, #tpu.memory_space<vmem_shared>>) offsets(%dma_start3A_194 : memref<125xi32, #tpu.memory_space<vmem>>) semaphore(%arg33 : memref<!tpu.dma_semaphore, #tpu.memory_space<semaphore_mem>>) {add = true}
    %dma_wait3A_198 = arith.constant 72 : i32
    %dma_wait3A_199 = arith.constant 0 : i32
    %dma_wait3A_200 = tpu.memref_slice %arg8[%dma_wait3A_198, %dma_wait3A_199] : memref<80x125xi32, #tpu.memory_space<vmem>> -> memref<1x125xi32, #tpu.memory_space<vmem>>
    %dma_wait3A_201 = tpu.memref_squeeze %dma_wait3A_200 : memref<1x125xi32, #tpu.memory_space<vmem>> -> memref<125xi32, #tpu.memory_space<vmem>>
    %dma_wait3A_202 = arith.constant 0 : i32
    %dma_wait3A_203 = arith.constant 0 : i32
    %dma_wait3A_204 = tpu.memref_slice %arg17[%dma_wait3A_202, %dma_wait3A_203] : memref<10000x64xf32, #tpu.memory_space<vmem_shared>> -> memref<10000x64xf32, #tpu.memory_space<vmem_shared>>
    tpu.wait_indirect_dma semaphore(%arg26 : memref<!tpu.dma_semaphore, #tpu.memory_space<semaphore_mem>>) src(%arg9 : memref<125x64xf32, #tpu.memory_space<vmem>>) dst(%dma_wait3A_204 : memref<10000x64xf32, #tpu.memory_space<vmem_shared>>)
    %dma_wait3A_205 = arith.constant 73 : i32
    %dma_wait3A_206 = arith.constant 0 : i32
    %dma_wait3A_207 = tpu.memref_slice %arg8[%dma_wait3A_205, %dma_wait3A_206] : memref<80x125xi32, #tpu.memory_space<vmem>> -> memref<1x125xi32, #tpu.memory_space<vmem>>
    %dma_wait3A_208 = tpu.memref_squeeze %dma_wait3A_207 : memref<1x125xi32, #tpu.memory_space<vmem>> -> memref<125xi32, #tpu.memory_space<vmem>>
    %dma_wait3A_209 = arith.constant 0 : i32
    %dma_wait3A_210 = arith.constant 0 : i32
    %dma_wait3A_211 = tpu.memref_slice %arg17[%dma_wait3A_209, %dma_wait3A_210] : memref<10000x64xf32, #tpu.memory_space<vmem_shared>> -> memref<10000x64xf32, #tpu.memory_space<vmem_shared>>
    tpu.wait_indirect_dma semaphore(%arg27 : memref<!tpu.dma_semaphore, #tpu.memory_space<semaphore_mem>>) src(%arg10 : memref<125x64xf32, #tpu.memory_space<vmem>>) dst(%dma_wait3A_211 : memref<10000x64xf32, #tpu.memory_space<vmem_shared>>)
    %dma_wait3A_212 = arith.constant 74 : i32
    %dma_wait3A_213 = arith.constant 0 : i32
    %dma_wait3A_214 = tpu.memref_slice %arg8[%dma_wait3A_212, %dma_wait3A_213] : memref<80x125xi32, #tpu.memory_space<vmem>> -> memref<1x125xi32, #tpu.memory_space<vmem>>
    %dma_wait3A_215 = tpu.memref_squeeze %dma_wait3A_214 : memref<1x125xi32, #tpu.memory_space<vmem>> -> memref<125xi32, #tpu.memory_space<vmem>>
    %dma_wait3A_216 = arith.constant 0 : i32
    %dma_wait3A_217 = arith.constant 0 : i32
    %dma_wait3A_218 = tpu.memref_slice %arg17[%dma_wait3A_216, %dma_wait3A_217] : memref<10000x64xf32, #tpu.memory_space<vmem_shared>> -> memref<10000x64xf32, #tpu.memory_space<vmem_shared>>
    tpu.wait_indirect_dma semaphore(%arg28 : memref<!tpu.dma_semaphore, #tpu.memory_space<semaphore_mem>>) src(%arg11 : memref<125x64xf32, #tpu.memory_space<vmem>>) dst(%dma_wait3A_218 : memref<10000x64xf32, #tpu.memory_space<vmem_shared>>)
    %dma_wait3A_219 = arith.constant 75 : i32
    %dma_wait3A_220 = arith.constant 0 : i32
    %dma_wait3A_221 = tpu.memref_slice %arg8[%dma_wait3A_219, %dma_wait3A_220] : memref<80x125xi32, #tpu.memory_space<vmem>> -> memref<1x125xi32, #tpu.memory_space<vmem>>
    %dma_wait3A_222 = tpu.memref_squeeze %dma_wait3A_221 : memref<1x125xi32, #tpu.memory_space<vmem>> -> memref<125xi32, #tpu.memory_space<vmem>>
    %dma_wait3A_223 = arith.constant 0 : i32
    %dma_wait3A_224 = arith.constant 0 : i32
    %dma_wait3A_225 = tpu.memref_slice %arg17[%dma_wait3A_223, %dma_wait3A_224] : memref<10000x64xf32, #tpu.memory_space<vmem_shared>> -> memref<10000x64xf32, #tpu.memory_space<vmem_shared>>
    tpu.wait_indirect_dma semaphore(%arg29 : memref<!tpu.dma_semaphore, #tpu.memory_space<semaphore_mem>>) src(%arg12 : memref<125x64xf32, #tpu.memory_space<vmem>>) dst(%dma_wait3A_225 : memref<10000x64xf32, #tpu.memory_space<vmem_shared>>)
    %dma_wait3A_226 = arith.constant 76 : i32
    %dma_wait3A_227 = arith.constant 0 : i32
    %dma_wait3A_228 = tpu.memref_slice %arg8[%dma_wait3A_226, %dma_wait3A_227] : memref<80x125xi32, #tpu.memory_space<vmem>> -> memref<1x125xi32, #tpu.memory_space<vmem>>
    %dma_wait3A_229 = tpu.memref_squeeze %dma_wait3A_228 : memref<1x125xi32, #tpu.memory_space<vmem>> -> memref<125xi32, #tpu.memory_space<vmem>>
    %dma_wait3A_230 = arith.constant 0 : i32
    %dma_wait3A_231 = arith.constant 0 : i32
    %dma_wait3A_232 = tpu.memref_slice %arg17[%dma_wait3A_230, %dma_wait3A_231] : memref<10000x64xf32, #tpu.memory_space<vmem_shared>> -> memref<10000x64xf32, #tpu.memory_space<vmem_shared>>
    tpu.wait_indirect_dma semaphore(%arg30 : memref<!tpu.dma_semaphore, #tpu.memory_space<semaphore_mem>>) src(%arg13 : memref<125x64xf32, #tpu.memory_space<vmem>>) dst(%dma_wait3A_232 : memref<10000x64xf32, #tpu.memory_space<vmem_shared>>)
    %dma_wait3A_233 = arith.constant 77 : i32
    %dma_wait3A_234 = arith.constant 0 : i32
    %dma_wait3A_235 = tpu.memref_slice %arg8[%dma_wait3A_233, %dma_wait3A_234] : memref<80x125xi32, #tpu.memory_space<vmem>> -> memref<1x125xi32, #tpu.memory_space<vmem>>
    %dma_wait3A_236 = tpu.memref_squeeze %dma_wait3A_235 : memref<1x125xi32, #tpu.memory_space<vmem>> -> memref<125xi32, #tpu.memory_space<vmem>>
    %dma_wait3A_237 = arith.constant 0 : i32
    %dma_wait3A_238 = arith.constant 0 : i32
    %dma_wait3A_239 = tpu.memref_slice %arg17[%dma_wait3A_237, %dma_wait3A_238] : memref<10000x64xf32, #tpu.memory_space<vmem_shared>> -> memref<10000x64xf32, #tpu.memory_space<vmem_shared>>
    tpu.wait_indirect_dma semaphore(%arg31 : memref<!tpu.dma_semaphore, #tpu.memory_space<semaphore_mem>>) src(%arg14 : memref<125x64xf32, #tpu.memory_space<vmem>>) dst(%dma_wait3A_239 : memref<10000x64xf32, #tpu.memory_space<vmem_shared>>)
    %dma_wait3A_240 = arith.constant 78 : i32
    %dma_wait3A_241 = arith.constant 0 : i32
    %dma_wait3A_242 = tpu.memref_slice %arg8[%dma_wait3A_240, %dma_wait3A_241] : memref<80x125xi32, #tpu.memory_space<vmem>> -> memref<1x125xi32, #tpu.memory_space<vmem>>
    %dma_wait3A_243 = tpu.memref_squeeze %dma_wait3A_242 : memref<1x125xi32, #tpu.memory_space<vmem>> -> memref<125xi32, #tpu.memory_space<vmem>>
    %dma_wait3A_244 = arith.constant 0 : i32
    %dma_wait3A_245 = arith.constant 0 : i32
    %dma_wait3A_246 = tpu.memref_slice %arg17[%dma_wait3A_244, %dma_wait3A_245] : memref<10000x64xf32, #tpu.memory_space<vmem_shared>> -> memref<10000x64xf32, #tpu.memory_space<vmem_shared>>
    tpu.wait_indirect_dma semaphore(%arg32 : memref<!tpu.dma_semaphore, #tpu.memory_space<semaphore_mem>>) src(%arg15 : memref<125x64xf32, #tpu.memory_space<vmem>>) dst(%dma_wait3A_246 : memref<10000x64xf32, #tpu.memory_space<vmem_shared>>)
    %dma_wait3A_247 = arith.constant 79 : i32
    %dma_wait3A_248 = arith.constant 0 : i32
    %dma_wait3A_249 = tpu.memref_slice %arg8[%dma_wait3A_247, %dma_wait3A_248] : memref<80x125xi32, #tpu.memory_space<vmem>> -> memref<1x125xi32, #tpu.memory_space<vmem>>
    %dma_wait3A_250 = tpu.memref_squeeze %dma_wait3A_249 : memref<1x125xi32, #tpu.memory_space<vmem>> -> memref<125xi32, #tpu.memory_space<vmem>>
    %dma_wait3A_251 = arith.constant 0 : i32
    %dma_wait3A_252 = arith.constant 0 : i32
    %dma_wait3A_253 = tpu.memref_slice %arg17[%dma_wait3A_251, %dma_wait3A_252] : memref<10000x64xf32, #tpu.memory_space<vmem_shared>> -> memref<10000x64xf32, #tpu.memory_space<vmem_shared>>
    tpu.wait_indirect_dma semaphore(%arg33 : memref<!tpu.dma_semaphore, #tpu.memory_space<semaphore_mem>>) src(%arg16 : memref<125x64xf32, #tpu.memory_space<vmem>>) dst(%dma_wait3A_253 : memref<10000x64xf32, #tpu.memory_space<vmem_shared>>)
    %barrier3A_254 = arith.constant 0 : index
    tpu.barrier barrier_id(%barrier3A_254)
    %mul3A_255 = arith.constant 632 : i32
    %mul3A_256 = arith.muli %arg1, %mul3A_255 : i32
    %multiple_of3A_257 = tpu.assume_multiple %mul3A_256, 8 : i32
    %mul3A_258 = arith.constant 10000 : i32
    %mul3A_259 = arith.muli %arg0, %mul3A_258 : i32
    %mul3A_260 = arith.constant 632 : i32
    %mul3A_261 = arith.muli %arg1, %mul3A_260 : i32
    %add3A_262 = arith.addi %mul3A_259, %mul3A_261 : i32
    %multiple_of3A_263 = tpu.assume_multiple %add3A_262, 8 : i32
    %lt3A_264 = arith.constant 15 : i32
    %lt3A_265 = arith.cmpi slt, %arg1, %lt3A_264 : i32
    %convert_element_type3A_266 = arith.extui %lt3A_265 : i1 to i32
    %cond3A_267 = arith.constant 0 : i32
    %cond3A_268 = arith.cmpi ne, %convert_element_type3A_266, %cond3A_267 : i32
    scf.if %cond3A_268 {
      "tpu.region"() ({
        %run_scoped3A = tpu.sem_alloc : memref<!tpu.dma_semaphore, #tpu.memory_space<semaphore_mem>>
        %dma_start3A_274 = arith.constant 0 : i32
        %dma_start3A_275 = tpu.memref_slice %arg6[%multiple_of3A_263, %dma_start3A_274] : memref<20000x64xf32, #tpu.memory_space<hbm>> -> memref<632x64xf32, #tpu.memory_space<hbm>>
        %dma_start3A_276 = arith.constant 0 : i32
        %dma_start3A_277 = tpu.memref_slice %arg17[%multiple_of3A_257, %dma_start3A_276] : memref<10000x64xf32, #tpu.memory_space<vmem_shared>> -> memref<632x64xf32, #tpu.memory_space<vmem_shared>>
        tpu.enqueue_dma source(%dma_start3A_277 : memref<632x64xf32, #tpu.memory_space<vmem_shared>>) target(%dma_start3A_275 : memref<632x64xf32, #tpu.memory_space<hbm>>) target_semaphore(%run_scoped3A : memref<!tpu.dma_semaphore, #tpu.memory_space<semaphore_mem>>)
        %dma_wait3A_278 = arith.constant 0 : i32
        %dma_wait3A_279 = tpu.memref_slice %arg6[%multiple_of3A_263, %dma_wait3A_278] : memref<20000x64xf32, #tpu.memory_space<hbm>> -> memref<632x64xf32, #tpu.memory_space<hbm>>
        %dma_wait3A_280 = arith.constant 0 : i32
        %dma_wait3A_281 = tpu.memref_slice %arg17[%multiple_of3A_257, %dma_wait3A_280] : memref<10000x64xf32, #tpu.memory_space<vmem_shared>> -> memref<632x64xf32, #tpu.memory_space<vmem_shared>>
        tpu.wait_dma2 semaphore(%run_scoped3A : memref<!tpu.dma_semaphore, #tpu.memory_space<semaphore_mem>>) src(%dma_wait3A_281 : memref<632x64xf32, #tpu.memory_space<vmem_shared>>) dst(%dma_wait3A_279 : memref<632x64xf32, #tpu.memory_space<hbm>>)
        tpu.yield
      }) : () -> ()
    } else {
    }
    %eq3A_269 = arith.constant 15 : i32
    %eq3A_270 = arith.cmpi eq, %arg1, %eq3A_269 : i32
    %convert_element_type3A_271 = arith.extui %eq3A_270 : i1 to i32
    %cond3A_272 = arith.constant 0 : i32
    %cond3A_273 = arith.cmpi ne, %convert_element_type3A_271, %cond3A_272 : i32
    scf.if %cond3A_273 {
      "tpu.region"() ({
        %run_scoped3A = tpu.sem_alloc : memref<!tpu.dma_semaphore, #tpu.memory_space<semaphore_mem>>
        %dma_start3A_274 = arith.constant 0 : i32
        %dma_start3A_275 = tpu.memref_slice %arg6[%multiple_of3A_263, %dma_start3A_274] : memref<20000x64xf32, #tpu.memory_space<hbm>> -> memref<520x64xf32, #tpu.memory_space<hbm>>
        %dma_start3A_276 = arith.constant 0 : i32
        %dma_start3A_277 = tpu.memref_slice %arg17[%multiple_of3A_257, %dma_start3A_276] : memref<10000x64xf32, #tpu.memory_space<vmem_shared>> -> memref<520x64xf32, #tpu.memory_space<vmem_shared>>
        tpu.enqueue_dma source(%dma_start3A_277 : memref<520x64xf32, #tpu.memory_space<vmem_shared>>) target(%dma_start3A_275 : memref<520x64xf32, #tpu.memory_space<hbm>>) target_semaphore(%run_scoped3A : memref<!tpu.dma_semaphore, #tpu.memory_space<semaphore_mem>>)
        %dma_wait3A_278 = arith.constant 0 : i32
        %dma_wait3A_279 = tpu.memref_slice %arg6[%multiple_of3A_263, %dma_wait3A_278] : memref<20000x64xf32, #tpu.memory_space<hbm>> -> memref<520x64xf32, #tpu.memory_space<hbm>>
        %dma_wait3A_280 = arith.constant 0 : i32
        %dma_wait3A_281 = tpu.memref_slice %arg17[%multiple_of3A_257, %dma_wait3A_280] : memref<10000x64xf32, #tpu.memory_space<vmem_shared>> -> memref<520x64xf32, #tpu.memory_space<vmem_shared>>
        tpu.wait_dma2 semaphore(%run_scoped3A : memref<!tpu.dma_semaphore, #tpu.memory_space<semaphore_mem>>) src(%dma_wait3A_281 : memref<520x64xf32, #tpu.memory_space<vmem_shared>>) dst(%dma_wait3A_279 : memref<520x64xf32, #tpu.memory_space<hbm>>)
        tpu.yield
      }) : () -> ()
    } else {
    }
    return
  }
}

module attributes {stable_mosaic.version = 14 : i64} {
  func.func @body(%arg0: i32, %arg1: memref<2000x128xf32, #tpu.memory_space<vmem>>, %arg2: memref<128x64xf32, #tpu.memory_space<vmem>>, %arg3: memref<2000x16xf32, #tpu.memory_space<vmem>>, %arg4: memref<2000x16xf32, #tpu.memory_space<vmem>>, %arg5: memref<2000x1xi32, #tpu.memory_space<vmem>>, %arg6: memref<2000x1xi32, #tpu.memory_space<vmem>>, %arg7: memref<2000x64xf32, #tpu.memory_space<vmem>>, %arg8: memref<64x128xf32, #tpu.memory_space<vmem>>, %arg9: memref<2000x1xf32, #tpu.memory_space<vmem>>) attributes {dimension_semantics = [#tpu.dimension_semantics<arbitrary>], iteration_bounds = array<i64: 5>, scalar_prefetch = 0 : i64, scratch_operands = 0 : i64, tpu.core_type = #tpu.core_type<tc>, window_params = [{transform_indices = @transform_0, window_bounds = array<i64: 2000, 128>}, {pipeline_mode = #tpu.pipeline_mode<synchronous>, transform_indices = @transform_1, window_bounds = array<i64: 128, 64>}, {transform_indices = @transform_2, window_bounds = array<i64: 2000, 16>}, {transform_indices = @transform_3, window_bounds = array<i64: 2000, 16>}, {transform_indices = @transform_4, window_bounds = array<i64: 2000, 1>}, {transform_indices = @transform_5, window_bounds = array<i64: 2000, 1>}, {transform_indices = @transform_6, window_bounds = array<i64: 2000, 64>}, {pipeline_mode = #tpu.pipeline_mode<synchronous>, transform_indices = @transform_7, window_bounds = array<i64: 64, 128>}, {transform_indices = @transform_8, window_bounds = array<i64: 2000, 1>}]} {
    %get3A = arith.constant 0 : index
    %get3A_0 = arith.constant 0 : index
    %get3A_1 = vector.load %arg1[%get3A, %get3A_0] : memref<2000x128xf32, #tpu.memory_space<vmem>>, vector<2000x128xf32>
    %get3A_2 = arith.constant 0 : index
    %get3A_3 = arith.constant 0 : index
    %get3A_4 = vector.load %arg2[%get3A_2, %get3A_3] : memref<128x64xf32, #tpu.memory_space<vmem>>, vector<128x64xf32>
    %dot_general3A = arith.constant dense<0.000000e+00> : vector<2000x64xf32>
    %dot_general3A_5 = tpu.matmul %get3A_1, %get3A_4, %dot_general3A {dimension_numbers = #tpu.dot_dimension_numbers<[1], [0], [0], [1], [0, 0, 1, 1], [], []>, precision = #tpu.contract_precision<fp32>, transpose_lhs_hint = false} : vector<2000x128xf32>, vector<128x64xf32>, vector<2000x64xf32> -> vector<2000x64xf32>
    %get3A_6 = arith.constant 0 : index
    %get3A_7 = arith.constant 0 : index
    %get3A_8 = vector.load %arg3[%get3A_6, %get3A_7] : memref<2000x16xf32, #tpu.memory_space<vmem>>, vector<2000x1xf32>
    %get3A_9 = arith.constant 0 : index
    %get3A_10 = arith.constant 0 : index
    %get3A_11 = vector.load %arg4[%get3A_9, %get3A_10] : memref<2000x16xf32, #tpu.memory_space<vmem>>, vector<2000x1xf32>
    %add3A = arith.addf %get3A_8, %get3A_11 : vector<2000x1xf32>
    %add3A_12 = arith.constant 1.000000e+00 : f32
    %add3A_13 = vector.broadcast %add3A_12 : f32 to vector<2000x1xf32>
    %add3A_14 = arith.addf %add3A, %add3A_13 : vector<2000x1xf32>
    %rsqrt3A = math.rsqrt %add3A_14 : vector<2000x1xf32>
    %swap3A = arith.constant 0 : index
    %swap3A_15 = arith.constant 0 : index
    %swap3A_16 = vector.load %arg9[%swap3A, %swap3A_15] : memref<2000x1xf32, #tpu.memory_space<vmem>>, vector<2000x1xf32>
    tpu.vector_store %arg9[%swap3A, %swap3A_15], %rsqrt3A {strides = array<i32>} : memref<2000x1xf32, #tpu.memory_space<vmem>>, vector<2000x1xf32>,
    %mul3A = vector.broadcast %rsqrt3A : vector<2000x1xf32> to vector<2000x64xf32>
    %mul3A_17 = arith.mulf %dot_general3A_5, %mul3A : vector<2000x64xf32>
    %swap3A_18 = arith.constant 0 : index
    %swap3A_19 = arith.constant 0 : index
    %swap3A_20 = vector.load %arg7[%swap3A_18, %swap3A_19] : memref<2000x64xf32, #tpu.memory_space<vmem>>, vector<2000x64xf32>
    tpu.vector_store %arg7[%swap3A_18, %swap3A_19], %mul3A_17 {strides = array<i32>} : memref<2000x64xf32, #tpu.memory_space<vmem>>, vector<2000x64xf32>,
    %get3A_21 = arith.constant 0 : index
    %get3A_22 = arith.constant 0 : index
    %get3A_23 = vector.load %arg5[%get3A_21, %get3A_22] : memref<2000x1xi32, #tpu.memory_space<vmem>>, vector<2000x1xi32>
    %iota3A = tpu.iota {dimensions = array<i32: 1>} : vector<2000x64xi32>
    %eq3A = vector.broadcast %get3A_23 : vector<2000x1xi32> to vector<2000x64xi32>
    %eq3A_24 = arith.cmpi eq, %eq3A, %iota3A : vector<2000x64xi32>
    %get3A_25 = arith.constant 0 : index
    %get3A_26 = arith.constant 0 : index
    %get3A_27 = vector.load %arg6[%get3A_25, %get3A_26] : memref<2000x1xi32, #tpu.memory_space<vmem>>, vector<2000x1xi32>
    %ne3A = arith.cmpi ne, %get3A_23, %get3A_27 : vector<2000x1xi32>
    %and3A = vector.broadcast %ne3A : vector<2000x1xi1> to vector<2000x64xi1>
    %and3A_28 = arith.andi %eq3A_24, %and3A : vector<2000x64xi1>
    %convert_element_type3A = arith.extui %and3A_28 : vector<2000x64xi1> to vector<2000x64xi32>
    %convert_element_type3A_29 = arith.sitofp %convert_element_type3A : vector<2000x64xi32> to vector<2000x64xf32>
    %dot_general3A_30 = arith.constant dense<0.000000e+00> : vector<64x128xf32>
    %dot_general3A_31 = tpu.matmul %convert_element_type3A_29, %get3A_1, %dot_general3A_30 {dimension_numbers = #tpu.dot_dimension_numbers<[0], [0], [1], [1], [0, 1, 1, 1], [], []>, precision = #tpu.contract_precision<fp32>, transpose_lhs_hint = false} : vector<2000x64xf32>, vector<2000x128xf32>, vector<64x128xf32> -> vector<64x128xf32>
    %eq3A_32 = arith.constant 0 : i32
    %eq3A_33 = arith.cmpi eq, %arg0, %eq3A_32 : i32
    %convert_element_type3A_34 = arith.extui %eq3A_33 : i1 to i32
    %cond3A = arith.constant 0 : i32
    %cond3A_35 = arith.cmpi ne, %convert_element_type3A_34, %cond3A : i32
    scf.if %cond3A_35 {
      %swap3A_40 = arith.constant 0 : index
      %swap3A_41 = arith.constant 0 : index
      %swap3A_42 = vector.load %arg8[%swap3A_40, %swap3A_41] : memref<64x128xf32, #tpu.memory_space<vmem>>, vector<64x128xf32>
      tpu.vector_store %arg8[%swap3A_40, %swap3A_41], %dot_general3A_31 {strides = array<i32>} : memref<64x128xf32, #tpu.memory_space<vmem>>, vector<64x128xf32>,
    } else {
    }
    %gt3A = arith.constant 0 : i32
    %gt3A_36 = arith.cmpi sgt, %arg0, %gt3A : i32
    %convert_element_type3A_37 = arith.extui %gt3A_36 : i1 to i32
    %cond3A_38 = arith.constant 0 : i32
    %cond3A_39 = arith.cmpi ne, %convert_element_type3A_37, %cond3A_38 : i32
    scf.if %cond3A_39 {
      %get3A_40 = arith.constant 0 : index
      %get3A_41 = arith.constant 0 : index
      %get3A_42 = vector.load %arg8[%get3A_40, %get3A_41] : memref<64x128xf32, #tpu.memory_space<vmem>>, vector<64x128xf32>
      %add3A_43 = arith.addf %get3A_42, %dot_general3A_31 : vector<64x128xf32>
      %swap3A_44 = arith.constant 0 : index
      %swap3A_45 = arith.constant 0 : index
      %swap3A_46 = vector.load %arg8[%swap3A_44, %swap3A_45] : memref<64x128xf32, #tpu.memory_space<vmem>>, vector<64x128xf32>
      tpu.vector_store %arg8[%swap3A_44, %swap3A_45], %add3A_43 {strides = array<i32>} : memref<64x128xf32, #tpu.memory_space<vmem>>, vector<64x128xf32>,
    } else {
    }
    return
  }
  func.func @transform_0(%arg0: i32) -> (i32, i32) {
    %c0_i32 = arith.constant 0 : i32
    %c0_i32_0 = arith.constant 0 : i32
    return %arg0, %c0_i32 : i32, i32
  }
  func.func @transform_1(%arg0: i32) -> (i32, i32) {
    %c0_i32 = arith.constant 0 : i32
    %c0_i32_0 = arith.constant 0 : i32
    %c0_i32_1 = arith.constant 0 : i32
    return %c0_i32, %c0_i32_0 : i32, i32
  }
  func.func @transform_2(%arg0: i32) -> (i32, i32) {
    %c0_i32 = arith.constant 0 : i32
    %c0_i32_0 = arith.constant 0 : i32
    return %arg0, %c0_i32 : i32, i32
  }
  func.func @transform_3(%arg0: i32) -> (i32, i32) {
    %add3A = arith.constant 5 : i32
    %add3A_0 = arith.addi %add3A, %arg0 : i32
    %c0_i32 = arith.constant 0 : i32
    %c0_i32_1 = arith.constant 0 : i32
    return %add3A_0, %c0_i32 : i32, i32
  }
  func.func @transform_4(%arg0: i32) -> (i32, i32) {
    %c0_i32 = arith.constant 0 : i32
    %c0_i32_0 = arith.constant 0 : i32
    return %arg0, %c0_i32 : i32, i32
  }
  func.func @transform_5(%arg0: i32) -> (i32, i32) {
    %c0_i32 = arith.constant 0 : i32
    %c0_i32_0 = arith.constant 0 : i32
    return %arg0, %c0_i32 : i32, i32
  }
  func.func @transform_6(%arg0: i32) -> (i32, i32) {
    %c0_i32 = arith.constant 0 : i32
    %c0_i32_0 = arith.constant 0 : i32
    return %arg0, %c0_i32 : i32, i32
  }
  func.func @transform_7(%arg0: i32) -> (i32, i32) {
    %c0_i32 = arith.constant 0 : i32
    %c0_i32_0 = arith.constant 0 : i32
    %c0_i32_1 = arith.constant 0 : i32
    return %c0_i32, %c0_i32_0 : i32, i32
  }
  func.func @transform_8(%arg0: i32) -> (i32, i32) {
    %c0_i32 = arith.constant 0 : i32
    %c0_i32_0 = arith.constant 0 : i32
    return %arg0, %c0_i32 : i32, i32
  }
}

module attributes {stable_mosaic.version = 14 : i64} {
  func.func @body(%arg0: i32, %arg1: memref<2000x64xf32, #tpu.memory_space<vmem>>, %arg2: memref<2000x64xf32, #tpu.memory_space<vmem>>, %arg3: memref<2000x64xf32, #tpu.memory_space<vmem>>, %arg4: memref<2000x1xf32, #tpu.memory_space<vmem>>, %arg5: memref<1x64xf32, #tpu.memory_space<vmem>>, %arg6: memref<64x128xf32, #tpu.memory_space<vmem>>, %arg7: memref<192x64xf32, #tpu.memory_space<vmem>>, %arg8: memref<2000x1xi32, #tpu.memory_space<vmem>>, %arg9: memref<2000x64xf32, #tpu.memory_space<vmem>>, %arg10: memref<2000x64xf32, #tpu.memory_space<vmem>>) attributes {dimension_semantics = [#tpu.dimension_semantics<arbitrary>], iteration_bounds = array<i64: 5>, scalar_prefetch = 0 : i64, scratch_operands = 0 : i64, tpu.core_type = #tpu.core_type<tc>, window_params = [{transform_indices = @transform_0, window_bounds = array<i64: 2000, 64>}, {transform_indices = @transform_1, window_bounds = array<i64: 2000, 64>}, {transform_indices = @transform_2, window_bounds = array<i64: 2000, 64>}, {transform_indices = @transform_3, window_bounds = array<i64: 2000, 1>}, {pipeline_mode = #tpu.pipeline_mode<synchronous>, transform_indices = @transform_4, window_bounds = array<i64: 1, 64>}, {pipeline_mode = #tpu.pipeline_mode<synchronous>, transform_indices = @transform_5, window_bounds = array<i64: 64, 128>}, {pipeline_mode = #tpu.pipeline_mode<synchronous>, transform_indices = @transform_6, window_bounds = array<i64: 192, 64>}, {transform_indices = @transform_7, window_bounds = array<i64: 2000, 1>}, {transform_indices = @transform_8, window_bounds = array<i64: 2000, 64>}, {transform_indices = @transform_9, window_bounds = array<i64: 2000, 64>}]} {
    %get3A = arith.constant 0 : index
    %get3A_0 = arith.constant 0 : index
    %get3A_1 = vector.load %arg4[%get3A, %get3A_0] : memref<2000x1xf32, #tpu.memory_space<vmem>>, vector<2000x1xf32>
    %get3A_2 = arith.constant 0 : index
    %get3A_3 = arith.constant 0 : index
    %get3A_4 = vector.load %arg1[%get3A_2, %get3A_3] : memref<2000x64xf32, #tpu.memory_space<vmem>>, vector<2000x64xf32>
    %get3A_5 = arith.constant 0 : index
    %get3A_6 = arith.constant 0 : index
    %get3A_7 = vector.load %arg2[%get3A_5, %get3A_6] : memref<2000x64xf32, #tpu.memory_space<vmem>>, vector<2000x64xf32>
    %add3A = arith.addf %get3A_4, %get3A_7 : vector<2000x64xf32>
    %get3A_8 = arith.constant 0 : index
    %get3A_9 = arith.constant 0 : index
    %get3A_10 = vector.load %arg3[%get3A_8, %get3A_9] : memref<2000x64xf32, #tpu.memory_space<vmem>>, vector<2000x64xf32>
    %add3A_11 = arith.addf %add3A, %get3A_10 : vector<2000x64xf32>
    %mul3A = vector.broadcast %get3A_1 : vector<2000x1xf32> to vector<2000x64xf32>
    %mul3A_12 = arith.mulf %mul3A, %add3A_11 : vector<2000x64xf32>
    %get3A_13 = arith.constant 0 : index
    %get3A_14 = arith.constant 0 : index
    %get3A_15 = vector.load %arg5[%get3A_13, %get3A_14] : memref<1x64xf32, #tpu.memory_space<vmem>>, vector<1x64xf32>
    %add3A_16 = vector.broadcast %get3A_15 : vector<1x64xf32> to vector<2000x64xf32>
    %add3A_17 = arith.addf %mul3A_12, %add3A_16 : vector<2000x64xf32>
    %swap3A = arith.constant 0 : index
    %swap3A_18 = arith.constant 0 : index
    %swap3A_19 = vector.load %arg9[%swap3A, %swap3A_18] : memref<2000x64xf32, #tpu.memory_space<vmem>>, vector<2000x64xf32>
    tpu.vector_store %arg9[%swap3A, %swap3A_18], %add3A_17 {strides = array<i32>} : memref<2000x64xf32, #tpu.memory_space<vmem>>, vector<2000x64xf32>,
    %get3A_20 = arith.constant 0 : index
    %get3A_21 = arith.constant 0 : index
    %get3A_22 = vector.load %arg7[%get3A_20, %get3A_21] : memref<192x64xf32, #tpu.memory_space<vmem>>, vector<192x64xf32>
    %get3A_23 = arith.constant 0 : index
    %get3A_24 = arith.constant 0 : index
    %get3A_25 = vector.load %arg6[%get3A_23, %get3A_24] : memref<64x128xf32, #tpu.memory_space<vmem>>, vector<64x128xf32>
    %max3A = arith.constant 0.000000e+00 : f32
    %max3A_26 = vector.broadcast %max3A : f32 to vector<64x128xf32>
    %max3A_27 = arith.maximumf %get3A_25, %max3A_26 : vector<64x128xf32>
    %slice3A = vector.extract_strided_slice %get3A_22 {offsets = [64, 0], sizes = [128, 64], strides = [1, 1]} : vector<192x64xf32> to vector<128x64xf32>
    %dot_general3A = arith.constant dense<0.000000e+00> : vector<64x64xf32>
    %dot_general3A_28 = tpu.matmul %max3A_27, %slice3A, %dot_general3A {dimension_numbers = #tpu.dot_dimension_numbers<[1], [0], [0], [1], [0, 0, 1, 1], [], []>, precision = #tpu.contract_precision<fp32>, transpose_lhs_hint = false} : vector<64x128xf32>, vector<128x64xf32>, vector<64x64xf32> -> vector<64x64xf32>
    %get3A_29 = arith.constant 0 : index
    %get3A_30 = arith.constant 0 : index
    %get3A_31 = vector.load %arg8[%get3A_29, %get3A_30] : memref<2000x1xi32, #tpu.memory_space<vmem>>, vector<2000x1xi32>
    %iota3A = tpu.iota {dimensions = array<i32: 1>} : vector<2000x64xi32>
    %eq3A = vector.broadcast %get3A_31 : vector<2000x1xi32> to vector<2000x64xi32>
    %eq3A_32 = arith.cmpi eq, %eq3A, %iota3A : vector<2000x64xi32>
    %convert_element_type3A = arith.extui %eq3A_32 : vector<2000x64xi1> to vector<2000x64xi32>
    %convert_element_type3A_33 = arith.sitofp %convert_element_type3A : vector<2000x64xi32> to vector<2000x64xf32>
    %max3A_34 = arith.constant 0.000000e+00 : f32
    %max3A_35 = vector.broadcast %max3A_34 : f32 to vector<2000x64xf32>
    %max3A_36 = arith.maximumf %add3A_17, %max3A_35 : vector<2000x64xf32>
    %slice3A_37 = vector.extract_strided_slice %get3A_22 {offsets = [0, 0], sizes = [64, 64], strides = [1, 1]} : vector<192x64xf32> to vector<64x64xf32>
    %dot_general3A_38 = arith.constant dense<0.000000e+00> : vector<2000x64xf32>
    %dot_general3A_39 = tpu.matmul %max3A_36, %slice3A_37, %dot_general3A_38 {dimension_numbers = #tpu.dot_dimension_numbers<[1], [0], [0], [1], [0, 0, 1, 1], [], []>, precision = #tpu.contract_precision<fp32>, transpose_lhs_hint = false} : vector<2000x64xf32>, vector<64x64xf32>, vector<2000x64xf32> -> vector<2000x64xf32>
    %dot_general3A_40 = arith.constant dense<0.000000e+00> : vector<2000x64xf32>
    %dot_general3A_41 = tpu.matmul %convert_element_type3A_33, %dot_general3A_28, %dot_general3A_40 {dimension_numbers = #tpu.dot_dimension_numbers<[1], [0], [0], [1], [0, 0, 1, 1], [], []>, precision = #tpu.contract_precision<fp32>, transpose_lhs_hint = false} : vector<2000x64xf32>, vector<64x64xf32>, vector<2000x64xf32> -> vector<2000x64xf32>
    %add3A_42 = arith.addf %dot_general3A_39, %dot_general3A_41 : vector<2000x64xf32>
    %mul3A_43 = vector.broadcast %get3A_1 : vector<2000x1xf32> to vector<2000x64xf32>
    %mul3A_44 = arith.mulf %mul3A_43, %add3A_42 : vector<2000x64xf32>
    %swap3A_45 = arith.constant 0 : index
    %swap3A_46 = arith.constant 0 : index
    %swap3A_47 = vector.load %arg10[%swap3A_45, %swap3A_46] : memref<2000x64xf32, #tpu.memory_space<vmem>>, vector<2000x64xf32>
    tpu.vector_store %arg10[%swap3A_45, %swap3A_46], %mul3A_44 {strides = array<i32>} : memref<2000x64xf32, #tpu.memory_space<vmem>>, vector<2000x64xf32>,
    return
  }
  func.func @transform_0(%arg0: i32) -> (i32, i32) {
    %c0_i32 = arith.constant 0 : i32
    %c0_i32_0 = arith.constant 0 : i32
    return %arg0, %c0_i32 : i32, i32
  }
  func.func @transform_1(%arg0: i32) -> (i32, i32) {
    %add3A = arith.constant 5 : i32
    %add3A_0 = arith.addi %add3A, %arg0 : i32
    %c0_i32 = arith.constant 0 : i32
    %c0_i32_1 = arith.constant 0 : i32
    return %add3A_0, %c0_i32 : i32, i32
  }
  func.func @transform_2(%arg0: i32) -> (i32, i32) {
    %c0_i32 = arith.constant 0 : i32
    %c0_i32_0 = arith.constant 0 : i32
    return %arg0, %c0_i32 : i32, i32
  }
  func.func @transform_3(%arg0: i32) -> (i32, i32) {
    %c0_i32 = arith.constant 0 : i32
    %c0_i32_0 = arith.constant 0 : i32
    return %arg0, %c0_i32 : i32, i32
  }
  func.func @transform_4(%arg0: i32) -> (i32, i32) {
    %c0_i32 = arith.constant 0 : i32
    %c0_i32_0 = arith.constant 0 : i32
    %c0_i32_1 = arith.constant 0 : i32
    return %c0_i32, %c0_i32_0 : i32, i32
  }
  func.func @transform_5(%arg0: i32) -> (i32, i32) {
    %c0_i32 = arith.constant 0 : i32
    %c0_i32_0 = arith.constant 0 : i32
    %c0_i32_1 = arith.constant 0 : i32
    return %c0_i32, %c0_i32_0 : i32, i32
  }
  func.func @transform_6(%arg0: i32) -> (i32, i32) {
    %c0_i32 = arith.constant 0 : i32
    %c0_i32_0 = arith.constant 0 : i32
    %c0_i32_1 = arith.constant 0 : i32
    return %c0_i32, %c0_i32_0 : i32, i32
  }
  func.func @transform_7(%arg0: i32) -> (i32, i32) {
    %c0_i32 = arith.constant 0 : i32
    %c0_i32_0 = arith.constant 0 : i32
    return %arg0, %c0_i32 : i32, i32
  }
  func.func @transform_8(%arg0: i32) -> (i32, i32) {
    %c0_i32 = arith.constant 0 : i32
    %c0_i32_0 = arith.constant 0 : i32
    return %arg0, %c0_i32 : i32, i32
  }
  func.func @transform_9(%arg0: i32) -> (i32, i32) {
    %c0_i32 = arith.constant 0 : i32
    %c0_i32_0 = arith.constant 0 : i32
    return %arg0, %c0_i32 : i32, i32
  }
}

module attributes {stable_mosaic.version = 14 : i64} {
  func.func @body(%arg0: i32, %arg1: memref<2000x64xf32, #tpu.memory_space<vmem>>, %arg2: memref<2000x64xf32, #tpu.memory_space<vmem>>, %arg3: memref<2000x64xf32, #tpu.memory_space<vmem>>, %arg4: memref<2000x1xf32, #tpu.memory_space<vmem>>, %arg5: memref<1x64xf32, #tpu.memory_space<vmem>>, %arg6: memref<2000x64xf32, #tpu.memory_space<vmem>>, %arg7: memref<2000x1xi32, #tpu.memory_space<vmem>>, %arg8: memref<2000x1xi32, #tpu.memory_space<vmem>>, %arg9: memref<64x128xf32, #tpu.memory_space<vmem>>, %arg10: memref<64x1xf32, #tpu.memory_space<vmem>>) attributes {dimension_semantics = [#tpu.dimension_semantics<arbitrary>], iteration_bounds = array<i64: 5>, scalar_prefetch = 0 : i64, scratch_operands = 1 : i64, tpu.core_type = #tpu.core_type<tc>, window_params = [{transform_indices = @transform_0, window_bounds = array<i64: 2000, 64>}, {transform_indices = @transform_1, window_bounds = array<i64: 2000, 64>}, {transform_indices = @transform_2, window_bounds = array<i64: 2000, 64>}, {transform_indices = @transform_3, window_bounds = array<i64: 2000, 1>}, {pipeline_mode = #tpu.pipeline_mode<synchronous>, transform_indices = @transform_4, window_bounds = array<i64: 1, 64>}, {transform_indices = @transform_5, window_bounds = array<i64: 2000, 64>}, {transform_indices = @transform_6, window_bounds = array<i64: 2000, 1>}, {transform_indices = @transform_7, window_bounds = array<i64: 2000, 1>}, {pipeline_mode = #tpu.pipeline_mode<synchronous>, transform_indices = @transform_8, window_bounds = array<i64: 64, 128>}]} {
    %get3A = arith.constant 0 : index
    %get3A_0 = arith.constant 0 : index
    %get3A_1 = vector.load %arg4[%get3A, %get3A_0] : memref<2000x1xf32, #tpu.memory_space<vmem>>, vector<2000x1xf32>
    %get3A_2 = arith.constant 0 : index
    %get3A_3 = arith.constant 0 : index
    %get3A_4 = vector.load %arg1[%get3A_2, %get3A_3] : memref<2000x64xf32, #tpu.memory_space<vmem>>, vector<2000x64xf32>
    %get3A_5 = arith.constant 0 : index
    %get3A_6 = arith.constant 0 : index
    %get3A_7 = vector.load %arg2[%get3A_5, %get3A_6] : memref<2000x64xf32, #tpu.memory_space<vmem>>, vector<2000x64xf32>
    %add3A = arith.addf %get3A_4, %get3A_7 : vector<2000x64xf32>
    %get3A_8 = arith.constant 0 : index
    %get3A_9 = arith.constant 0 : index
    %get3A_10 = vector.load %arg3[%get3A_8, %get3A_9] : memref<2000x64xf32, #tpu.memory_space<vmem>>, vector<2000x64xf32>
    %add3A_11 = arith.addf %add3A, %get3A_10 : vector<2000x64xf32>
    %mul3A = vector.broadcast %get3A_1 : vector<2000x1xf32> to vector<2000x64xf32>
    %mul3A_12 = arith.mulf %mul3A, %add3A_11 : vector<2000x64xf32>
    %get3A_13 = arith.constant 0 : index
    %get3A_14 = arith.constant 0 : index
    %get3A_15 = vector.load %arg5[%get3A_13, %get3A_14] : memref<1x64xf32, #tpu.memory_space<vmem>>, vector<1x64xf32>
    %add3A_16 = vector.broadcast %get3A_15 : vector<1x64xf32> to vector<2000x64xf32>
    %add3A_17 = arith.addf %mul3A_12, %add3A_16 : vector<2000x64xf32>
    %max3A = arith.constant 0.000000e+00 : f32
    %max3A_18 = vector.broadcast %max3A : f32 to vector<2000x64xf32>
    %max3A_19 = arith.maximumf %add3A_17, %max3A_18 : vector<2000x64xf32>
    %get3A_20 = arith.constant 0 : index
    %get3A_21 = arith.constant 0 : index
    %get3A_22 = vector.load %arg7[%get3A_20, %get3A_21] : memref<2000x1xi32, #tpu.memory_space<vmem>>, vector<2000x1xi32>
    %iota3A = tpu.iota {dimensions = array<i32: 1>} : vector<2000x64xi32>
    %eq3A = vector.broadcast %get3A_22 : vector<2000x1xi32> to vector<2000x64xi32>
    %eq3A_23 = arith.cmpi eq, %eq3A, %iota3A : vector<2000x64xi32>
    %convert_element_type3A = arith.extui %eq3A_23 : vector<2000x64xi1> to vector<2000x64xi32>
    %convert_element_type3A_24 = arith.sitofp %convert_element_type3A : vector<2000x64xi32> to vector<2000x64xf32>
    %eq3A_25 = vector.broadcast %get3A_22 : vector<2000x1xi32> to vector<2000x64xi32>
    %eq3A_26 = arith.cmpi eq, %eq3A_25, %iota3A : vector<2000x64xi32>
    %get3A_27 = arith.constant 0 : index
    %get3A_28 = arith.constant 0 : index
    %get3A_29 = vector.load %arg8[%get3A_27, %get3A_28] : memref<2000x1xi32, #tpu.memory_space<vmem>>, vector<2000x1xi32>
    %ne3A = arith.cmpi ne, %get3A_22, %get3A_29 : vector<2000x1xi32>
    %and3A = vector.broadcast %ne3A : vector<2000x1xi1> to vector<2000x64xi1>
    %and3A_30 = arith.andi %eq3A_26, %and3A : vector<2000x64xi1>
    %convert_element_type3A_31 = arith.extui %and3A_30 : vector<2000x64xi1> to vector<2000x64xi32>
    %convert_element_type3A_32 = arith.sitofp %convert_element_type3A_31 : vector<2000x64xi32> to vector<2000x64xf32>
    %dot_general3A = arith.constant dense<0.000000e+00> : vector<64x64xf32>
    %dot_general3A_33 = tpu.matmul %convert_element_type3A_24, %max3A_19, %dot_general3A {dimension_numbers = #tpu.dot_dimension_numbers<[0], [0], [1], [1], [0, 1, 1, 1], [], []>, precision = #tpu.contract_precision<fp32>, transpose_lhs_hint = false} : vector<2000x64xf32>, vector<2000x64xf32>, vector<64x64xf32> -> vector<64x64xf32>
    %get3A_34 = arith.constant 0 : index
    %get3A_35 = arith.constant 0 : index
    %get3A_36 = vector.load %arg6[%get3A_34, %get3A_35] : memref<2000x64xf32, #tpu.memory_space<vmem>>, vector<2000x64xf32>
    %dot_general3A_37 = arith.constant dense<0.000000e+00> : vector<64x64xf32>
    %dot_general3A_38 = tpu.matmul %convert_element_type3A_32, %get3A_36, %dot_general3A_37 {dimension_numbers = #tpu.dot_dimension_numbers<[0], [0], [1], [1], [0, 1, 1, 1], [], []>, precision = #tpu.contract_precision<fp32>, transpose_lhs_hint = false} : vector<2000x64xf32>, vector<2000x64xf32>, vector<64x64xf32> -> vector<64x64xf32>
    %broadcast_in_dim3A = arith.constant 1.000000e+00 : f32
    %broadcast_in_dim3A_39 = vector.broadcast %broadcast_in_dim3A : f32 to vector<2000x1xf32>
    %dot_general3A_40 = arith.constant dense<0.000000e+00> : vector<64x1xf32>
    %dot_general3A_41 = tpu.matmul %convert_element_type3A_24, %broadcast_in_dim3A_39, %dot_general3A_40 {dimension_numbers = #tpu.dot_dimension_numbers<[0], [0], [1], [1], [0, 1, 1, 1], [], []>, precision = #tpu.contract_precision<fp32>, transpose_lhs_hint = false} : vector<2000x64xf32>, vector<2000x1xf32>, vector<64x1xf32> -> vector<64x1xf32>
    %concatenate3A = tpu.concatenate %dot_general3A_33, %dot_general3A_38 in 1 : vector<64x64xf32>, vector<64x64xf32> -> vector<64x128xf32>
    %eq3A_42 = arith.constant 0 : i32
    %eq3A_43 = arith.cmpi eq, %arg0, %eq3A_42 : i32
    %convert_element_type3A_44 = arith.extui %eq3A_43 : i1 to i32
    %cond3A = arith.constant 0 : i32
    %cond3A_45 = arith.cmpi ne, %convert_element_type3A_44, %cond3A : i32
    scf.if %cond3A_45 {
      %swap3A = arith.constant 0 : index
      %swap3A_55 = arith.constant 0 : index
      %swap3A_56 = vector.load %arg9[%swap3A, %swap3A_55] : memref<64x128xf32, #tpu.memory_space<vmem>>, vector<64x128xf32>
      tpu.vector_store %arg9[%swap3A, %swap3A_55], %concatenate3A {strides = array<i32>} : memref<64x128xf32, #tpu.memory_space<vmem>>, vector<64x128xf32>,
      %swap3A_57 = arith.constant 0 : index
      %swap3A_58 = arith.constant 0 : index
      %swap3A_59 = vector.load %arg10[%swap3A_57, %swap3A_58] : memref<64x1xf32, #tpu.memory_space<vmem>>, vector<64x1xf32>
      tpu.vector_store %arg10[%swap3A_57, %swap3A_58], %dot_general3A_41 {strides = array<i32>} : memref<64x1xf32, #tpu.memory_space<vmem>>, vector<64x1xf32>,
    } else {
    }
    %gt3A = arith.constant 0 : i32
    %gt3A_46 = arith.cmpi sgt, %arg0, %gt3A : i32
    %convert_element_type3A_47 = arith.extui %gt3A_46 : i1 to i32
    %cond3A_48 = arith.constant 0 : i32
    %cond3A_49 = arith.cmpi ne, %convert_element_type3A_47, %cond3A_48 : i32
    scf.if %cond3A_49 {
      %get3A_55 = arith.constant 0 : index
      %get3A_56 = arith.constant 0 : index
      %get3A_57 = vector.load %arg9[%get3A_55, %get3A_56] : memref<64x128xf32, #tpu.memory_space<vmem>>, vector<64x128xf32>
      %add3A_58 = arith.addf %get3A_57, %concatenate3A : vector<64x128xf32>
      %swap3A = arith.constant 0 : index
      %swap3A_59 = arith.constant 0 : index
      %swap3A_60 = vector.load %arg9[%swap3A, %swap3A_59] : memref<64x128xf32, #tpu.memory_space<vmem>>, vector<64x128xf32>
      tpu.vector_store %arg9[%swap3A, %swap3A_59], %add3A_58 {strides = array<i32>} : memref<64x128xf32, #tpu.memory_space<vmem>>, vector<64x128xf32>,
      %get3A_61 = arith.constant 0 : index
      %get3A_62 = arith.constant 0 : index
      %get3A_63 = vector.load %arg10[%get3A_61, %get3A_62] : memref<64x1xf32, #tpu.memory_space<vmem>>, vector<64x1xf32>
      %add3A_64 = arith.addf %get3A_63, %dot_general3A_41 : vector<64x1xf32>
      %swap3A_65 = arith.constant 0 : index
      %swap3A_66 = arith.constant 0 : index
      %swap3A_67 = vector.load %arg10[%swap3A_65, %swap3A_66] : memref<64x1xf32, #tpu.memory_space<vmem>>, vector<64x1xf32>
      tpu.vector_store %arg10[%swap3A_65, %swap3A_66], %add3A_64 {strides = array<i32>} : memref<64x1xf32, #tpu.memory_space<vmem>>, vector<64x1xf32>,
    } else {
    }
    %eq3A_50 = arith.constant 4 : i32
    %eq3A_51 = arith.cmpi eq, %arg0, %eq3A_50 : i32
    %convert_element_type3A_52 = arith.extui %eq3A_51 : i1 to i32
    %cond3A_53 = arith.constant 0 : i32
    %cond3A_54 = arith.cmpi ne, %convert_element_type3A_52, %cond3A_53 : i32
    scf.if %cond3A_54 {
      %get3A_55 = arith.constant 0 : index
      %get3A_56 = arith.constant 0 : index
      %get3A_57 = vector.load %arg9[%get3A_55, %get3A_56] : memref<64x128xf32, #tpu.memory_space<vmem>>, vector<64x128xf32>
      %slice3A = vector.extract_strided_slice %get3A_57 {offsets = [0, 0], sizes = [64, 64], strides = [1, 1]} : vector<64x128xf32> to vector<64x64xf32>
      %get3A_58 = arith.constant 0 : index
      %get3A_59 = arith.constant 0 : index
      %get3A_60 = vector.load %arg10[%get3A_58, %get3A_59] : memref<64x1xf32, #tpu.memory_space<vmem>>, vector<64x1xf32>
      %max3A_61 = arith.constant 1.000000e+00 : f32
      %max3A_62 = vector.broadcast %max3A_61 : f32 to vector<64x1xf32>
      %max3A_63 = arith.maximumf %get3A_60, %max3A_62 : vector<64x1xf32>
      %div3A = vector.broadcast %max3A_63 : vector<64x1xf32> to vector<64x64xf32>
      %div3A_64 = arith.divf %slice3A, %div3A : vector<64x64xf32>
      %slice3A_65 = vector.extract_strided_slice %get3A_57 {offsets = [0, 64], sizes = [64, 64], strides = [1, 1]} : vector<64x128xf32> to vector<64x64xf32>
      %concatenate3A_66 = tpu.concatenate %div3A_64, %slice3A_65 in 1 : vector<64x64xf32>, vector<64x64xf32> -> vector<64x128xf32>
      %swap3A = arith.constant 0 : index
      %swap3A_67 = arith.constant 0 : index
      %swap3A_68 = vector.load %arg9[%swap3A, %swap3A_67] : memref<64x128xf32, #tpu.memory_space<vmem>>, vector<64x128xf32>
      tpu.vector_store %arg9[%swap3A, %swap3A_67], %concatenate3A_66 {strides = array<i32>} : memref<64x128xf32, #tpu.memory_space<vmem>>, vector<64x128xf32>,
    } else {
    }
    return
  }
  func.func @transform_0(%arg0: i32) -> (i32, i32) {
    %c0_i32 = arith.constant 0 : i32
    %c0_i32_0 = arith.constant 0 : i32
    return %arg0, %c0_i32 : i32, i32
  }
  func.func @transform_1(%arg0: i32) -> (i32, i32) {
    %add3A = arith.constant 5 : i32
    %add3A_0 = arith.addi %add3A, %arg0 : i32
    %c0_i32 = arith.constant 0 : i32
    %c0_i32_1 = arith.constant 0 : i32
    return %add3A_0, %c0_i32 : i32, i32
  }
  func.func @transform_2(%arg0: i32) -> (i32, i32) {
    %c0_i32 = arith.constant 0 : i32
    %c0_i32_0 = arith.constant 0 : i32
    return %arg0, %c0_i32 : i32, i32
  }
  func.func @transform_3(%arg0: i32) -> (i32, i32) {
    %c0_i32 = arith.constant 0 : i32
    %c0_i32_0 = arith.constant 0 : i32
    return %arg0, %c0_i32 : i32, i32
  }
  func.func @transform_4(%arg0: i32) -> (i32, i32) {
    %c0_i32 = arith.constant 0 : i32
    %c0_i32_0 = arith.constant 0 : i32
    %c0_i32_1 = arith.constant 0 : i32
    return %c0_i32, %c0_i32_0 : i32, i32
  }
  func.func @transform_5(%arg0: i32) -> (i32, i32) {
    %c0_i32 = arith.constant 0 : i32
    %c0_i32_0 = arith.constant 0 : i32
    return %arg0, %c0_i32 : i32, i32
  }
  func.func @transform_6(%arg0: i32) -> (i32, i32) {
    %c0_i32 = arith.constant 0 : i32
    %c0_i32_0 = arith.constant 0 : i32
    return %arg0, %c0_i32 : i32, i32
  }
  func.func @transform_7(%arg0: i32) -> (i32, i32) {
    %c0_i32 = arith.constant 0 : i32
    %c0_i32_0 = arith.constant 0 : i32
    return %arg0, %c0_i32 : i32, i32
  }
  func.func @transform_8(%arg0: i32) -> (i32, i32) {
    %c0_i32 = arith.constant 0 : i32
    %c0_i32_0 = arith.constant 0 : i32
    %c0_i32_1 = arith.constant 0 : i32
    return %c0_i32, %c0_i32_0 : i32, i32
  }
}

</mosaic_0001>

<sc_bundles>
// kernel: kernel.11.cloned.1.call-start
scs
__scs_entry_jumppad:
0x0: {  	(pc) =	sbr.rel $0x88, $3  }
0x1: {  	(tag) =	ssettag $0x0;
	lr =	simm.s32 $0x1  }
0x2: {  	[smem:$0x3F9A] =	sst lr;
	_ =	strace $0xD0000000  }
0x3: {  	_ = 	snop  }
0x4: {  	_ = 	snop  }
0x5: {  	_ = 	snop  }
0x6: {  	_ = 	snop  }
0x7: {  	_ = 	snop  }
__scs_overlays_trampoline_lowered:
0x8: {  	[smem:$0x3FA9] =	sst s0  }
0x9: {  	[smem:$0x3FAA] =	sst s1  }
0xa: {  	[smem:$0x3FAB] =	sst s2  }
0xb: {  	[smem:$0x3FAC] =	sst s3  }
0xc: {  	[smem:$0x3FAD] =	sst s4  }
0xd: {  	[smem:$0x3FAE] =	sst s5  }
0xe: {  	[smem:$0x3FAF] =	sst s6  }
0xf: {  	[smem:$0x3FB0] =	sst s7  }
0x10: {  	[smem:$0x3FB1] =	sst s8  }
0x11: {  	[smem:$0x3FB2] =	sst s9;
	s0 =	simm.s32 @!p0 $0x0  }
0x12: {  	s1 =	sld [smem:$0x3F98];
	s0 =	simm.s32 @p0 $0x1  }
0x13: {  	[smem:$0x3FB3] =	sst s0;
	s0 =	simm.s32 @!p1 $0x0  }
0x14: {  	s2 =	sld [smem:$0x3F97];
	s0 =	simm.s32 @p1 $0x1  }
0x15: {  	[smem:$0x3FB4] =	sst s0;
	s0 =	simm.s32 @!p2 $0x0  }
0x16: {  	s3 =	sld [smem:$0x3FDB];
	s0 =	simm.s32 @p2 $0x1  }
0x17: {  	s4 =	simm.s32 $0x1BF5;
	[smem:$0x3FB6] =	sst s0  }
0x18: {  	s0 =	sld [smem:$0x3F99];
	_ =	swait.ge [sflag:s4], $0x0  }
0x19: {  	s7 =	sld [smem:$0x3F9A]  }
0x1a: {  	s8 =	sadd.s32 $0xFFFFE003, lr  }
0x1b: {  	s9 =	sadd.s32 $0xFFFFFEF7, lr;
	s5 =	simm.s32 $0xFFFFFFFF;
	p2 =	slt.u32 s8, $0xFFFFF086  }
0x1c: {  	p1 =	slt.u32 s9, $0xF7A;
	s5 =	simm.s32 @!p2 $0x0  }
0x1d: {  	s5 =	simm.s32 @p1 $0x1;
	p0 =	seq.s32 s7, s2  }
0x1e: {  	s7 =	smul.u32 @!p0 $0xF7A, s2;
	p2 =	seq.s32 @!p0 s5, $0x0  }
0x1f: {  	s9 =	smul.u32 $0xF7A, s1;
	s8 =	simm.s32 @!p0 $0x1BF5;
	p2 =	por !p2, p0  }
0x20: {  	[sflag:s8] =	ssyncset.s32 @!p0 $0xFFFFF086;
	s6 =	sadd.s32 @!p0 s3, s7;
	s7 =	simm.s32 @!p0 $0x108  }
0x21: {  	s3 =	sadd.s32 s3, s9;
	s6 =	sadd.s32 @!p0 $0x88, s6;
	s7 =	simm.s32 @p2 $0x1082  }
0x22: {  	[simem:s7], [sflag:s8] =	dma.local @!p0 [hbm:s6], $0xF7A  }
0x23: {  	s9 =	sor.u32 $0xD0000000, s2;
	s6 =	simm.s32 $0x108;
	_ =	swait.ge @!p0 [sflag:s8], $0x0  }
0x24: {  	s3 =	sadd.s32 $0x88, s3;
	s6 =	simm.s32 @!p1 $0x1082;
	[sflag:s4] =	ssyncset.s32 $0xFFFFF086  }
0x25: {  	[simem:s6], [sflag:s4] =	dma.local [hbm:s3], $0xF7A  }
0x26: {  	[smem:$0x3F9A] =	sst s1;
	(tag) =	ssettag s2;
	_ =	strace s9  }
0x27: {  	s1 =	sld [smem:$0x3FAA]  }
0x28: {  	s2 =	sld [smem:$0x3FAB]  }
0x29: {  	s4 =	sld [smem:$0x3FAD]  }
0x2a: {  	p0 =	seq.s32 s5, $0x0;
	s5 =	sld [smem:$0x3FAE]  }
0x2b: {  	s6 =	sld [smem:$0x3FAF]  }
0x2c: {  	s7 =	sld [smem:$0x3FB0]  }
0x2d: {  	s3 =	simm.s32 $0x108;
	s8 =	sld [smem:$0x3FB1]  }
0x2e: {  	s3 =	simm.s32 @!p0 $0x1082;
	s9 =	sld [smem:$0x3FB2]  }
0x2f: {  	lr =	sadd.s32 s0, s3;
	s0 =	sld [smem:$0x3FA9]  }
0x30: {  	s3 =	sld [smem:$0x3FAC]  }
0x31: {  	[smem:$0x3FB5] =	sst s10  }
0x32: {  	s10 =	sld [smem:$0x3FB3];
	_ =	sdelay $0x3  }
0x33: {  	p0 =	seq.s32 s10, $0x1;
	s10 =	sld [smem:$0x3FB5];
	_ =	sdelay $0x3  }
0x34: {  	[smem:$0x3FB5] =	sst s10  }
0x35: {  	s10 =	sld [smem:$0x3FB4];
	_ =	sdelay $0x3  }
0x36: {  	p1 =	seq.s32 s10, $0x1;
	s10 =	sld [smem:$0x3FB5];
	_ =	sdelay $0x3  }
0x37: {  	[smem:$0x3FB5] =	sst s10  }
0x38: {  	s10 =	sld [smem:$0x3FB6]  }
0x39: {  	_ = 	snop;
	(pc) =	sbr.ind lr, $3  }
0x3a: {  	_ = 	snop  }
0x3b: {  	_ = 	snop  }
0x3c: {  	p2 =	seq.s32 s10, $0x1;
	s10 =	sld [smem:$0x3FB5]  }
0x3d: {  	_ =	shalt  }
0x3e: {  	_ =	shalt  }
0x3f: {  	_ =	shalt  }
0x40: {  	_ =	shalt  }
0x41: {  	_ =	shalt  }
0x42: {  	_ =	shalt  }
0x43: {  	_ =	shalt  }
0x44: {  	_ =	shalt  }
0x45: {  	_ =	shalt  }
0x46: {  	_ =	shalt  }
0x47: {  	_ =	shalt  }
0x48: {  	_ =	shalt  }
0x49: {  	_ =	shalt  }
0x4a: {  	_ =	shalt  }
0x4b: {  	_ =	shalt  }
0x4c: {  	_ =	shalt  }
0x4d: {  	_ =	shalt  }
0x4e: {  	_ =	shalt  }
0x4f: {  	_ =	shalt  }
0x50: {  	_ =	shalt  }
0x51: {  	_ =	shalt  }
0x52: {  	_ =	shalt  }
0x53: {  	_ =	shalt  }
0x54: {  	_ =	shalt  }
0x55: {  	_ =	shalt  }
0x56: {  	_ =	shalt  }
0x57: {  	_ =	shalt  }
0x58: {  	_ =	shalt  }
0x59: {  	_ =	shalt  }
0x5a: {  	_ =	shalt  }
0x5b: {  	_ =	shalt  }
0x5c: {  	_ =	shalt  }
0x5d: {  	_ =	shalt  }
0x5e: {  	_ =	shalt  }
0x5f: {  	_ =	shalt  }
0x60: {  	_ =	shalt  }
0x61: {  	_ =	shalt  }
0x62: {  	_ =	shalt  }
0x63: {  	_ =	shalt  }
0x64: {  	_ =	shalt  }
0x65: {  	_ =	shalt  }
0x66: {  	_ =	shalt  }
0x67: {  	_ =	shalt  }
0x68: {  	_ =	shalt  }
0x69: {  	_ =	shalt  }
0x6a: {  	_ =	shalt  }
0x6b: {  	_ =	shalt  }
0x6c: {  	_ =	shalt  }
0x6d: {  	_ =	shalt  }
0x6e: {  	_ =	shalt  }
0x6f: {  	_ =	shalt  }
0x70: {  	_ =	shalt  }
0x71: {  	_ =	shalt  }
0x72: {  	_ =	shalt  }
0x73: {  	_ =	shalt  }
0x74: {  	_ =	shalt  }
0x75: {  	_ =	shalt  }
0x76: {  	_ =	shalt  }
0x77: {  	_ =	shalt  }
0x78: {  	_ =	shalt  }
0x79: {  	_ =	shalt  }
0x7a: {  	_ =	shalt  }
0x7b: {  	_ =	shalt  }
0x7c: {  	_ =	shalt  }
0x7d: {  	_ =	shalt  }
0x7e: {  	_ =	shalt  }
0x7f: {  	_ =	shalt  }
0x80: {  	_ =	shalt  }
0x81: {  	_ =	shalt  }
0x82: {  	_ =	shalt  }
0x83: {  	_ =	shalt  }
0x84: {  	_ =	shalt  }
0x85: {  	_ =	shalt  }
0x86: {  	_ =	shalt  }
0x87: {  	_ =	shalt  }
.Lfunc_end0:
.L_simem_size_0:
called_computation.1_lowered:
.L_overlay_start_0:
0x88: {  	s2 =	sld [smem:$0x3FD9]  }
0x89: {  	s3 =	sld [smem:$0x3FFE];
	_ =	sdelay $0x1  }
0x8a: {  	s1 =	srdreg.scid  }
0x8b: {  	s0 =	sand.u32 $0x1, s1  }
0x8c: {  	s16 =	sshll.u32 s0, $0xA;
	s2 =	sadd.s32 s3, s2  }
0x8d: {  	s2 =	sadd.s32 s2, s16  }
0x8e: {  	[smem:$0x3FC1] =	sst s2  }
0x8f: {  	_ = 	snop  }
0x90: {  	(tm) =	ssettm $0x1  }
0x91: {  	s17 =	sld [smem:$0x3FFB];
	_ =	sdelay $0x3  }
0x92: {  	_ =	strace s17  }
0x93: {  	s2 =	sld [smem:$0x3FFC];
	_ =	sdelay $0x3  }
0x94: {  	_ =	strace s2  }
0x95: {  	s2 =	sld [smem:$0x3FFD];
	_ =	sdelay $0x3  }
0x96: {  	_ =	strace s2  }
0x97: {  	_ =	strace $0x8FFFFFFF  }
0x98: {  	s18 =	sld [smem:$0x3FDB];
	_ =	sdelay $0x1  }
0x99: {  	s19 =	simm.s32 $_scs_section_size  }
0x9a: {  	s4 =	simm.s32 $_size__tile_overlayer_lowered;
	s5 =	simm.s32 $_tile_overlayer_lowered  }
0x9b: {  	s22 =	simm.s32 $0x1BFF;
	s21 =	sshll.u32 s5, $0x1;
	s2 =	sadd.s32 s19, s18  }
0x9c: {  	s6 =	simm.s32 $0x0;
	s20 =	sshll.u32 s4, $0x1;
	s4 =	sadd.s32 s21, s2  }
0x9d: {  	[timem:s6], [sflag:s22] =	dma.local [hbm:s4], s20  }
0x9e: {  	_ =	swait.ge [sflag:s22], s20  }
0x9f: {  	s3 =	ssub.s32 $0x0, s20;
	[sflag:s22] =	ssyncset.done $0x0  }
0xa0: {  	[sflag:s22] =	ssyncadd.s32 s3;
	_ =	sdelay $0x1  }
0xa1: {  	s23 =	simm.s32 $0x1B8B  }
0xa2: {  	_ =	swait.ge [sflag:s23], $0x1  }
0xa3: {  	[sflag:s23] =	ssyncset.done $0x0  }
0xa4: {  	s25 =	simm.s32 $0x1B8E;
	s24 =	sld [smem:$0x3FFE];
	[sflag:s23] =	ssyncadd.s32 $0xFFFFFFFF  }
0xa5: {  	s26 =	simm.s32 $execute0_lowered;
	[smem:$0x3FD2] =	sst s25  }
0xa6: {  	s4 =	sshll.u32 s26, $0x1;
	_ =	strace $0x80000049;
	[dreg:$0x1] =	wrdreg $0xFFFFFFFF  }
0xa7: {  	s28 =	simm.s32 $_size_execute0_lowered;
	s2 =	sadd.s32 s2, s4;
	[dreg:$0x0] =	wrdreg $0x0  }
0xa8: {  	s4 =	sshll.u32 s28, $0x1;
	[dreg:$0x2] =	wrdreg s2  }
0xa9: {  	[dreg:$0x3] =	wrdreg s4  }
0xaa: {  	[dreg:$0x4] =	wrdreg $0xC0  }
0xab: {  	_ =	task [dreg:s6], $0x5FFFF  }
0xac: {  	[dreg:$0x1] =	wrdreg $0xFFFFFFFF  }
0xad: {  	[dreg:$0x0] =	wrdreg $0x60  }
0xae: {  	[dreg:$0x2] =	wrdreg s24  }
0xaf: {  	[dreg:$0x3] =	wrdreg $0x14A000  }
0xb0: {  	[dreg:$0x4] =	wrdreg $0x9  }
0xb1: {  	_ =	task.clear_ibuf [dreg:s6], $0x5FFFF;
	_ =	strace $0x90000049  }
0xb2: {  	s29 =	simm.s32 $0x9;
	_ =	strace $0x8000004B  }
0xb3: {  	_ =	swait.ge [sflag:s29], $0x1  }
0xb4: {  	[sflag:s29] =	ssyncadd.s32 $0xFFFFFFFF  }
0xb5: {  	_ =	strace $0x9000004B  }
0xb6: {  	_ =	sfence  }
0xb7: {  	s30 =	sld [smem:$0x0];
	_ =	sdelay $0x2  }
0xb8: {  	s31 =	sshll.u32 s1, $0xD;
	s1 =	sshrl.u32 s1, $0x2  }
0xb9: {  	s3 =	sand.u32 $0x4000, s31;
	s1 =	sadd.s32 s1, s30  }
0xba: {  	s0 =	sor.u32 s3, s0;
	s1 =	sshll.u32 s1, $0x11  }
0xbb: {  	s0 =	sor.u32 s1, s0  }
0xbc: {  	s0 =	sadd.s32 $0x8F2B, s0  }
0xbd: {  	[sflag:s0] =	ssyncadd.remote.s32 $0x1  }
0xbe: {  	_ =	sfence.sel $0xFFFF  }
0xbf: {  	[dreg:$0x0] =	wrdreg $0xFFFFFFFF;
	(pc) =	sbr.abs _section_cstart, $3  }
0xc0: {  	[dreg:$0x1] =	wrdreg $0xFFFFFFFF  }
0xc1: {  	_ =	task.clear_ibuf [dreg:s6], $0x2FFFF;
	_ =	strace $0x9FFFFFFF  }
0xc2: {  	(tm) =	ssettm $0x7FFFFFFF  }
0xc3: {  	_ =	shalt  }
tec
execute0_lowered:
.L_overlay_start_1:
0x0: {  	(tag) =	ssettag $0x1  }
0x1: {  	s0 =	srdreg.scid;
	s3 =	rddreg [dreg:$0x0]  }
0x2: {  	s8 =	stileid.u32;
	s2 =	rddreg [dreg:$0x1]  }
0x3: {  	s4 =	simm.s32 $0x0;
	s14 =	simm.s32 $0x1;
	s15 =	simm.s32 $0x2  }
0x4: {  	s16 =	simm.s32 $0x7D;
	s17 =	simm.s32 $0x5000;
	s19 =	simm.s32 $0x6F40  }
0x5: {  	s21 =	simm.s32 $0x8E80;
	s23 =	simm.s32 $0xADC0;
	s28 =	simm.s32 $0xEC40  }
0x6: {  	s30 =	simm.s32 $0x10B80;
	s10 =	simm.s32 $0x4;
	s18 =	simm.s32 $0x5  }
0x7: {  	s20 =	simm.s32 $0x6;
	s22 =	simm.s32 $0x7;
	s29 =	simm.s32 $0xA  }
0x8: {  	s31 =	simm.s32 $0xB;
	s11 =	simm.s32 $0x0;
	s0 =	sand.u32 $0x1, s0  }
0x9: {  	s1 =	sshll.u32 s8, $0x1;
	s5 =	smul.u32 $0x278, s8;
	[smem:$0x7FF] =	sst s4  }
0xa: {  	s4 =	sadd.s32 $0x96800, s3;
	s7 =	smul.u32 $0x27800, s8;
	s9 =	sadd.s32 $0xCE00, s3  }
0xb: {  	p0 =	seq.s32 s8, $0xF;
	s1 =	sor.u32 s0, s1;
	s6 =	smul.u32 $0x2710, s0  }
0xc: {  	_ =	strace $0x8000004A;
	s0 =	ssub.s32 $0x2, s0;
	[dreg:$0x3] =	wrdreg s9  }
0xd: {  	s9 =	simm.s32 $0xE;
	[dreg:$0xa] =	wrdreg s11;
	s1 =	smul.u32 $0x500, s1  }
0xe: {  	s24 =	sshrl.u32 s0, $0x1;
	s26 =	sshrl.u32 s7, $0x2;
	s7 =	simm.s32 $0xD  }
0xf: {  	s5 =	sadd.s32 s5, s6;
	s0 =	ssub.s32 s0, s24;
	s24 =	simm.s32 $0x8  }
0x10: {  	s6 =	simm.s32 $0xC;
	s1 =	sadd.s32 s1, s3;
	s0 =	smax.u32 s0, $0x1  }
0x11: {  	s5 =	sshll.u32 s5, $0x3;
	s25 =	sadd.s32 $0x3E400, s1;
	[dreg:$0x7] =	wrdreg s0  }
0x12: {  	s3 =	sadd.s32 s5, s3;
	s1 =	sadd.s32 $0x2E00, s1;
	[dreg:$0x4] =	wrdreg s25  }
0x13: {  	s5 =	sadd.s32 $0x94200, s2;
	s0 =	sshll.u32 @!p0 s8, $0x6;
	[dreg:$0x5] =	wrdreg s1  }
0x14: {  	s1 =	sadd.s32 s26, s2;
	s3 =	sadd.s32 $0xAA200, s3;
	s8 =	sshrl.u32 @p0 s5, $0x3  }
0x15: {  	s0 =	sor.u32 @!p0 $0x1C11, s0;
	s25 =	simm.s32 $0xCD00;
	[dreg:$0x6] =	wrdreg s3  }
0x16: {  	s26 =	simm.s32 $0x9;
	s5 =	simm.s32 $0x10;
	[dreg:$0xb] =	wrdreg s0  }
0x17: {  	s0 =	sshrl.u32 @!p0 s1, $0x3;
	s1 =	simm.s32 $0x12AC0;
	[dreg:$0x8] =	wrdreg s8  }
0x18: {  	s3 =	simm.s32 $0xF;
	[dreg:$0x9] =	wrdreg s0;
	s0 =	simm.s32 $0x3  }
.LBB2_1:
0x19: {  	s13 =	simm.s32 $0x0;
	s11 =	rddreg [dreg:$0x4]  }
0x1a: {  	[tilespmem:s13], [sflag:$0x1] =	stream.linear.gather [hbm4b:s11+s13], $0x2800, $0x38;
	[tilespmem:$0x1E640] =	vst v63  }
0x1b: {  	s12 =	simm.s32 $0x0;
	s11 =	rddreg [dreg:$0x5];
	s13 =	simm.s32 $0x2800  }
0x1c: {  	[tilespmem:s13], [sflag:$0x2] =	stream.linear.gather [hbm4b:s11+s12], $0x2800, $0x38;
	[tilespmem:$0x1E640] =	vst v63  }
0x1d: {  	s11 =	simm.s32 @p0 $0x1FD1;
	s13 =	rddreg [dreg:$0x3]  }
0x1e: {  	[spmem:s8], [sflag:s11] =	dma.local @p0 [hbm:s13], $0x1040  }
0x1f: {  	s11 =	simm.s32 @p0 $0x11  }
0x20: {  	s8 =	rddreg [dreg:$0xb];
	_ =	swait.ge @p0 [sflag:s11], $0x1040  }
0x21: {  	[sflag:s11] =	ssyncset.done @p0 $0x0  }
0x22: {  	[sflag:s11] =	ssyncadd.s32 @p0 $0xFFFFEFC0;
	s11 =	rddreg [dreg:$0x9]  }
0x23: {  	[spmem:s11], [sflag:s8] =	dma.local @!p0 [hbm:s13], $0x13C0  }
0x24: {  	s11 =	simm.s32 @!p0 $0x11  }
0x25: {  	_ =	swait.ge @!p0 [sflag:s11], $0x13C0  }
0x26: {  	[sflag:s11] =	ssyncset.done @!p0 $0x0  }
0x27: {  	[sflag:s11] =	ssyncadd.s32 @!p0 $0xFFFFEC40  }
0x28: {  	_ =	swait.ge [sflag:s14], $0x2800  }
0x29: {  	[sflag:s14] =	ssyncset.done $0x0  }
0x2a: {  	[sflag:s14] =	ssyncadd.s32 $0xFFFFD800  }
0x2b: {  	_ =	swait.ge [sflag:s15], $0x2800  }
0x2c: {  	[sflag:s15] =	ssyncset.done $0x0  }
0x2d: {  	s12 =	simm.s32 $0x0;
	[sflag:s15] =	ssyncadd.s32 $0xFFFFD800  }
0x2e: {  	[tilespmem:s17], [sflag:$0x1] =	stream.indirect.gather [hbm4b:s4+s16], $0x40, s12, s16, $0xb8;
	[tilespmem:$0x1E640] =	vst v63  }
0x2f: {  	s13 =	simm.s32 $0x80  }
0x30: {  	[tilespmem:s19], [sflag:$0x2] =	stream.indirect.gather [hbm4b:s4+s16], $0x40, s13, s16, $0xb8;
	[tilespmem:$0x1E640] =	vst v63  }
0x31: {  	s8 =	simm.s32 $0x100  }
0x32: {  	[tilespmem:s21], [sflag:$0x3] =	stream.indirect.gather [hbm4b:s4+s16], $0x40, s8, s16, $0xb8;
	[tilespmem:$0x1E640] =	vst v63  }
0x33: {  	s12 =	simm.s32 $0x180  }
0x34: {  	[tilespmem:s23], [sflag:$0x4] =	stream.indirect.gather [hbm4b:s4+s16], $0x40, s12, s16, $0xb8;
	[tilespmem:$0x1E640] =	vst v63  }
0x35: {  	s13 =	simm.s32 $0x200  }
0x36: {  	[tilespmem:s25], [sflag:$0x5] =	stream.indirect.gather [hbm4b:s4+s16], $0x40, s13, s16, $0xb8;
	[tilespmem:$0x1E640] =	vst v63  }
0x37: {  	s8 =	simm.s32 $0x280  }
0x38: {  	[tilespmem:s28], [sflag:$0x6] =	stream.indirect.gather [hbm4b:s4+s16], $0x40, s8, s16, $0xb8;
	[tilespmem:$0x1E640] =	vst v63  }
0x39: {  	s12 =	simm.s32 $0x300  }
0x3a: {  	[tilespmem:s30], [sflag:$0x7] =	stream.indirect.gather [hbm4b:s4+s16], $0x40, s12, s16, $0xb8;
	[tilespmem:$0x1E640] =	vst v63  }
0x3b: {  	s13 =	simm.s32 $0x380  }
0x3c: {  	[tilespmem:s1], [sflag:$0x8] =	stream.indirect.gather [hbm4b:s4+s16], $0x40, s13, s16, $0xb8;
	[tilespmem:$0x1E640] =	vst v63  }
0x3d: {  	[bflag:$0x0] =	sbarrier.arrive $0xFFFF  }
0x3e: {  	_ =	swait.ge [sflag:s14], $0x1F40  }
0x3f: {  	[sflag:s14] =	ssyncset.done $0x0  }
0x40: {  	s8 =	simm.s32 $0x2800;
	[sflag:s14] =	ssyncadd.s32 $0xFFFFE0C0  }
0x41: {  	[spmem:s2] =	stream.indirect.scatter.add.f32 [tilespmem:s17], [sflag:$0x9], $0x40, s8, s16, $0xb8;
	[tilespmem:$0x1E640] =	vst v63  }
0x42: {  	_ =	swait.ge [sflag:s15], $0x1F40  }
0x43: {  	[sflag:s15] =	ssyncset.done $0x0  }
0x44: {  	s12 =	simm.s32 $0x2880;
	[sflag:s15] =	ssyncadd.s32 $0xFFFFE0C0  }
0x45: {  	[spmem:s2] =	stream.indirect.scatter.add.f32 [tilespmem:s19], [sflag:$0xA], $0x40, s12, s16, $0xb8;
	[tilespmem:$0x1E640] =	vst v63  }
0x46: {  	_ =	swait.ge [sflag:s0], $0x1F40  }
0x47: {  	[sflag:s0] =	ssyncset.done $0x0  }
0x48: {  	s13 =	simm.s32 $0x2900;
	[sflag:s0] =	ssyncadd.s32 $0xFFFFE0C0  }
0x49: {  	[spmem:s2] =	stream.indirect.scatter.add.f32 [tilespmem:s21], [sflag:$0xB], $0x40, s13, s16, $0xb8;
	[tilespmem:$0x1E640] =	vst v63  }
0x4a: {  	_ =	swait.ge [sflag:s10], $0x1F40  }
0x4b: {  	[sflag:s10] =	ssyncset.done $0x0  }
0x4c: {  	s8 =	simm.s32 $0x2980;
	[sflag:s10] =	ssyncadd.s32 $0xFFFFE0C0  }
0x4d: {  	[spmem:s2] =	stream.indirect.scatter.add.f32 [tilespmem:s23], [sflag:$0xC], $0x40, s8, s16, $0xb8;
	[tilespmem:$0x1E640] =	vst v63  }
0x4e: {  	_ =	swait.ge [sflag:s18], $0x1F40  }
0x4f: {  	[sflag:s18] =	ssyncset.done $0x0  }
0x50: {  	s12 =	simm.s32 $0x2A00;
	[sflag:s18] =	ssyncadd.s32 $0xFFFFE0C0  }
0x51: {  	[spmem:s2] =	stream.indirect.scatter.add.f32 [tilespmem:s25], [sflag:$0xD], $0x40, s12, s16, $0xb8;
	[tilespmem:$0x1E640] =	vst v63  }
0x52: {  	_ =	swait.ge [sflag:s20], $0x1F40  }
0x53: {  	[sflag:s20] =	ssyncset.done $0x0  }
0x54: {  	s13 =	simm.s32 $0x2A80;
	[sflag:s20] =	ssyncadd.s32 $0xFFFFE0C0  }
0x55: {  	[spmem:s2] =	stream.indirect.scatter.add.f32 [tilespmem:s28], [sflag:$0xE], $0x40, s13, s16, $0xb8;
	[tilespmem:$0x1E640] =	vst v63  }
0x56: {  	_ =	swait.ge [sflag:s22], $0x1F40  }
0x57: {  	[sflag:s22] =	ssyncset.done $0x0  }
0x58: {  	s8 =	simm.s32 $0x2B00;
	[sflag:s22] =	ssyncadd.s32 $0xFFFFE0C0  }
0x59: {  	[spmem:s2] =	stream.indirect.scatter.add.f32 [tilespmem:s30], [sflag:$0xF], $0x40, s8, s16, $0xb8;
	[tilespmem:$0x1E640] =	vst v63  }
0x5a: {  	_ =	swait.ge [sflag:s24], $0x1F40  }
0x5b: {  	[sflag:s24] =	ssyncset.done $0x0  }
0x5c: {  	s12 =	simm.s32 $0x2B80;
	[sflag:s24] =	ssyncadd.s32 $0xFFFFE0C0  }
0x5d: {  	[spmem:s2] =	stream.indirect.scatter.add.f32 [tilespmem:s1], [sflag:$0x10], $0x40, s12, s16, $0xb8;
	[tilespmem:$0x1E640] =	vst v63  }
0x5e: {  	_ =	swait.ge [sflag:s26], $0x1F40  }
0x5f: {  	[sflag:s26] =	ssyncset.done $0x0  }
0x60: {  	s13 =	simm.s32 $0x400;
	[sflag:s26] =	ssyncadd.s32 $0xFFFFE0C0  }
0x61: {  	[tilespmem:s17], [sflag:$0x1] =	stream.indirect.gather [hbm4b:s4+s16], $0x40, s13, s16, $0xb8;
	[tilespmem:$0x1E640] =	vst v63  }
0x62: {  	_ =	swait.ge [sflag:s29], $0x1F40  }
0x63: {  	[sflag:s29] =	ssyncset.done $0x0  }
0x64: {  	s8 =	simm.s32 $0x480;
	[sflag:s29] =	ssyncadd.s32 $0xFFFFE0C0  }
0x65: {  	[tilespmem:s19], [sflag:$0x2] =	stream.indirect.gather [hbm4b:s4+s16], $0x40, s8, s16, $0xb8;
	[tilespmem:$0x1E640] =	vst v63  }
0x66: {  	_ =	swait.ge [sflag:s31], $0x1F40  }
0x67: {  	[sflag:s31] =	ssyncset.done $0x0  }
0x68: {  	s12 =	simm.s32 $0x500;
	[sflag:s31] =	ssyncadd.s32 $0xFFFFE0C0  }
0x69: {  	[tilespmem:s21], [sflag:$0x3] =	stream.indirect.gather [hbm4b:s4+s16], $0x40, s12, s16, $0xb8;
	[tilespmem:$0x1E640] =	vst v63  }
0x6a: {  	_ =	swait.ge [sflag:s6], $0x1F40  }
0x6b: {  	[sflag:s6] =	ssyncset.done $0x0  }
0x6c: {  	s13 =	simm.s32 $0x580;
	[sflag:s6] =	ssyncadd.s32 $0xFFFFE0C0  }
0x6d: {  	[tilespmem:s23], [sflag:$0x4] =	stream.indirect.gather [hbm4b:s4+s16], $0x40, s13, s16, $0xb8;
	[tilespmem:$0x1E640] =	vst v63  }
0x6e: {  	_ =	swait.ge [sflag:s7], $0x1F40  }
0x6f: {  	[sflag:s7] =	ssyncset.done $0x0  }
0x70: {  	s8 =	simm.s32 $0x600;
	[sflag:s7] =	ssyncadd.s32 $0xFFFFE0C0  }
0x71: {  	[tilespmem:s25], [sflag:$0x5] =	stream.indirect.gather [hbm4b:s4+s16], $0x40, s8, s16, $0xb8;
	[tilespmem:$0x1E640] =	vst v63  }
0x72: {  	_ =	swait.ge [sflag:s9], $0x1F40  }
0x73: {  	[sflag:s9] =	ssyncset.done $0x0  }
0x74: {  	s12 =	simm.s32 $0x680;
	[sflag:s9] =	ssyncadd.s32 $0xFFFFE0C0  }
0x75: {  	[tilespmem:s28], [sflag:$0x6] =	stream.indirect.gather [hbm4b:s4+s16], $0x40, s12, s16, $0xb8;
	[tilespmem:$0x1E640] =	vst v63  }
0x76: {  	_ =	swait.ge [sflag:s3], $0x1F40  }
0x77: {  	[sflag:s3] =	ssyncset.done $0x0  }
0x78: {  	s13 =	simm.s32 $0x700;
	[sflag:s3] =	ssyncadd.s32 $0xFFFFE0C0  }
0x79: {  	[tilespmem:s30], [sflag:$0x7] =	stream.indirect.gather [hbm4b:s4+s16], $0x40, s13, s16, $0xb8;
	[tilespmem:$0x1E640] =	vst v63  }
0x7a: {  	_ =	swait.ge [sflag:s5], $0x1F40  }
0x7b: {  	[sflag:s5] =	ssyncset.done $0x0  }
0x7c: {  	s11 =	simm.s32 $0x1000;
	s12 =	simm.s32 $0x780;
	[sflag:s5] =	ssyncadd.s32 $0xFFFFE0C0  }
.LBB2_2:
0x7d: {  	[tilespmem:s1], [sflag:$0x8] =	stream.indirect.gather [hbm4b:s4+s16], $0x40, s12, s16, $0xb8;
	[tilespmem:$0x1E640] =	vst v63  }
0x7e: {  	s12 =	smov.u32 s11  }
0x7f: {  	p1 =	sne.s32 s11, $0x8000;
	s11 =	sadd.s32 $0x1000, s11;
	_ =	swait.ge [sflag:s14], $0x1F40  }
0x80: {  	s12 =	sshra.s32 s12, $0x2;
	[sflag:s14] =	ssyncset.done $0x0  }
0x81: {  	s13 =	sadd.s32 $0x2800, s12;
	[sflag:s14] =	ssyncadd.s32 $0xFFFFE0C0  }
0x82: {  	[spmem:s2] =	stream.indirect.scatter.add.f32 [tilespmem:s17], [sflag:$0x9], $0x40, s13, s16, $0xb8;
	[tilespmem:$0x1E640] =	vst v63  }
0x83: {  	_ =	swait.ge [sflag:s15], $0x1F40  }
0x84: {  	[sflag:s15] =	ssyncset.done $0x0  }
0x85: {  	s13 =	sadd.s32 $0x2880, s12;
	[sflag:s15] =	ssyncadd.s32 $0xFFFFE0C0  }
0x86: {  	[spmem:s2] =	stream.indirect.scatter.add.f32 [tilespmem:s19], [sflag:$0xA], $0x40, s13, s16, $0xb8;
	[tilespmem:$0x1E640] =	vst v63  }
0x87: {  	_ =	swait.ge [sflag:s0], $0x1F40  }
0x88: {  	[sflag:s0] =	ssyncset.done $0x0  }
0x89: {  	s13 =	sadd.s32 $0x2900, s12;
	[sflag:s0] =	ssyncadd.s32 $0xFFFFE0C0  }
0x8a: {  	[spmem:s2] =	stream.indirect.scatter.add.f32 [tilespmem:s21], [sflag:$0xB], $0x40, s13, s16, $0xb8;
	[tilespmem:$0x1E640] =	vst v63  }
0x8b: {  	_ =	swait.ge [sflag:s10], $0x1F40  }
0x8c: {  	[sflag:s10] =	ssyncset.done $0x0  }
0x8d: {  	s13 =	sadd.s32 $0x2980, s12;
	[sflag:s10] =	ssyncadd.s32 $0xFFFFE0C0  }
0x8e: {  	[spmem:s2] =	stream.indirect.scatter.add.f32 [tilespmem:s23], [sflag:$0xC], $0x40, s13, s16, $0xb8;
	[tilespmem:$0x1E640] =	vst v63  }
0x8f: {  	_ =	swait.ge [sflag:s18], $0x1F40  }
0x90: {  	[sflag:s18] =	ssyncset.done $0x0  }
0x91: {  	s13 =	sadd.s32 $0x2A00, s12;
	[sflag:s18] =	ssyncadd.s32 $0xFFFFE0C0  }
0x92: {  	[spmem:s2] =	stream.indirect.scatter.add.f32 [tilespmem:s25], [sflag:$0xD], $0x40, s13, s16, $0xb8;
	[tilespmem:$0x1E640] =	vst v63  }
0x93: {  	_ =	swait.ge [sflag:s20], $0x1F40  }
0x94: {  	[sflag:s20] =	ssyncset.done $0x0  }
0x95: {  	s13 =	sadd.s32 $0x2A80, s12;
	[sflag:s20] =	ssyncadd.s32 $0xFFFFE0C0  }
0x96: {  	[spmem:s2] =	stream.indirect.scatter.add.f32 [tilespmem:s28], [sflag:$0xE], $0x40, s13, s16, $0xb8;
	[tilespmem:$0x1E640] =	vst v63  }
0x97: {  	_ =	swait.ge [sflag:s22], $0x1F40  }
0x98: {  	[sflag:s22] =	ssyncset.done $0x0  }
0x99: {  	s13 =	sadd.s32 $0x2B00, s12;
	[sflag:s22] =	ssyncadd.s32 $0xFFFFE0C0  }
0x9a: {  	[spmem:s2] =	stream.indirect.scatter.add.f32 [tilespmem:s30], [sflag:$0xF], $0x40, s13, s16, $0xb8;
	[tilespmem:$0x1E640] =	vst v63  }
0x9b: {  	_ =	swait.ge [sflag:s24], $0x1F40  }
0x9c: {  	[sflag:s24] =	ssyncset.done $0x0  }
0x9d: {  	s13 =	sadd.s32 $0x2B80, s12;
	[sflag:s24] =	ssyncadd.s32 $0xFFFFE0C0  }
0x9e: {  	[spmem:s2] =	stream.indirect.scatter.add.f32 [tilespmem:s1], [sflag:$0x10], $0x40, s13, s16, $0xb8;
	[tilespmem:$0x1E640] =	vst v63  }
0x9f: {  	_ =	swait.ge [sflag:s26], $0x1F40  }
0xa0: {  	[sflag:s26] =	ssyncset.done $0x0  }
0xa1: {  	s13 =	sadd.s32 $0x400, s12;
	[sflag:s26] =	ssyncadd.s32 $0xFFFFE0C0  }
0xa2: {  	[tilespmem:s17], [sflag:$0x1] =	stream.indirect.gather [hbm4b:s4+s16], $0x40, s13, s16, $0xb8;
	[tilespmem:$0x1E640] =	vst v63  }
0xa3: {  	_ =	swait.ge [sflag:s29], $0x1F40  }
0xa4: {  	[sflag:s29] =	ssyncset.done $0x0  }
0xa5: {  	s13 =	sadd.s32 $0x480, s12;
	[sflag:s29] =	ssyncadd.s32 $0xFFFFE0C0  }
0xa6: {  	[tilespmem:s19], [sflag:$0x2] =	stream.indirect.gather [hbm4b:s4+s16], $0x40, s13, s16, $0xb8;
	[tilespmem:$0x1E640] =	vst v63  }
0xa7: {  	_ =	swait.ge [sflag:s31], $0x1F40  }
0xa8: {  	[sflag:s31] =	ssyncset.done $0x0  }
0xa9: {  	s13 =	sadd.s32 $0x500, s12;
	[sflag:s31] =	ssyncadd.s32 $0xFFFFE0C0  }
0xaa: {  	[tilespmem:s21], [sflag:$0x3] =	stream.indirect.gather [hbm4b:s4+s16], $0x40, s13, s16, $0xb8;
	[tilespmem:$0x1E640] =	vst v63  }
0xab: {  	_ =	swait.ge [sflag:s6], $0x1F40  }
0xac: {  	[sflag:s6] =	ssyncset.done $0x0  }
0xad: {  	s13 =	sadd.s32 $0x580, s12;
	[sflag:s6] =	ssyncadd.s32 $0xFFFFE0C0  }
0xae: {  	[tilespmem:s23], [sflag:$0x4] =	stream.indirect.gather [hbm4b:s4+s16], $0x40, s13, s16, $0xb8;
	[tilespmem:$0x1E640] =	vst v63  }
0xaf: {  	_ =	swait.ge [sflag:s7], $0x1F40  }
0xb0: {  	[sflag:s7] =	ssyncset.done $0x0  }
0xb1: {  	s13 =	sadd.s32 $0x600, s12;
	[sflag:s7] =	ssyncadd.s32 $0xFFFFE0C0  }
0xb2: {  	[tilespmem:s25], [sflag:$0x5] =	stream.indirect.gather [hbm4b:s4+s16], $0x40, s13, s16, $0xb8;
	[tilespmem:$0x1E640] =	vst v63  }
0xb3: {  	_ =	swait.ge [sflag:s9], $0x1F40  }
0xb4: {  	[sflag:s9] =	ssyncset.done $0x0  }
0xb5: {  	s13 =	sadd.s32 $0x680, s12;
	[sflag:s9] =	ssyncadd.s32 $0xFFFFE0C0  }
0xb6: {  	[tilespmem:s28], [sflag:$0x6] =	stream.indirect.gather [hbm4b:s4+s16], $0x40, s13, s16, $0xb8;
	[tilespmem:$0x1E640] =	vst v63  }
0xb7: {  	_ =	swait.ge [sflag:s3], $0x1F40  }
0xb8: {  	[sflag:s3] =	ssyncset.done $0x0  }
.Ltmp0:
0xb9: {  	s13 =	sadd.s32 $0x700, s12;
	[sflag:s3] =	ssyncadd.s32 $0xFFFFE0C0;
	(pc) =	sbr.rel @p1 .LBB2_2-.Ltmp0, $4  }
0xba: {  	[tilespmem:s30], [sflag:$0x7] =	stream.indirect.gather [hbm4b:s4+s16], $0x40, s13, s16, $0xb8;
	[tilespmem:$0x1E640] =	vst v63  }
0xbb: {  	_ =	swait.ge [sflag:s5], $0x1F40  }
0xbc: {  	[sflag:s5] =	ssyncset.done $0x0  }
0xbd: {  	s12 =	sadd.s32 $0x780, s12;
	[sflag:s5] =	ssyncadd.s32 $0xFFFFE0C0  }
0xbe: {  	[tilespmem:s1], [sflag:$0x8] =	stream.indirect.gather [hbm4b:s4+s16], $0x40, s12, s16, $0xb8;
	[tilespmem:$0x1E640] =	vst v63  }
0xbf: {  	_ =	swait.ge [sflag:s14], $0x1F40  }
0xc0: {  	[sflag:s14] =	ssyncset.done $0x0  }
0xc1: {  	s11 =	simm.s32 $0x4C00;
	[sflag:s14] =	ssyncadd.s32 $0xFFFFE0C0  }
0xc2: {  	[spmem:s2] =	stream.indirect.scatter.add.f32 [tilespmem:s17], [sflag:$0x9], $0x40, s11, s16, $0xb8;
	[tilespmem:$0x1E640] =	vst v63  }
0xc3: {  	_ =	swait.ge [sflag:s15], $0x1F40  }
0xc4: {  	[sflag:s15] =	ssyncset.done $0x0  }
0xc5: {  	s8 =	simm.s32 $0x4C80;
	[sflag:s15] =	ssyncadd.s32 $0xFFFFE0C0  }
0xc6: {  	[spmem:s2] =	stream.indirect.scatter.add.f32 [tilespmem:s19], [sflag:$0xA], $0x40, s8, s16, $0xb8;
	[tilespmem:$0x1E640] =	vst v63  }
0xc7: {  	_ =	swait.ge [sflag:s0], $0x1F40  }
0xc8: {  	[sflag:s0] =	ssyncset.done $0x0  }
0xc9: {  	s12 =	simm.s32 $0x4D00;
	[sflag:s0] =	ssyncadd.s32 $0xFFFFE0C0  }
0xca: {  	[spmem:s2] =	stream.indirect.scatter.add.f32 [tilespmem:s21], [sflag:$0xB], $0x40, s12, s16, $0xb8;
	[tilespmem:$0x1E640] =	vst v63  }
0xcb: {  	_ =	swait.ge [sflag:s10], $0x1F40  }
0xcc: {  	[sflag:s10] =	ssyncset.done $0x0  }
0xcd: {  	s13 =	simm.s32 $0x4D80;
	[sflag:s10] =	ssyncadd.s32 $0xFFFFE0C0  }
0xce: {  	[spmem:s2] =	stream.indirect.scatter.add.f32 [tilespmem:s23], [sflag:$0xC], $0x40, s13, s16, $0xb8;
	[tilespmem:$0x1E640] =	vst v63  }
0xcf: {  	_ =	swait.ge [sflag:s18], $0x1F40  }
0xd0: {  	[sflag:s18] =	ssyncset.done $0x0  }
0xd1: {  	s8 =	simm.s32 $0x4E00;
	[sflag:s18] =	ssyncadd.s32 $0xFFFFE0C0  }
0xd2: {  	[spmem:s2] =	stream.indirect.scatter.add.f32 [tilespmem:s25], [sflag:$0xD], $0x40, s8, s16, $0xb8;
	[tilespmem:$0x1E640] =	vst v63  }
0xd3: {  	_ =	swait.ge [sflag:s20], $0x1F40  }
0xd4: {  	[sflag:s20] =	ssyncset.done $0x0  }
0xd5: {  	s12 =	simm.s32 $0x4E80;
	[sflag:s20] =	ssyncadd.s32 $0xFFFFE0C0  }
0xd6: {  	[spmem:s2] =	stream.indirect.scatter.add.f32 [tilespmem:s28], [sflag:$0xE], $0x40, s12, s16, $0xb8;
	[tilespmem:$0x1E640] =	vst v63  }
0xd7: {  	_ =	swait.ge [sflag:s22], $0x1F40  }
0xd8: {  	[sflag:s22] =	ssyncset.done $0x0  }
0xd9: {  	s13 =	simm.s32 $0x4F00;
	[sflag:s22] =	ssyncadd.s32 $0xFFFFE0C0  }
0xda: {  	[spmem:s2] =	stream.indirect.scatter.add.f32 [tilespmem:s30], [sflag:$0xF], $0x40, s13, s16, $0xb8;
	[tilespmem:$0x1E640] =	vst v63  }
0xdb: {  	_ =	swait.ge [sflag:s24], $0x1F40  }
0xdc: {  	[sflag:s24] =	ssyncset.done $0x0  }
0xdd: {  	s8 =	simm.s32 $0x4F80;
	[sflag:s24] =	ssyncadd.s32 $0xFFFFE0C0  }
0xde: {  	[spmem:s2] =	stream.indirect.scatter.add.f32 [tilespmem:s1], [sflag:$0x10], $0x40, s8, s16, $0xb8;
	[tilespmem:$0x1E640] =	vst v63  }
0xdf: {  	_ =	swait.ge [sflag:s26], $0x1F40  }
0xe0: {  	[sflag:s26] =	ssyncset.done $0x0  }
0xe1: {  	[sflag:s26] =	ssyncadd.s32 $0xFFFFE0C0  }
0xe2: {  	_ =	swait.ge [sflag:s29], $0x1F40  }
0xe3: {  	[sflag:s29] =	ssyncset.done $0x0  }
0xe4: {  	[sflag:s29] =	ssyncadd.s32 $0xFFFFE0C0  }
0xe5: {  	_ =	swait.ge [sflag:s31], $0x1F40  }
0xe6: {  	[sflag:s31] =	ssyncset.done $0x0  }
0xe7: {  	[sflag:s31] =	ssyncadd.s32 $0xFFFFE0C0  }
0xe8: {  	_ =	swait.ge [sflag:s6], $0x1F40  }
0xe9: {  	[sflag:s6] =	ssyncset.done $0x0  }
0xea: {  	[sflag:s6] =	ssyncadd.s32 $0xFFFFE0C0  }
0xeb: {  	_ =	swait.ge [sflag:s7], $0x1F40  }
0xec: {  	[sflag:s7] =	ssyncset.done $0x0  }
0xed: {  	[sflag:s7] =	ssyncadd.s32 $0xFFFFE0C0  }
0xee: {  	_ =	swait.ge [sflag:s9], $0x1F40  }
0xef: {  	[sflag:s9] =	ssyncset.done $0x0  }
0xf0: {  	[sflag:s9] =	ssyncadd.s32 $0xFFFFE0C0  }
0xf1: {  	_ =	swait.ge [sflag:s3], $0x1F40  }
0xf2: {  	[sflag:s3] =	ssyncset.done $0x0  }
0xf3: {  	[sflag:s3] =	ssyncadd.s32 $0xFFFFE0C0  }
0xf4: {  	_ =	swait.ge [sflag:s5], $0x1F40  }
0xf5: {  	[sflag:s5] =	ssyncset.done $0x0  }
0xf6: {  	[sflag:s5] =	ssyncadd.s32 $0xFFFFE0C0  }
0xf7: {  	[bflag:$0x0] =	sbarrier.arrive $0xFFFF  }
0xf8: {  	s12 =	rddreg [dreg:$0x6]  }
0xf9: {  	s11 =	simm.s32 @p0 $0x1FD1;
	s13 =	rddreg [dreg:$0x8]  }
0xfa: {  	[hbm:s12], [sflag:s11] =	dma.local @p0 [spmem:s13], $0x1040  }
0xfb: {  	s11 =	simm.s32 @p0 $0x11  }
0xfc: {  	_ =	swait.ge @p0 [sflag:s11], $0x1040  }
0xfd: {  	[sflag:s11] =	ssyncset.done @p0 $0x0;
	s8 =	rddreg [dreg:$0xb]  }
0xfe: {  	[sflag:s11] =	ssyncadd.s32 @p0 $0xFFFFEFC0;
	s11 =	rddreg [dreg:$0x9]  }
0xff: {  	[hbm:s12], [sflag:s8] =	dma.local @!p0 [spmem:s11], $0x13C0  }
0x100: {  	s11 =	simm.s32 @!p0 $0x11  }
0x101: {  	_ =	swait.ge @!p0 [sflag:s11], $0x13C0  }
0x102: {  	s12 =	rddreg [dreg:$0xa]  }
0x103: {  	s8 =	sadd.s32 $0x1, s12;
	s12 =	rddreg [dreg:$0x7]  }
0x104: {  	p1 =	sne.s32 s8, s12  }
.Ltmp1:
0x105: {  	_ = 	snop;
	(pc) =	sbr.rel @p1 .LBB2_1-.Ltmp1, $3  }
0x106: {  	_ =	sdelay $0x1  }
0x107: {  	[sflag:s11] =	ssyncset.done @!p0 $0x0  }
0x108: {  	[sflag:s11] =	ssyncadd.s32 @!p0 $0xFFFFEC40;
	[dreg:$0xa] =	wrdreg s8;
	s8 =	smov.u32 s13  }
0x109: {  	_ =	sfence.sel $0x180000  }
0x10a: {  	[bflag:$0x0] =	sbarrier.arrive $0xFFFF  }
0x10b: {  	_ =	strace $0x9000004A  }
0x10c: {  	s0 =	stileid.u32;
	[bflag:$0x2] =	sbarrier.arrive $0xFFFF  }
0x10d: {  	p0 =	sne.s32 s0, $0x0;
	s0 =	rddreg [dreg:$0x2]  }
0x10e: {  	s0 =	sadd.s32 @!p0 $0x100000, s0  }
0x10f: {  	[sflag:s0] =	ssyncadd.tile.s32 @!p0 $0x1;
	_ =	shalt  }
.Lfunc_end2:
_tile_overlayer_lowered:
.L_overlay_start_2:
0x110: {  	(tag) =	ssettag $0x2  }
0x111: {  	s0 =	rddreg [dreg:$0x0];
	s2 =	stileid.u32  }
0x112: {  	s1 =	rddreg [dreg:$0x1];
	p0 =	sne.s32 s2, $0x0  }
0x113: {  	s3 =	rddreg [dreg:$0x2];
	[bflag:$0x3] =	sbarrier.arrive $0xFFFF;
	s2 =	simm.s32 @!p0 $0x1C11  }
0x114: {  	[timem:s3], [sflag:s2] =	dma.local @!p0 [hbm:s0], s1  }
0x115: {  	s0 =	simm.s32 @!p0 $0x11  }
0x116: {  	_ =	swait.ge @!p0 [sflag:s0], s1  }
0x117: {  	s1 =	ssub.s32 @!p0 $0x0, s1;
	[sflag:s0] =	ssyncset.done @!p0 $0x0  }
0x118: {  	[sflag:s0] =	ssyncadd.s32 @!p0 s1  }
0x119: {  	[bflag:$0x3] =	sbarrier.arrive $0xFFFF  }
0x11a: {  	_ =	shalt  }

// kernel: kernel.14.cloned.1.call-start
scs
__scs_entry_jumppad:
0x0: {  	(pc) =	sbr.rel $0x88, $3  }
0x1: {  	(tag) =	ssettag $0x0;
	lr =	simm.s32 $0x1  }
0x2: {  	[smem:$0x3F9A] =	sst lr;
	_ =	strace $0xD0000000  }
0x3: {  	_ = 	snop  }
0x4: {  	_ = 	snop  }
0x5: {  	_ = 	snop  }
0x6: {  	_ = 	snop  }
0x7: {  	_ = 	snop  }
__scs_overlays_trampoline_lowered:
0x8: {  	[smem:$0x3FA9] =	sst s0  }
0x9: {  	[smem:$0x3FAA] =	sst s1  }
0xa: {  	[smem:$0x3FAB] =	sst s2  }
0xb: {  	[smem:$0x3FAC] =	sst s3  }
0xc: {  	[smem:$0x3FAD] =	sst s4  }
0xd: {  	[smem:$0x3FAE] =	sst s5  }
0xe: {  	[smem:$0x3FAF] =	sst s6  }
0xf: {  	[smem:$0x3FB0] =	sst s7  }
0x10: {  	[smem:$0x3FB1] =	sst s8  }
0x11: {  	[smem:$0x3FB2] =	sst s9;
	s0 =	simm.s32 @!p0 $0x0  }
0x12: {  	s1 =	sld [smem:$0x3F98];
	s0 =	simm.s32 @p0 $0x1  }
0x13: {  	[smem:$0x3FB3] =	sst s0;
	s0 =	simm.s32 @!p1 $0x0  }
0x14: {  	s2 =	sld [smem:$0x3F97];
	s0 =	simm.s32 @p1 $0x1  }
0x15: {  	[smem:$0x3FB4] =	sst s0;
	s0 =	simm.s32 @!p2 $0x0  }
0x16: {  	s3 =	sld [smem:$0x3FDB];
	s0 =	simm.s32 @p2 $0x1  }
0x17: {  	s4 =	simm.s32 $0x1BF5;
	[smem:$0x3FB6] =	sst s0  }
0x18: {  	s0 =	sld [smem:$0x3F99];
	_ =	swait.ge [sflag:s4], $0x0  }
0x19: {  	s7 =	sld [smem:$0x3F9A]  }
0x1a: {  	s8 =	sadd.s32 $0xFFFFE003, lr  }
0x1b: {  	s9 =	sadd.s32 $0xFFFFFEF7, lr;
	s5 =	simm.s32 $0xFFFFFFFF;
	p2 =	slt.u32 s8, $0xFFFFF086  }
0x1c: {  	p1 =	slt.u32 s9, $0xF7A;
	s5 =	simm.s32 @!p2 $0x0  }
0x1d: {  	s5 =	simm.s32 @p1 $0x1;
	p0 =	seq.s32 s7, s2  }
0x1e: {  	s7 =	smul.u32 @!p0 $0xF7A, s2;
	p2 =	seq.s32 @!p0 s5, $0x0  }
0x1f: {  	s9 =	smul.u32 $0xF7A, s1;
	s8 =	simm.s32 @!p0 $0x1BF5;
	p2 =	por !p2, p0  }
0x20: {  	[sflag:s8] =	ssyncset.s32 @!p0 $0xFFFFF086;
	s6 =	sadd.s32 @!p0 s3, s7;
	s7 =	simm.s32 @!p0 $0x108  }
0x21: {  	s3 =	sadd.s32 s3, s9;
	s6 =	sadd.s32 @!p0 $0x88, s6;
	s7 =	simm.s32 @p2 $0x1082  }
0x22: {  	[simem:s7], [sflag:s8] =	dma.local @!p0 [hbm:s6], $0xF7A  }
0x23: {  	s9 =	sor.u32 $0xD0000000, s2;
	s6 =	simm.s32 $0x108;
	_ =	swait.ge @!p0 [sflag:s8], $0x0  }
0x24: {  	s3 =	sadd.s32 $0x88, s3;
	s6 =	simm.s32 @!p1 $0x1082;
	[sflag:s4] =	ssyncset.s32 $0xFFFFF086  }
0x25: {  	[simem:s6], [sflag:s4] =	dma.local [hbm:s3], $0xF7A  }
0x26: {  	[smem:$0x3F9A] =	sst s1;
	(tag) =	ssettag s2;
	_ =	strace s9  }
0x27: {  	s1 =	sld [smem:$0x3FAA]  }
0x28: {  	s2 =	sld [smem:$0x3FAB]  }
0x29: {  	s4 =	sld [smem:$0x3FAD]  }
0x2a: {  	p0 =	seq.s32 s5, $0x0;
	s5 =	sld [smem:$0x3FAE]  }
0x2b: {  	s6 =	sld [smem:$0x3FAF]  }
0x2c: {  	s7 =	sld [smem:$0x3FB0]  }
0x2d: {  	s3 =	simm.s32 $0x108;
	s8 =	sld [smem:$0x3FB1]  }
0x2e: {  	s3 =	simm.s32 @!p0 $0x1082;
	s9 =	sld [smem:$0x3FB2]  }
0x2f: {  	lr =	sadd.s32 s0, s3;
	s0 =	sld [smem:$0x3FA9]  }
0x30: {  	s3 =	sld [smem:$0x3FAC]  }
0x31: {  	[smem:$0x3FB5] =	sst s10  }
0x32: {  	s10 =	sld [smem:$0x3FB3];
	_ =	sdelay $0x3  }
0x33: {  	p0 =	seq.s32 s10, $0x1;
	s10 =	sld [smem:$0x3FB5];
	_ =	sdelay $0x3  }
0x34: {  	[smem:$0x3FB5] =	sst s10  }
0x35: {  	s10 =	sld [smem:$0x3FB4];
	_ =	sdelay $0x3  }
0x36: {  	p1 =	seq.s32 s10, $0x1;
	s10 =	sld [smem:$0x3FB5];
	_ =	sdelay $0x3  }
0x37: {  	[smem:$0x3FB5] =	sst s10  }
0x38: {  	s10 =	sld [smem:$0x3FB6]  }
0x39: {  	_ = 	snop;
	(pc) =	sbr.ind lr, $3  }
0x3a: {  	_ = 	snop  }
0x3b: {  	_ = 	snop  }
0x3c: {  	p2 =	seq.s32 s10, $0x1;
	s10 =	sld [smem:$0x3FB5]  }
0x3d: {  	_ =	shalt  }
0x3e: {  	_ =	shalt  }
0x3f: {  	_ =	shalt  }
0x40: {  	_ =	shalt  }
0x41: {  	_ =	shalt  }
0x42: {  	_ =	shalt  }
0x43: {  	_ =	shalt  }
0x44: {  	_ =	shalt  }
0x45: {  	_ =	shalt  }
0x46: {  	_ =	shalt  }
0x47: {  	_ =	shalt  }
0x48: {  	_ =	shalt  }
0x49: {  	_ =	shalt  }
0x4a: {  	_ =	shalt  }
0x4b: {  	_ =	shalt  }
0x4c: {  	_ =	shalt  }
0x4d: {  	_ =	shalt  }
0x4e: {  	_ =	shalt  }
0x4f: {  	_ =	shalt  }
0x50: {  	_ =	shalt  }
0x51: {  	_ =	shalt  }
0x52: {  	_ =	shalt  }
0x53: {  	_ =	shalt  }
0x54: {  	_ =	shalt  }
0x55: {  	_ =	shalt  }
0x56: {  	_ =	shalt  }
0x57: {  	_ =	shalt  }
0x58: {  	_ =	shalt  }
0x59: {  	_ =	shalt  }
0x5a: {  	_ =	shalt  }
0x5b: {  	_ =	shalt  }
0x5c: {  	_ =	shalt  }
0x5d: {  	_ =	shalt  }
0x5e: {  	_ =	shalt  }
0x5f: {  	_ =	shalt  }
0x60: {  	_ =	shalt  }
0x61: {  	_ =	shalt  }
0x62: {  	_ =	shalt  }
0x63: {  	_ =	shalt  }
0x64: {  	_ =	shalt  }
0x65: {  	_ =	shalt  }
0x66: {  	_ =	shalt  }
0x67: {  	_ =	shalt  }
0x68: {  	_ =	shalt  }
0x69: {  	_ =	shalt  }
0x6a: {  	_ =	shalt  }
0x6b: {  	_ =	shalt  }
0x6c: {  	_ =	shalt  }
0x6d: {  	_ =	shalt  }
0x6e: {  	_ =	shalt  }
0x6f: {  	_ =	shalt  }
0x70: {  	_ =	shalt  }
0x71: {  	_ =	shalt  }
0x72: {  	_ =	shalt  }
0x73: {  	_ =	shalt  }
0x74: {  	_ =	shalt  }
0x75: {  	_ =	shalt  }
0x76: {  	_ =	shalt  }
0x77: {  	_ =	shalt  }
0x78: {  	_ =	shalt  }
0x79: {  	_ =	shalt  }
0x7a: {  	_ =	shalt  }
0x7b: {  	_ =	shalt  }
0x7c: {  	_ =	shalt  }
0x7d: {  	_ =	shalt  }
0x7e: {  	_ =	shalt  }
0x7f: {  	_ =	shalt  }
0x80: {  	_ =	shalt  }
0x81: {  	_ =	shalt  }
0x82: {  	_ =	shalt  }
0x83: {  	_ =	shalt  }
0x84: {  	_ =	shalt  }
0x85: {  	_ =	shalt  }
0x86: {  	_ =	shalt  }
0x87: {  	_ =	shalt  }
.Lfunc_end0:
.L_simem_size_0:
called_computation.2_lowered:
.L_overlay_start_0:
0x88: {  	s2 =	sld [smem:$0x3FD9]  }
0x89: {  	s3 =	sld [smem:$0x3FFE];
	_ =	sdelay $0x1  }
0x8a: {  	s1 =	srdreg.scid  }
0x8b: {  	s0 =	sand.u32 $0x1, s1  }
0x8c: {  	s16 =	sshll.u32 s0, $0xA;
	s2 =	sadd.s32 s3, s2  }
0x8d: {  	s2 =	sadd.s32 s2, s16  }
0x8e: {  	[smem:$0x3FC1] =	sst s2  }
0x8f: {  	_ = 	snop  }
0x90: {  	(tm) =	ssettm $0x1  }
0x91: {  	s17 =	sld [smem:$0x3FFB];
	_ =	sdelay $0x3  }
0x92: {  	_ =	strace s17  }
0x93: {  	s2 =	sld [smem:$0x3FFC];
	_ =	sdelay $0x3  }
0x94: {  	_ =	strace s2  }
0x95: {  	s2 =	sld [smem:$0x3FFD];
	_ =	sdelay $0x3  }
0x96: {  	_ =	strace s2  }
0x97: {  	_ =	strace $0x8FFFFFFF  }
0x98: {  	s18 =	sld [smem:$0x3FDB];
	_ =	sdelay $0x1  }
0x99: {  	s19 =	simm.s32 $_scs_section_size  }
0x9a: {  	s4 =	simm.s32 $_size__tile_overlayer_lowered;
	s5 =	simm.s32 $_tile_overlayer_lowered  }
0x9b: {  	s22 =	simm.s32 $0x1BFF;
	s21 =	sshll.u32 s5, $0x1;
	s2 =	sadd.s32 s19, s18  }
0x9c: {  	s6 =	simm.s32 $0x0;
	s20 =	sshll.u32 s4, $0x1;
	s4 =	sadd.s32 s21, s2  }
0x9d: {  	[timem:s6], [sflag:s22] =	dma.local [hbm:s4], s20  }
0x9e: {  	_ =	swait.ge [sflag:s22], s20  }
0x9f: {  	s3 =	ssub.s32 $0x0, s20;
	[sflag:s22] =	ssyncset.done $0x0  }
0xa0: {  	[sflag:s22] =	ssyncadd.s32 s3;
	_ =	sdelay $0x1  }
0xa1: {  	s23 =	simm.s32 $0x1B8B  }
0xa2: {  	_ =	swait.ge [sflag:s23], $0x1  }
0xa3: {  	[sflag:s23] =	ssyncset.done $0x0  }
0xa4: {  	s25 =	simm.s32 $0x1B8E;
	s24 =	sld [smem:$0x3FFE];
	[sflag:s23] =	ssyncadd.s32 $0xFFFFFFFF  }
0xa5: {  	s26 =	simm.s32 $execute0_lowered;
	[smem:$0x3FD2] =	sst s25  }
0xa6: {  	s4 =	sshll.u32 s26, $0x1;
	_ =	strace $0x8000004C;
	[dreg:$0x1] =	wrdreg $0xFFFFFFFF  }
0xa7: {  	s28 =	simm.s32 $_size_execute0_lowered;
	s2 =	sadd.s32 s2, s4;
	[dreg:$0x0] =	wrdreg $0x0  }
0xa8: {  	s4 =	sshll.u32 s28, $0x1;
	[dreg:$0x2] =	wrdreg s2  }
0xa9: {  	[dreg:$0x3] =	wrdreg s4  }
0xaa: {  	[dreg:$0x4] =	wrdreg $0xC0  }
0xab: {  	_ =	task [dreg:s6], $0x5FFFF  }
0xac: {  	[dreg:$0x1] =	wrdreg $0xFFFFFFFF  }
0xad: {  	[dreg:$0x0] =	wrdreg $0x60  }
0xae: {  	[dreg:$0x2] =	wrdreg s24  }
0xaf: {  	[dreg:$0x3] =	wrdreg $0x14A000  }
0xb0: {  	[dreg:$0x4] =	wrdreg $0x9  }
0xb1: {  	_ =	task.clear_ibuf [dreg:s6], $0x5FFFF;
	_ =	strace $0x9000004C  }
0xb2: {  	s29 =	simm.s32 $0x9;
	_ =	strace $0x8000004E  }
0xb3: {  	_ =	swait.ge [sflag:s29], $0x1  }
0xb4: {  	[sflag:s29] =	ssyncadd.s32 $0xFFFFFFFF  }
0xb5: {  	_ =	strace $0x9000004E  }
0xb6: {  	_ =	sfence  }
0xb7: {  	s30 =	sld [smem:$0x0];
	_ =	sdelay $0x2  }
0xb8: {  	s31 =	sshll.u32 s1, $0xD;
	s1 =	sshrl.u32 s1, $0x2  }
0xb9: {  	s3 =	sand.u32 $0x4000, s31;
	s1 =	sadd.s32 s1, s30  }
0xba: {  	s0 =	sor.u32 s3, s0;
	s1 =	sshll.u32 s1, $0x11  }
0xbb: {  	s0 =	sor.u32 s1, s0  }
0xbc: {  	s0 =	sadd.s32 $0x8F2B, s0  }
0xbd: {  	[sflag:s0] =	ssyncadd.remote.s32 $0x1  }
0xbe: {  	_ =	sfence.sel $0xFFFF  }
0xbf: {  	[dreg:$0x0] =	wrdreg $0xFFFFFFFF;
	(pc) =	sbr.abs _section_cstart, $3  }
0xc0: {  	[dreg:$0x1] =	wrdreg $0xFFFFFFFF  }
0xc1: {  	_ =	task.clear_ibuf [dreg:s6], $0x2FFFF;
	_ =	strace $0x9FFFFFFF  }
0xc2: {  	(tm) =	ssettm $0x7FFFFFFF  }
0xc3: {  	_ =	shalt  }
tec
execute0_lowered:
.L_overlay_start_1:
0x0: {  	(tag) =	ssettag $0x1  }
0x1: {  	s0 =	srdreg.scid;
	s3 =	rddreg [dreg:$0x0]  }
0x2: {  	s8 =	stileid.u32;
	s2 =	rddreg [dreg:$0x1]  }
0x3: {  	s4 =	simm.s32 $0x0;
	s14 =	simm.s32 $0x1;
	s15 =	simm.s32 $0x2  }
0x4: {  	s16 =	simm.s32 $0x7D;
	s17 =	simm.s32 $0x5000;
	s19 =	simm.s32 $0x6F40  }
0x5: {  	s21 =	simm.s32 $0x8E80;
	s23 =	simm.s32 $0xADC0;
	s28 =	simm.s32 $0xEC40  }
0x6: {  	s30 =	simm.s32 $0x10B80;
	s10 =	simm.s32 $0x4;
	s18 =	simm.s32 $0x5  }
0x7: {  	s20 =	simm.s32 $0x6;
	s22 =	simm.s32 $0x7;
	s29 =	simm.s32 $0xA  }
0x8: {  	s31 =	simm.s32 $0xB;
	s11 =	simm.s32 $0x0;
	s0 =	sand.u32 $0x1, s0  }
0x9: {  	s1 =	sshll.u32 s8, $0x1;
	s5 =	smul.u32 $0x278, s8;
	[smem:$0x7FF] =	sst s4  }
0xa: {  	s4 =	sadd.s32 $0x6F600, s3;
	s7 =	smul.u32 $0x27800, s8;
	s9 =	sadd.s32 $0xCE00, s3  }
0xb: {  	p0 =	seq.s32 s8, $0xF;
	s1 =	sor.u32 s0, s1;
	s6 =	smul.u32 $0x2710, s0  }
0xc: {  	_ =	strace $0x8000004D;
	s0 =	ssub.s32 $0x2, s0;
	[dreg:$0x3] =	wrdreg s9  }
0xd: {  	s9 =	simm.s32 $0xE;
	[dreg:$0xa] =	wrdreg s11;
	s1 =	smul.u32 $0x500, s1  }
0xe: {  	s24 =	sshrl.u32 s0, $0x1;
	s26 =	sshrl.u32 s7, $0x2;
	s7 =	simm.s32 $0xD  }
0xf: {  	s5 =	sadd.s32 s5, s6;
	s0 =	ssub.s32 s0, s24;
	s24 =	simm.s32 $0x8  }
0x10: {  	s6 =	simm.s32 $0xC;
	s1 =	sadd.s32 s1, s3;
	s0 =	smax.u32 s0, $0x1  }
0x11: {  	s5 =	sshll.u32 s5, $0x3;
	s25 =	sadd.s32 $0x3E400, s1;
	[dreg:$0x7] =	wrdreg s0  }
0x12: {  	s3 =	sadd.s32 s5, s3;
	s1 =	sadd.s32 $0x2E00, s1;
	[dreg:$0x4] =	wrdreg s25  }
0x13: {  	s5 =	sadd.s32 $0x94200, s2;
	s0 =	sshll.u32 @!p0 s8, $0x6;
	[dreg:$0x5] =	wrdreg s1  }
0x14: {  	s1 =	sadd.s32 s26, s2;
	s3 =	sadd.s32 $0x83000, s3;
	s8 =	sshrl.u32 @p0 s5, $0x3  }
0x15: {  	s0 =	sor.u32 @!p0 $0x1C11, s0;
	s25 =	simm.s32 $0xCD00;
	[dreg:$0x6] =	wrdreg s3  }
0x16: {  	s26 =	simm.s32 $0x9;
	s5 =	simm.s32 $0x10;
	[dreg:$0xb] =	wrdreg s0  }
0x17: {  	s0 =	sshrl.u32 @!p0 s1, $0x3;
	s1 =	simm.s32 $0x12AC0;
	[dreg:$0x8] =	wrdreg s8  }
0x18: {  	s3 =	simm.s32 $0xF;
	[dreg:$0x9] =	wrdreg s0;
	s0 =	simm.s32 $0x3  }
.LBB2_1:
0x19: {  	s13 =	simm.s32 $0x0;
	s11 =	rddreg [dreg:$0x4]  }
0x1a: {  	[tilespmem:s13], [sflag:$0x1] =	stream.linear.gather [hbm4b:s11+s13], $0x2800, $0x38;
	[tilespmem:$0x1E640] =	vst v63  }
0x1b: {  	s12 =	simm.s32 $0x0;
	s11 =	rddreg [dreg:$0x5];
	s13 =	simm.s32 $0x2800  }
0x1c: {  	[tilespmem:s13], [sflag:$0x2] =	stream.linear.gather [hbm4b:s11+s12], $0x2800, $0x38;
	[tilespmem:$0x1E640] =	vst v63  }
0x1d: {  	s11 =	simm.s32 @p0 $0x1FD1;
	s13 =	rddreg [dreg:$0x3]  }
0x1e: {  	[spmem:s8], [sflag:s11] =	dma.local @p0 [hbm:s13], $0x1040  }
0x1f: {  	s11 =	simm.s32 @p0 $0x11  }
0x20: {  	s8 =	rddreg [dreg:$0xb];
	_ =	swait.ge @p0 [sflag:s11], $0x1040  }
0x21: {  	[sflag:s11] =	ssyncset.done @p0 $0x0  }
0x22: {  	[sflag:s11] =	ssyncadd.s32 @p0 $0xFFFFEFC0;
	s11 =	rddreg [dreg:$0x9]  }
0x23: {  	[spmem:s11], [sflag:s8] =	dma.local @!p0 [hbm:s13], $0x13C0  }
0x24: {  	s11 =	simm.s32 @!p0 $0x11  }
0x25: {  	_ =	swait.ge @!p0 [sflag:s11], $0x13C0  }
0x26: {  	[sflag:s11] =	ssyncset.done @!p0 $0x0  }
0x27: {  	[sflag:s11] =	ssyncadd.s32 @!p0 $0xFFFFEC40  }
0x28: {  	_ =	swait.ge [sflag:s14], $0x2800  }
0x29: {  	[sflag:s14] =	ssyncset.done $0x0  }
0x2a: {  	[sflag:s14] =	ssyncadd.s32 $0xFFFFD800  }
0x2b: {  	_ =	swait.ge [sflag:s15], $0x2800  }
0x2c: {  	[sflag:s15] =	ssyncset.done $0x0  }
0x2d: {  	s12 =	simm.s32 $0x0;
	[sflag:s15] =	ssyncadd.s32 $0xFFFFD800  }
0x2e: {  	[tilespmem:s17], [sflag:$0x1] =	stream.indirect.gather [hbm4b:s4+s16], $0x40, s12, s16, $0xb8;
	[tilespmem:$0x1E640] =	vst v63  }
0x2f: {  	s13 =	simm.s32 $0x80  }
0x30: {  	[tilespmem:s19], [sflag:$0x2] =	stream.indirect.gather [hbm4b:s4+s16], $0x40, s13, s16, $0xb8;
	[tilespmem:$0x1E640] =	vst v63  }
0x31: {  	s8 =	simm.s32 $0x100  }
0x32: {  	[tilespmem:s21], [sflag:$0x3] =	stream.indirect.gather [hbm4b:s4+s16], $0x40, s8, s16, $0xb8;
	[tilespmem:$0x1E640] =	vst v63  }
0x33: {  	s12 =	simm.s32 $0x180  }
0x34: {  	[tilespmem:s23], [sflag:$0x4] =	stream.indirect.gather [hbm4b:s4+s16], $0x40, s12, s16, $0xb8;
	[tilespmem:$0x1E640] =	vst v63  }
0x35: {  	s13 =	simm.s32 $0x200  }
0x36: {  	[tilespmem:s25], [sflag:$0x5] =	stream.indirect.gather [hbm4b:s4+s16], $0x40, s13, s16, $0xb8;
	[tilespmem:$0x1E640] =	vst v63  }
0x37: {  	s8 =	simm.s32 $0x280  }
0x38: {  	[tilespmem:s28], [sflag:$0x6] =	stream.indirect.gather [hbm4b:s4+s16], $0x40, s8, s16, $0xb8;
	[tilespmem:$0x1E640] =	vst v63  }
0x39: {  	s12 =	simm.s32 $0x300  }
0x3a: {  	[tilespmem:s30], [sflag:$0x7] =	stream.indirect.gather [hbm4b:s4+s16], $0x40, s12, s16, $0xb8;
	[tilespmem:$0x1E640] =	vst v63  }
0x3b: {  	s13 =	simm.s32 $0x380  }
0x3c: {  	[tilespmem:s1], [sflag:$0x8] =	stream.indirect.gather [hbm4b:s4+s16], $0x40, s13, s16, $0xb8;
	[tilespmem:$0x1E640] =	vst v63  }
0x3d: {  	[bflag:$0x0] =	sbarrier.arrive $0xFFFF  }
0x3e: {  	_ =	swait.ge [sflag:s14], $0x1F40  }
0x3f: {  	[sflag:s14] =	ssyncset.done $0x0  }
0x40: {  	s8 =	simm.s32 $0x2800;
	[sflag:s14] =	ssyncadd.s32 $0xFFFFE0C0  }
0x41: {  	[spmem:s2] =	stream.indirect.scatter.add.f32 [tilespmem:s17], [sflag:$0x9], $0x40, s8, s16, $0xb8;
	[tilespmem:$0x1E640] =	vst v63  }
0x42: {  	_ =	swait.ge [sflag:s15], $0x1F40  }
0x43: {  	[sflag:s15] =	ssyncset.done $0x0  }
0x44: {  	s12 =	simm.s32 $0x2880;
	[sflag:s15] =	ssyncadd.s32 $0xFFFFE0C0  }
0x45: {  	[spmem:s2] =	stream.indirect.scatter.add.f32 [tilespmem:s19], [sflag:$0xA], $0x40, s12, s16, $0xb8;
	[tilespmem:$0x1E640] =	vst v63  }
0x46: {  	_ =	swait.ge [sflag:s0], $0x1F40  }
0x47: {  	[sflag:s0] =	ssyncset.done $0x0  }
0x48: {  	s13 =	simm.s32 $0x2900;
	[sflag:s0] =	ssyncadd.s32 $0xFFFFE0C0  }
0x49: {  	[spmem:s2] =	stream.indirect.scatter.add.f32 [tilespmem:s21], [sflag:$0xB], $0x40, s13, s16, $0xb8;
	[tilespmem:$0x1E640] =	vst v63  }
0x4a: {  	_ =	swait.ge [sflag:s10], $0x1F40  }
0x4b: {  	[sflag:s10] =	ssyncset.done $0x0  }
0x4c: {  	s8 =	simm.s32 $0x2980;
	[sflag:s10] =	ssyncadd.s32 $0xFFFFE0C0  }
0x4d: {  	[spmem:s2] =	stream.indirect.scatter.add.f32 [tilespmem:s23], [sflag:$0xC], $0x40, s8, s16, $0xb8;
	[tilespmem:$0x1E640] =	vst v63  }
0x4e: {  	_ =	swait.ge [sflag:s18], $0x1F40  }
0x4f: {  	[sflag:s18] =	ssyncset.done $0x0  }
0x50: {  	s12 =	simm.s32 $0x2A00;
	[sflag:s18] =	ssyncadd.s32 $0xFFFFE0C0  }
0x51: {  	[spmem:s2] =	stream.indirect.scatter.add.f32 [tilespmem:s25], [sflag:$0xD], $0x40, s12, s16, $0xb8;
	[tilespmem:$0x1E640] =	vst v63  }
0x52: {  	_ =	swait.ge [sflag:s20], $0x1F40  }
0x53: {  	[sflag:s20] =	ssyncset.done $0x0  }
0x54: {  	s13 =	simm.s32 $0x2A80;
	[sflag:s20] =	ssyncadd.s32 $0xFFFFE0C0  }
0x55: {  	[spmem:s2] =	stream.indirect.scatter.add.f32 [tilespmem:s28], [sflag:$0xE], $0x40, s13, s16, $0xb8;
	[tilespmem:$0x1E640] =	vst v63  }
0x56: {  	_ =	swait.ge [sflag:s22], $0x1F40  }
0x57: {  	[sflag:s22] =	ssyncset.done $0x0  }
0x58: {  	s8 =	simm.s32 $0x2B00;
	[sflag:s22] =	ssyncadd.s32 $0xFFFFE0C0  }
0x59: {  	[spmem:s2] =	stream.indirect.scatter.add.f32 [tilespmem:s30], [sflag:$0xF], $0x40, s8, s16, $0xb8;
	[tilespmem:$0x1E640] =	vst v63  }
0x5a: {  	_ =	swait.ge [sflag:s24], $0x1F40  }
0x5b: {  	[sflag:s24] =	ssyncset.done $0x0  }
0x5c: {  	s12 =	simm.s32 $0x2B80;
	[sflag:s24] =	ssyncadd.s32 $0xFFFFE0C0  }
0x5d: {  	[spmem:s2] =	stream.indirect.scatter.add.f32 [tilespmem:s1], [sflag:$0x10], $0x40, s12, s16, $0xb8;
	[tilespmem:$0x1E640] =	vst v63  }
0x5e: {  	_ =	swait.ge [sflag:s26], $0x1F40  }
0x5f: {  	[sflag:s26] =	ssyncset.done $0x0  }
0x60: {  	s13 =	simm.s32 $0x400;
	[sflag:s26] =	ssyncadd.s32 $0xFFFFE0C0  }
0x61: {  	[tilespmem:s17], [sflag:$0x1] =	stream.indirect.gather [hbm4b:s4+s16], $0x40, s13, s16, $0xb8;
	[tilespmem:$0x1E640] =	vst v63  }
0x62: {  	_ =	swait.ge [sflag:s29], $0x1F40  }
0x63: {  	[sflag:s29] =	ssyncset.done $0x0  }
0x64: {  	s8 =	simm.s32 $0x480;
	[sflag:s29] =	ssyncadd.s32 $0xFFFFE0C0  }
0x65: {  	[tilespmem:s19], [sflag:$0x2] =	stream.indirect.gather [hbm4b:s4+s16], $0x40, s8, s16, $0xb8;
	[tilespmem:$0x1E640] =	vst v63  }
0x66: {  	_ =	swait.ge [sflag:s31], $0x1F40  }
0x67: {  	[sflag:s31] =	ssyncset.done $0x0  }
0x68: {  	s12 =	simm.s32 $0x500;
	[sflag:s31] =	ssyncadd.s32 $0xFFFFE0C0  }
0x69: {  	[tilespmem:s21], [sflag:$0x3] =	stream.indirect.gather [hbm4b:s4+s16], $0x40, s12, s16, $0xb8;
	[tilespmem:$0x1E640] =	vst v63  }
0x6a: {  	_ =	swait.ge [sflag:s6], $0x1F40  }
0x6b: {  	[sflag:s6] =	ssyncset.done $0x0  }
0x6c: {  	s13 =	simm.s32 $0x580;
	[sflag:s6] =	ssyncadd.s32 $0xFFFFE0C0  }
0x6d: {  	[tilespmem:s23], [sflag:$0x4] =	stream.indirect.gather [hbm4b:s4+s16], $0x40, s13, s16, $0xb8;
	[tilespmem:$0x1E640] =	vst v63  }
0x6e: {  	_ =	swait.ge [sflag:s7], $0x1F40  }
0x6f: {  	[sflag:s7] =	ssyncset.done $0x0  }
0x70: {  	s8 =	simm.s32 $0x600;
	[sflag:s7] =	ssyncadd.s32 $0xFFFFE0C0  }
0x71: {  	[tilespmem:s25], [sflag:$0x5] =	stream.indirect.gather [hbm4b:s4+s16], $0x40, s8, s16, $0xb8;
	[tilespmem:$0x1E640] =	vst v63  }
0x72: {  	_ =	swait.ge [sflag:s9], $0x1F40  }
0x73: {  	[sflag:s9] =	ssyncset.done $0x0  }
0x74: {  	s12 =	simm.s32 $0x680;
	[sflag:s9] =	ssyncadd.s32 $0xFFFFE0C0  }
0x75: {  	[tilespmem:s28], [sflag:$0x6] =	stream.indirect.gather [hbm4b:s4+s16], $0x40, s12, s16, $0xb8;
	[tilespmem:$0x1E640] =	vst v63  }
0x76: {  	_ =	swait.ge [sflag:s3], $0x1F40  }
0x77: {  	[sflag:s3] =	ssyncset.done $0x0  }
0x78: {  	s13 =	simm.s32 $0x700;
	[sflag:s3] =	ssyncadd.s32 $0xFFFFE0C0  }
0x79: {  	[tilespmem:s30], [sflag:$0x7] =	stream.indirect.gather [hbm4b:s4+s16], $0x40, s13, s16, $0xb8;
	[tilespmem:$0x1E640] =	vst v63  }
0x7a: {  	_ =	swait.ge [sflag:s5], $0x1F40  }
0x7b: {  	[sflag:s5] =	ssyncset.done $0x0  }
0x7c: {  	s11 =	simm.s32 $0x1000;
	s12 =	simm.s32 $0x780;
	[sflag:s5] =	ssyncadd.s32 $0xFFFFE0C0  }
.LBB2_2:
0x7d: {  	[tilespmem:s1], [sflag:$0x8] =	stream.indirect.gather [hbm4b:s4+s16], $0x40, s12, s16, $0xb8;
	[tilespmem:$0x1E640] =	vst v63  }
0x7e: {  	s12 =	smov.u32 s11  }
0x7f: {  	p1 =	sne.s32 s11, $0x8000;
	s11 =	sadd.s32 $0x1000, s11;
	_ =	swait.ge [sflag:s14], $0x1F40  }
0x80: {  	s12 =	sshra.s32 s12, $0x2;
	[sflag:s14] =	ssyncset.done $0x0  }
0x81: {  	s13 =	sadd.s32 $0x2800, s12;
	[sflag:s14] =	ssyncadd.s32 $0xFFFFE0C0  }
0x82: {  	[spmem:s2] =	stream.indirect.scatter.add.f32 [tilespmem:s17], [sflag:$0x9], $0x40, s13, s16, $0xb8;
	[tilespmem:$0x1E640] =	vst v63  }
0x83: {  	_ =	swait.ge [sflag:s15], $0x1F40  }
0x84: {  	[sflag:s15] =	ssyncset.done $0x0  }
0x85: {  	s13 =	sadd.s32 $0x2880, s12;
	[sflag:s15] =	ssyncadd.s32 $0xFFFFE0C0  }
0x86: {  	[spmem:s2] =	stream.indirect.scatter.add.f32 [tilespmem:s19], [sflag:$0xA], $0x40, s13, s16, $0xb8;
	[tilespmem:$0x1E640] =	vst v63  }
0x87: {  	_ =	swait.ge [sflag:s0], $0x1F40  }
0x88: {  	[sflag:s0] =	ssyncset.done $0x0  }
0x89: {  	s13 =	sadd.s32 $0x2900, s12;
	[sflag:s0] =	ssyncadd.s32 $0xFFFFE0C0  }
0x8a: {  	[spmem:s2] =	stream.indirect.scatter.add.f32 [tilespmem:s21], [sflag:$0xB], $0x40, s13, s16, $0xb8;
	[tilespmem:$0x1E640] =	vst v63  }
0x8b: {  	_ =	swait.ge [sflag:s10], $0x1F40  }
0x8c: {  	[sflag:s10] =	ssyncset.done $0x0  }
0x8d: {  	s13 =	sadd.s32 $0x2980, s12;
	[sflag:s10] =	ssyncadd.s32 $0xFFFFE0C0  }
0x8e: {  	[spmem:s2] =	stream.indirect.scatter.add.f32 [tilespmem:s23], [sflag:$0xC], $0x40, s13, s16, $0xb8;
	[tilespmem:$0x1E640] =	vst v63  }
0x8f: {  	_ =	swait.ge [sflag:s18], $0x1F40  }
0x90: {  	[sflag:s18] =	ssyncset.done $0x0  }
0x91: {  	s13 =	sadd.s32 $0x2A00, s12;
	[sflag:s18] =	ssyncadd.s32 $0xFFFFE0C0  }
0x92: {  	[spmem:s2] =	stream.indirect.scatter.add.f32 [tilespmem:s25], [sflag:$0xD], $0x40, s13, s16, $0xb8;
	[tilespmem:$0x1E640] =	vst v63  }
0x93: {  	_ =	swait.ge [sflag:s20], $0x1F40  }
0x94: {  	[sflag:s20] =	ssyncset.done $0x0  }
0x95: {  	s13 =	sadd.s32 $0x2A80, s12;
	[sflag:s20] =	ssyncadd.s32 $0xFFFFE0C0  }
0x96: {  	[spmem:s2] =	stream.indirect.scatter.add.f32 [tilespmem:s28], [sflag:$0xE], $0x40, s13, s16, $0xb8;
	[tilespmem:$0x1E640] =	vst v63  }
0x97: {  	_ =	swait.ge [sflag:s22], $0x1F40  }
0x98: {  	[sflag:s22] =	ssyncset.done $0x0  }
0x99: {  	s13 =	sadd.s32 $0x2B00, s12;
	[sflag:s22] =	ssyncadd.s32 $0xFFFFE0C0  }
0x9a: {  	[spmem:s2] =	stream.indirect.scatter.add.f32 [tilespmem:s30], [sflag:$0xF], $0x40, s13, s16, $0xb8;
	[tilespmem:$0x1E640] =	vst v63  }
0x9b: {  	_ =	swait.ge [sflag:s24], $0x1F40  }
0x9c: {  	[sflag:s24] =	ssyncset.done $0x0  }
0x9d: {  	s13 =	sadd.s32 $0x2B80, s12;
	[sflag:s24] =	ssyncadd.s32 $0xFFFFE0C0  }
0x9e: {  	[spmem:s2] =	stream.indirect.scatter.add.f32 [tilespmem:s1], [sflag:$0x10], $0x40, s13, s16, $0xb8;
	[tilespmem:$0x1E640] =	vst v63  }
0x9f: {  	_ =	swait.ge [sflag:s26], $0x1F40  }
0xa0: {  	[sflag:s26] =	ssyncset.done $0x0  }
0xa1: {  	s13 =	sadd.s32 $0x400, s12;
	[sflag:s26] =	ssyncadd.s32 $0xFFFFE0C0  }
0xa2: {  	[tilespmem:s17], [sflag:$0x1] =	stream.indirect.gather [hbm4b:s4+s16], $0x40, s13, s16, $0xb8;
	[tilespmem:$0x1E640] =	vst v63  }
0xa3: {  	_ =	swait.ge [sflag:s29], $0x1F40  }
0xa4: {  	[sflag:s29] =	ssyncset.done $0x0  }
0xa5: {  	s13 =	sadd.s32 $0x480, s12;
	[sflag:s29] =	ssyncadd.s32 $0xFFFFE0C0  }
0xa6: {  	[tilespmem:s19], [sflag:$0x2] =	stream.indirect.gather [hbm4b:s4+s16], $0x40, s13, s16, $0xb8;
	[tilespmem:$0x1E640] =	vst v63  }
0xa7: {  	_ =	swait.ge [sflag:s31], $0x1F40  }
0xa8: {  	[sflag:s31] =	ssyncset.done $0x0  }
0xa9: {  	s13 =	sadd.s32 $0x500, s12;
	[sflag:s31] =	ssyncadd.s32 $0xFFFFE0C0  }
0xaa: {  	[tilespmem:s21], [sflag:$0x3] =	stream.indirect.gather [hbm4b:s4+s16], $0x40, s13, s16, $0xb8;
	[tilespmem:$0x1E640] =	vst v63  }
0xab: {  	_ =	swait.ge [sflag:s6], $0x1F40  }
0xac: {  	[sflag:s6] =	ssyncset.done $0x0  }
0xad: {  	s13 =	sadd.s32 $0x580, s12;
	[sflag:s6] =	ssyncadd.s32 $0xFFFFE0C0  }
0xae: {  	[tilespmem:s23], [sflag:$0x4] =	stream.indirect.gather [hbm4b:s4+s16], $0x40, s13, s16, $0xb8;
	[tilespmem:$0x1E640] =	vst v63  }
0xaf: {  	_ =	swait.ge [sflag:s7], $0x1F40  }
0xb0: {  	[sflag:s7] =	ssyncset.done $0x0  }
0xb1: {  	s13 =	sadd.s32 $0x600, s12;
	[sflag:s7] =	ssyncadd.s32 $0xFFFFE0C0  }
0xb2: {  	[tilespmem:s25], [sflag:$0x5] =	stream.indirect.gather [hbm4b:s4+s16], $0x40, s13, s16, $0xb8;
	[tilespmem:$0x1E640] =	vst v63  }
0xb3: {  	_ =	swait.ge [sflag:s9], $0x1F40  }
0xb4: {  	[sflag:s9] =	ssyncset.done $0x0  }
0xb5: {  	s13 =	sadd.s32 $0x680, s12;
	[sflag:s9] =	ssyncadd.s32 $0xFFFFE0C0  }
0xb6: {  	[tilespmem:s28], [sflag:$0x6] =	stream.indirect.gather [hbm4b:s4+s16], $0x40, s13, s16, $0xb8;
	[tilespmem:$0x1E640] =	vst v63  }
0xb7: {  	_ =	swait.ge [sflag:s3], $0x1F40  }
0xb8: {  	[sflag:s3] =	ssyncset.done $0x0  }
.Ltmp0:
0xb9: {  	s13 =	sadd.s32 $0x700, s12;
	[sflag:s3] =	ssyncadd.s32 $0xFFFFE0C0;
	(pc) =	sbr.rel @p1 .LBB2_2-.Ltmp0, $4  }
0xba: {  	[tilespmem:s30], [sflag:$0x7] =	stream.indirect.gather [hbm4b:s4+s16], $0x40, s13, s16, $0xb8;
	[tilespmem:$0x1E640] =	vst v63  }
0xbb: {  	_ =	swait.ge [sflag:s5], $0x1F40  }
0xbc: {  	[sflag:s5] =	ssyncset.done $0x0  }
0xbd: {  	s12 =	sadd.s32 $0x780, s12;
	[sflag:s5] =	ssyncadd.s32 $0xFFFFE0C0  }
0xbe: {  	[tilespmem:s1], [sflag:$0x8] =	stream.indirect.gather [hbm4b:s4+s16], $0x40, s12, s16, $0xb8;
	[tilespmem:$0x1E640] =	vst v63  }
0xbf: {  	_ =	swait.ge [sflag:s14], $0x1F40  }
0xc0: {  	[sflag:s14] =	ssyncset.done $0x0  }
0xc1: {  	s11 =	simm.s32 $0x4C00;
	[sflag:s14] =	ssyncadd.s32 $0xFFFFE0C0  }
0xc2: {  	[spmem:s2] =	stream.indirect.scatter.add.f32 [tilespmem:s17], [sflag:$0x9], $0x40, s11, s16, $0xb8;
	[tilespmem:$0x1E640] =	vst v63  }
0xc3: {  	_ =	swait.ge [sflag:s15], $0x1F40  }
0xc4: {  	[sflag:s15] =	ssyncset.done $0x0  }
0xc5: {  	s8 =	simm.s32 $0x4C80;
	[sflag:s15] =	ssyncadd.s32 $0xFFFFE0C0  }
0xc6: {  	[spmem:s2] =	stream.indirect.scatter.add.f32 [tilespmem:s19], [sflag:$0xA], $0x40, s8, s16, $0xb8;
	[tilespmem:$0x1E640] =	vst v63  }
0xc7: {  	_ =	swait.ge [sflag:s0], $0x1F40  }
0xc8: {  	[sflag:s0] =	ssyncset.done $0x0  }
0xc9: {  	s12 =	simm.s32 $0x4D00;
	[sflag:s0] =	ssyncadd.s32 $0xFFFFE0C0  }
0xca: {  	[spmem:s2] =	stream.indirect.scatter.add.f32 [tilespmem:s21], [sflag:$0xB], $0x40, s12, s16, $0xb8;
	[tilespmem:$0x1E640] =	vst v63  }
0xcb: {  	_ =	swait.ge [sflag:s10], $0x1F40  }
0xcc: {  	[sflag:s10] =	ssyncset.done $0x0  }
0xcd: {  	s13 =	simm.s32 $0x4D80;
	[sflag:s10] =	ssyncadd.s32 $0xFFFFE0C0  }
0xce: {  	[spmem:s2] =	stream.indirect.scatter.add.f32 [tilespmem:s23], [sflag:$0xC], $0x40, s13, s16, $0xb8;
	[tilespmem:$0x1E640] =	vst v63  }
0xcf: {  	_ =	swait.ge [sflag:s18], $0x1F40  }
0xd0: {  	[sflag:s18] =	ssyncset.done $0x0  }
0xd1: {  	s8 =	simm.s32 $0x4E00;
	[sflag:s18] =	ssyncadd.s32 $0xFFFFE0C0  }
0xd2: {  	[spmem:s2] =	stream.indirect.scatter.add.f32 [tilespmem:s25], [sflag:$0xD], $0x40, s8, s16, $0xb8;
	[tilespmem:$0x1E640] =	vst v63  }
0xd3: {  	_ =	swait.ge [sflag:s20], $0x1F40  }
0xd4: {  	[sflag:s20] =	ssyncset.done $0x0  }
0xd5: {  	s12 =	simm.s32 $0x4E80;
	[sflag:s20] =	ssyncadd.s32 $0xFFFFE0C0  }
0xd6: {  	[spmem:s2] =	stream.indirect.scatter.add.f32 [tilespmem:s28], [sflag:$0xE], $0x40, s12, s16, $0xb8;
	[tilespmem:$0x1E640] =	vst v63  }
0xd7: {  	_ =	swait.ge [sflag:s22], $0x1F40  }
0xd8: {  	[sflag:s22] =	ssyncset.done $0x0  }
0xd9: {  	s13 =	simm.s32 $0x4F00;
	[sflag:s22] =	ssyncadd.s32 $0xFFFFE0C0  }
0xda: {  	[spmem:s2] =	stream.indirect.scatter.add.f32 [tilespmem:s30], [sflag:$0xF], $0x40, s13, s16, $0xb8;
	[tilespmem:$0x1E640] =	vst v63  }
0xdb: {  	_ =	swait.ge [sflag:s24], $0x1F40  }
0xdc: {  	[sflag:s24] =	ssyncset.done $0x0  }
0xdd: {  	s8 =	simm.s32 $0x4F80;
	[sflag:s24] =	ssyncadd.s32 $0xFFFFE0C0  }
0xde: {  	[spmem:s2] =	stream.indirect.scatter.add.f32 [tilespmem:s1], [sflag:$0x10], $0x40, s8, s16, $0xb8;
	[tilespmem:$0x1E640] =	vst v63  }
0xdf: {  	_ =	swait.ge [sflag:s26], $0x1F40  }
0xe0: {  	[sflag:s26] =	ssyncset.done $0x0  }
0xe1: {  	[sflag:s26] =	ssyncadd.s32 $0xFFFFE0C0  }
0xe2: {  	_ =	swait.ge [sflag:s29], $0x1F40  }
0xe3: {  	[sflag:s29] =	ssyncset.done $0x0  }
0xe4: {  	[sflag:s29] =	ssyncadd.s32 $0xFFFFE0C0  }
0xe5: {  	_ =	swait.ge [sflag:s31], $0x1F40  }
0xe6: {  	[sflag:s31] =	ssyncset.done $0x0  }
0xe7: {  	[sflag:s31] =	ssyncadd.s32 $0xFFFFE0C0  }
0xe8: {  	_ =	swait.ge [sflag:s6], $0x1F40  }
0xe9: {  	[sflag:s6] =	ssyncset.done $0x0  }
0xea: {  	[sflag:s6] =	ssyncadd.s32 $0xFFFFE0C0  }
0xeb: {  	_ =	swait.ge [sflag:s7], $0x1F40  }
0xec: {  	[sflag:s7] =	ssyncset.done $0x0  }
0xed: {  	[sflag:s7] =	ssyncadd.s32 $0xFFFFE0C0  }
0xee: {  	_ =	swait.ge [sflag:s9], $0x1F40  }
0xef: {  	[sflag:s9] =	ssyncset.done $0x0  }
0xf0: {  	[sflag:s9] =	ssyncadd.s32 $0xFFFFE0C0  }
0xf1: {  	_ =	swait.ge [sflag:s3], $0x1F40  }
0xf2: {  	[sflag:s3] =	ssyncset.done $0x0  }
0xf3: {  	[sflag:s3] =	ssyncadd.s32 $0xFFFFE0C0  }
0xf4: {  	_ =	swait.ge [sflag:s5], $0x1F40  }
0xf5: {  	[sflag:s5] =	ssyncset.done $0x0  }
0xf6: {  	[sflag:s5] =	ssyncadd.s32 $0xFFFFE0C0  }
0xf7: {  	[bflag:$0x0] =	sbarrier.arrive $0xFFFF  }
0xf8: {  	s12 =	rddreg [dreg:$0x6]  }
0xf9: {  	s11 =	simm.s32 @p0 $0x1FD1;
	s13 =	rddreg [dreg:$0x8]  }
0xfa: {  	[hbm:s12], [sflag:s11] =	dma.local @p0 [spmem:s13], $0x1040  }
0xfb: {  	s11 =	simm.s32 @p0 $0x11  }
0xfc: {  	_ =	swait.ge @p0 [sflag:s11], $0x1040  }
0xfd: {  	[sflag:s11] =	ssyncset.done @p0 $0x0;
	s8 =	rddreg [dreg:$0xb]  }
0xfe: {  	[sflag:s11] =	ssyncadd.s32 @p0 $0xFFFFEFC0;
	s11 =	rddreg [dreg:$0x9]  }
0xff: {  	[hbm:s12], [sflag:s8] =	dma.local @!p0 [spmem:s11], $0x13C0  }
0x100: {  	s11 =	simm.s32 @!p0 $0x11  }
0x101: {  	_ =	swait.ge @!p0 [sflag:s11], $0x13C0  }
0x102: {  	s12 =	rddreg [dreg:$0xa]  }
0x103: {  	s8 =	sadd.s32 $0x1, s12;
	s12 =	rddreg [dreg:$0x7]  }
0x104: {  	p1 =	sne.s32 s8, s12  }
.Ltmp1:
0x105: {  	_ = 	snop;
	(pc) =	sbr.rel @p1 .LBB2_1-.Ltmp1, $3  }
0x106: {  	_ =	sdelay $0x1  }
0x107: {  	[sflag:s11] =	ssyncset.done @!p0 $0x0  }
0x108: {  	[sflag:s11] =	ssyncadd.s32 @!p0 $0xFFFFEC40;
	[dreg:$0xa] =	wrdreg s8;
	s8 =	smov.u32 s13  }
0x109: {  	_ =	sfence.sel $0x180000  }
0x10a: {  	[bflag:$0x0] =	sbarrier.arrive $0xFFFF  }
0x10b: {  	_ =	strace $0x9000004D  }
0x10c: {  	s0 =	stileid.u32;
	[bflag:$0x2] =	sbarrier.arrive $0xFFFF  }
0x10d: {  	p0 =	sne.s32 s0, $0x0;
	s0 =	rddreg [dreg:$0x2]  }
0x10e: {  	s0 =	sadd.s32 @!p0 $0x100000, s0  }
0x10f: {  	[sflag:s0] =	ssyncadd.tile.s32 @!p0 $0x1;
	_ =	shalt  }
.Lfunc_end2:
_tile_overlayer_lowered:
.L_overlay_start_2:
0x110: {  	(tag) =	ssettag $0x2  }
0x111: {  	s0 =	rddreg [dreg:$0x0];
	s2 =	stileid.u32  }
0x112: {  	s1 =	rddreg [dreg:$0x1];
	p0 =	sne.s32 s2, $0x0  }
0x113: {  	s3 =	rddreg [dreg:$0x2];
	[bflag:$0x3] =	sbarrier.arrive $0xFFFF;
	s2 =	simm.s32 @!p0 $0x1C11  }
0x114: {  	[timem:s3], [sflag:s2] =	dma.local @!p0 [hbm:s0], s1  }
0x115: {  	s0 =	simm.s32 @!p0 $0x11  }
0x116: {  	_ =	swait.ge @!p0 [sflag:s0], s1  }
0x117: {  	s1 =	ssub.s32 @!p0 $0x0, s1;
	[sflag:s0] =	ssyncset.done @!p0 $0x0  }
0x118: {  	[sflag:s0] =	ssyncadd.s32 @!p0 s1  }
0x119: {  	[bflag:$0x3] =	sbarrier.arrive $0xFFFF  }
0x11a: {  	_ =	shalt  }

// kernel: kernel.8.cloned.1.call-start
scs
__scs_entry_jumppad:
0x0: {  	(pc) =	sbr.rel $0x88, $3  }
0x1: {  	(tag) =	ssettag $0x0;
	lr =	simm.s32 $0x1  }
0x2: {  	[smem:$0x3F9A] =	sst lr;
	_ =	strace $0xD0000000  }
0x3: {  	_ = 	snop  }
0x4: {  	_ = 	snop  }
0x5: {  	_ = 	snop  }
0x6: {  	_ = 	snop  }
0x7: {  	_ = 	snop  }
__scs_overlays_trampoline_lowered:
0x8: {  	[smem:$0x3FA9] =	sst s0  }
0x9: {  	[smem:$0x3FAA] =	sst s1  }
0xa: {  	[smem:$0x3FAB] =	sst s2  }
0xb: {  	[smem:$0x3FAC] =	sst s3  }
0xc: {  	[smem:$0x3FAD] =	sst s4  }
0xd: {  	[smem:$0x3FAE] =	sst s5  }
0xe: {  	[smem:$0x3FAF] =	sst s6  }
0xf: {  	[smem:$0x3FB0] =	sst s7  }
0x10: {  	[smem:$0x3FB1] =	sst s8  }
0x11: {  	[smem:$0x3FB2] =	sst s9;
	s0 =	simm.s32 @!p0 $0x0  }
0x12: {  	s1 =	sld [smem:$0x3F98];
	s0 =	simm.s32 @p0 $0x1  }
0x13: {  	[smem:$0x3FB3] =	sst s0;
	s0 =	simm.s32 @!p1 $0x0  }
0x14: {  	s2 =	sld [smem:$0x3F97];
	s0 =	simm.s32 @p1 $0x1  }
0x15: {  	[smem:$0x3FB4] =	sst s0;
	s0 =	simm.s32 @!p2 $0x0  }
0x16: {  	s3 =	sld [smem:$0x3FDB];
	s0 =	simm.s32 @p2 $0x1  }
0x17: {  	s4 =	simm.s32 $0x1BF5;
	[smem:$0x3FB6] =	sst s0  }
0x18: {  	s0 =	sld [smem:$0x3F99];
	_ =	swait.ge [sflag:s4], $0x0  }
0x19: {  	s7 =	sld [smem:$0x3F9A]  }
0x1a: {  	s8 =	sadd.s32 $0xFFFFE003, lr  }
0x1b: {  	s9 =	sadd.s32 $0xFFFFFEF7, lr;
	s5 =	simm.s32 $0xFFFFFFFF;
	p2 =	slt.u32 s8, $0xFFFFF086  }
0x1c: {  	p1 =	slt.u32 s9, $0xF7A;
	s5 =	simm.s32 @!p2 $0x0  }
0x1d: {  	s5 =	simm.s32 @p1 $0x1;
	p0 =	seq.s32 s7, s2  }
0x1e: {  	s7 =	smul.u32 @!p0 $0xF7A, s2;
	p2 =	seq.s32 @!p0 s5, $0x0  }
0x1f: {  	s9 =	smul.u32 $0xF7A, s1;
	s8 =	simm.s32 @!p0 $0x1BF5;
	p2 =	por !p2, p0  }
0x20: {  	[sflag:s8] =	ssyncset.s32 @!p0 $0xFFFFF086;
	s6 =	sadd.s32 @!p0 s3, s7;
	s7 =	simm.s32 @!p0 $0x108  }
0x21: {  	s3 =	sadd.s32 s3, s9;
	s6 =	sadd.s32 @!p0 $0x88, s6;
	s7 =	simm.s32 @p2 $0x1082  }
0x22: {  	[simem:s7], [sflag:s8] =	dma.local @!p0 [hbm:s6], $0xF7A  }
0x23: {  	s9 =	sor.u32 $0xD0000000, s2;
	s6 =	simm.s32 $0x108;
	_ =	swait.ge @!p0 [sflag:s8], $0x0  }
0x24: {  	s3 =	sadd.s32 $0x88, s3;
	s6 =	simm.s32 @!p1 $0x1082;
	[sflag:s4] =	ssyncset.s32 $0xFFFFF086  }
0x25: {  	[simem:s6], [sflag:s4] =	dma.local [hbm:s3], $0xF7A  }
0x26: {  	[smem:$0x3F9A] =	sst s1;
	(tag) =	ssettag s2;
	_ =	strace s9  }
0x27: {  	s1 =	sld [smem:$0x3FAA]  }
0x28: {  	s2 =	sld [smem:$0x3FAB]  }
0x29: {  	s4 =	sld [smem:$0x3FAD]  }
0x2a: {  	p0 =	seq.s32 s5, $0x0;
	s5 =	sld [smem:$0x3FAE]  }
0x2b: {  	s6 =	sld [smem:$0x3FAF]  }
0x2c: {  	s7 =	sld [smem:$0x3FB0]  }
0x2d: {  	s3 =	simm.s32 $0x108;
	s8 =	sld [smem:$0x3FB1]  }
0x2e: {  	s3 =	simm.s32 @!p0 $0x1082;
	s9 =	sld [smem:$0x3FB2]  }
0x2f: {  	lr =	sadd.s32 s0, s3;
	s0 =	sld [smem:$0x3FA9]  }
0x30: {  	s3 =	sld [smem:$0x3FAC]  }
0x31: {  	[smem:$0x3FB5] =	sst s10  }
0x32: {  	s10 =	sld [smem:$0x3FB3];
	_ =	sdelay $0x3  }
0x33: {  	p0 =	seq.s32 s10, $0x1;
	s10 =	sld [smem:$0x3FB5];
	_ =	sdelay $0x3  }
0x34: {  	[smem:$0x3FB5] =	sst s10  }
0x35: {  	s10 =	sld [smem:$0x3FB4];
	_ =	sdelay $0x3  }
0x36: {  	p1 =	seq.s32 s10, $0x1;
	s10 =	sld [smem:$0x3FB5];
	_ =	sdelay $0x3  }
0x37: {  	[smem:$0x3FB5] =	sst s10  }
0x38: {  	s10 =	sld [smem:$0x3FB6]  }
0x39: {  	_ = 	snop;
	(pc) =	sbr.ind lr, $3  }
0x3a: {  	_ = 	snop  }
0x3b: {  	_ = 	snop  }
0x3c: {  	p2 =	seq.s32 s10, $0x1;
	s10 =	sld [smem:$0x3FB5]  }
0x3d: {  	_ =	shalt  }
0x3e: {  	_ =	shalt  }
0x3f: {  	_ =	shalt  }
0x40: {  	_ =	shalt  }
0x41: {  	_ =	shalt  }
0x42: {  	_ =	shalt  }
0x43: {  	_ =	shalt  }
0x44: {  	_ =	shalt  }
0x45: {  	_ =	shalt  }
0x46: {  	_ =	shalt  }
0x47: {  	_ =	shalt  }
0x48: {  	_ =	shalt  }
0x49: {  	_ =	shalt  }
0x4a: {  	_ =	shalt  }
0x4b: {  	_ =	shalt  }
0x4c: {  	_ =	shalt  }
0x4d: {  	_ =	shalt  }
0x4e: {  	_ =	shalt  }
0x4f: {  	_ =	shalt  }
0x50: {  	_ =	shalt  }
0x51: {  	_ =	shalt  }
0x52: {  	_ =	shalt  }
0x53: {  	_ =	shalt  }
0x54: {  	_ =	shalt  }
0x55: {  	_ =	shalt  }
0x56: {  	_ =	shalt  }
0x57: {  	_ =	shalt  }
0x58: {  	_ =	shalt  }
0x59: {  	_ =	shalt  }
0x5a: {  	_ =	shalt  }
0x5b: {  	_ =	shalt  }
0x5c: {  	_ =	shalt  }
0x5d: {  	_ =	shalt  }
0x5e: {  	_ =	shalt  }
0x5f: {  	_ =	shalt  }
0x60: {  	_ =	shalt  }
0x61: {  	_ =	shalt  }
0x62: {  	_ =	shalt  }
0x63: {  	_ =	shalt  }
0x64: {  	_ =	shalt  }
0x65: {  	_ =	shalt  }
0x66: {  	_ =	shalt  }
0x67: {  	_ =	shalt  }
0x68: {  	_ =	shalt  }
0x69: {  	_ =	shalt  }
0x6a: {  	_ =	shalt  }
0x6b: {  	_ =	shalt  }
0x6c: {  	_ =	shalt  }
0x6d: {  	_ =	shalt  }
0x6e: {  	_ =	shalt  }
0x6f: {  	_ =	shalt  }
0x70: {  	_ =	shalt  }
0x71: {  	_ =	shalt  }
0x72: {  	_ =	shalt  }
0x73: {  	_ =	shalt  }
0x74: {  	_ =	shalt  }
0x75: {  	_ =	shalt  }
0x76: {  	_ =	shalt  }
0x77: {  	_ =	shalt  }
0x78: {  	_ =	shalt  }
0x79: {  	_ =	shalt  }
0x7a: {  	_ =	shalt  }
0x7b: {  	_ =	shalt  }
0x7c: {  	_ =	shalt  }
0x7d: {  	_ =	shalt  }
0x7e: {  	_ =	shalt  }
0x7f: {  	_ =	shalt  }
0x80: {  	_ =	shalt  }
0x81: {  	_ =	shalt  }
0x82: {  	_ =	shalt  }
0x83: {  	_ =	shalt  }
0x84: {  	_ =	shalt  }
0x85: {  	_ =	shalt  }
0x86: {  	_ =	shalt  }
0x87: {  	_ =	shalt  }
.Lfunc_end0:
.L_simem_size_0:
called_computation_lowered:
.L_overlay_start_0:
0x88: {  	s2 =	sld [smem:$0x3FD9]  }
0x89: {  	s3 =	sld [smem:$0x3FFE];
	_ =	sdelay $0x1  }
0x8a: {  	s1 =	srdreg.scid  }
0x8b: {  	s0 =	sand.u32 $0x1, s1  }
0x8c: {  	s17 =	sshll.u32 s0, $0xA;
	s2 =	sadd.s32 s3, s2  }
0x8d: {  	s2 =	sadd.s32 s2, s17  }
0x8e: {  	[smem:$0x3FC1] =	sst s2  }
0x8f: {  	_ = 	snop  }
0x90: {  	s2 =	sld [smem:$0x3FD0];
	(tm) =	ssettm $0x1  }
0x91: {  	s18 =	sld [smem:$0x3FFB];
	_ =	sdelay $0x3  }
0x92: {  	_ =	strace s18  }
0x93: {  	s3 =	sld [smem:$0x3FFC];
	_ =	sdelay $0x3  }
0x94: {  	_ =	strace s3  }
0x95: {  	s3 =	sld [smem:$0x3FFD];
	_ =	sdelay $0x3  }
0x96: {  	_ =	strace s3  }
0x97: {  	_ =	strace $0x8FFFFFFF  }
0x98: {  	s19 =	sld [smem:$0x3FDB];
	_ =	sdelay $0x1  }
0x99: {  	s4 =	simm.s32 $_scs_section_size  }
0x9a: {  	s5 =	simm.s32 $_size__tile_overlayer_lowered;
	s6 =	simm.s32 $_tile_overlayer_lowered  }
0x9b: {  	s22 =	simm.s32 $0x1BFF;
	s21 =	sshll.u32 s6, $0x1;
	s3 =	sadd.s32 s4, s19  }
0x9c: {  	s7 =	simm.s32 $0x0;
	s20 =	sshll.u32 s5, $0x1;
	s5 =	sadd.s32 s21, s3  }
0x9d: {  	[timem:s7], [sflag:s22] =	dma.local [hbm:s5], s20  }
0x9e: {  	_ =	swait.ge [sflag:s22], s20  }
0x9f: {  	s4 =	ssub.s32 $0x0, s20;
	[sflag:s22] =	ssyncset.done $0x0  }
0xa0: {  	[sflag:s22] =	ssyncadd.s32 s4;
	_ =	sdelay $0x1  }
0xa1: {  	s23 =	simm.s32 $0x1B8B  }
0xa2: {  	_ =	swait.ge [sflag:s23], $0x1  }
0xa3: {  	[sflag:s23] =	ssyncset.done $0x0  }
0xa4: {  	s25 =	simm.s32 $0x1B8E;
	s24 =	sld [smem:$0x3FFE];
	[sflag:s23] =	ssyncadd.s32 $0xFFFFFFFF  }
0xa5: {  	s26 =	simm.s32 $execute0_lowered;
	[smem:$0x3FD2] =	sst s25  }
0xa6: {  	s5 =	sshll.u32 s26, $0x1;
	_ =	strace $0x80000046;
	[dreg:$0x1] =	wrdreg $0xFFFFFFFF  }
0xa7: {  	s28 =	simm.s32 $_size_execute0_lowered;
	s3 =	sadd.s32 s3, s5;
	[dreg:$0x0] =	wrdreg $0x0  }
0xa8: {  	s5 =	sshll.u32 s28, $0x1;
	[dreg:$0x2] =	wrdreg s3  }
0xa9: {  	[dreg:$0x3] =	wrdreg s5  }
0xaa: {  	[dreg:$0x4] =	wrdreg $0xC0  }
0xab: {  	_ =	task [dreg:s7], $0x5FFFF  }
0xac: {  	[dreg:$0x1] =	wrdreg $0xFFFFFFFF  }
0xad: {  	[dreg:$0x0] =	wrdreg $0x60  }
0xae: {  	[dreg:$0x2] =	wrdreg s24  }
0xaf: {  	[dreg:$0x3] =	wrdreg s2  }
0xb0: {  	[dreg:$0x4] =	wrdreg $0x2FD00  }
0xb1: {  	[dreg:$0x5] =	wrdreg $0x9  }
0xb2: {  	_ =	task.clear_ibuf [dreg:s7], $0x6FFFF;
	_ =	strace $0x90000046  }
0xb3: {  	s29 =	simm.s32 $0x9;
	_ =	strace $0x80000048  }
0xb4: {  	_ =	swait.ge [sflag:s29], $0x1  }
0xb5: {  	[sflag:s29] =	ssyncadd.s32 $0xFFFFFFFF  }
0xb6: {  	_ =	strace $0x90000048  }
0xb7: {  	_ =	sfence  }
0xb8: {  	s30 =	sld [smem:$0x0];
	_ =	sdelay $0x2  }
0xb9: {  	s31 =	sshll.u32 s1, $0xD;
	s1 =	sshrl.u32 s1, $0x2  }
0xba: {  	s3 =	sand.u32 $0x4000, s31;
	s1 =	sadd.s32 s1, s30  }
0xbb: {  	s0 =	sor.u32 s3, s0;
	s1 =	sshll.u32 s1, $0x11  }
0xbc: {  	s0 =	sor.u32 s1, s0  }
0xbd: {  	s0 =	sadd.s32 $0x8F2B, s0  }
0xbe: {  	[sflag:s0] =	ssyncadd.remote.s32 $0x1  }
0xbf: {  	_ =	sfence.sel $0xFFFF  }
0xc0: {  	[dreg:$0x0] =	wrdreg $0xFFFFFFFF;
	(pc) =	sbr.abs _section_cstart, $3  }
0xc1: {  	[dreg:$0x1] =	wrdreg $0xFFFFFFFF  }
0xc2: {  	_ =	task.clear_ibuf [dreg:s7], $0x2FFFF;
	_ =	strace $0x9FFFFFFF  }
0xc3: {  	(tm) =	ssettm $0x7FFFFFFF  }
tec
execute0_lowered:
.L_overlay_start_1:
0x0: {  	(tag) =	ssettag $0x1  }
0x1: {  	s1 =	srdreg.scid;
	s6 =	rddreg [dreg:$0x0]  }
0x2: {  	s0 =	stileid.u32;
	s2 =	rddreg [dreg:$0x1]  }
0x3: {  	s3 =	rddreg [dreg:$0x2];
	s4 =	simm.s32 $0x0;
	s13 =	simm.s32 $0x2  }
0x4: {  	s14 =	simm.s32 $0x1;
	s15 =	simm.s32 $0x7D;
	s16 =	simm.s32 $0x0  }
0x5: {  	s5 =	sand.u32 $0x1, s1;
	s30 =	sshll.u32 s0, $0x1;
	s8 =	smul.u32 $0x278, s0  }
0x6: {  	[smem:$0x7FF] =	sst s4;
	s10 =	smul.u32 $0x9E00, s0;
	p0 =	seq.s32 s0, $0xF  }
0x7: {  	s1 =	sor.u32 s5, s30;
	s9 =	smul.u32 $0x2710, s5;
	s31 =	ssub.s32 $0x2, s5  }
0x8: {  	s5 =	sadd.s32 $0xCE00, s6;
	s12 =	sshll.u32 @!p0 s0, $0x6;
	s7 =	smul.u32 $0x500, s1  }
0x9: {  	s1 =	rddreg [dreg:$0x3];
	_ =	strace $0x80000047;
	s11 =	sshrl.u32 s31, $0x1  }
0xa: {  	s10 =	sshrl.u32 s10, $0x2;
	s8 =	sadd.s32 s8, s9;
	s9 =	ssub.s32 s31, s11  }
0xb: {  	s11 =	sadd.s32 s10, s3;
	s10 =	sadd.s32 $0x25080, s3;
	s8 =	sshll.u32 s8, $0x1  }
0xc: {  	s7 =	sadd.s32 s7, s6;
	s11 =	sshrl.u32 @!p0 s11, $0x3;
	s8 =	sadd.s32 s8, s6  }
0xd: {  	s6 =	sadd.s32 $0x2E00, s7;
	s7 =	sadd.s32 $0xD400, s8;
	s8 =	smax.u32 s9, $0x1  }
0xe: {  	s9 =	sshrl.u32 @p0 s10, $0x3;
	s10 =	sor.u32 @!p0 $0x1C02, s12;
	s12 =	simm.s32 $0x2800  }
.LBB2_1:
0xf: {  	[tilespmem:s4], [sflag:$0x1] =	stream.linear.gather [hbm4b:s6+s4], $0x2800, $0x38;
	[tilespmem:$0x56E0] =	vst v63  }
0x10: {  	s17 =	simm.s32 @p0 $0x1FC2  }
0x11: {  	[spmem:s9], [sflag:s17] =	dma.local @p0 [hbm:s5], $0x410  }
0x12: {  	s17 =	simm.s32 @p0 $0x2  }
0x13: {  	_ =	swait.ge @p0 [sflag:s17], $0x410  }
0x14: {  	[sflag:s17] =	ssyncset.done @p0 $0x0  }
0x15: {  	[sflag:s17] =	ssyncadd.s32 @p0 $0xFFFFFBF0;
	s17 =	simm.s32 @!p0 $0x2  }
0x16: {  	[spmem:s11], [sflag:s10] =	dma.local @!p0 [hbm:s5], $0x4F0  }
0x17: {  	_ =	swait.ge @!p0 [sflag:s17], $0x4F0  }
0x18: {  	[sflag:s17] =	ssyncset.done @!p0 $0x0  }
0x19: {  	[sflag:s17] =	ssyncadd.s32 @!p0 $0xFFFFFB10  }
0x1a: {  	[tilespmem:s12], [sflag:$0x2] =	stream.linear.gather [hbm4b:s2+s4], $0x7D0, $0x38;
	[tilespmem:$0x56E0] =	vst v63  }
0x1b: {  	_ =	swait.ge [sflag:s13], $0x7D0  }
0x1c: {  	[sflag:s13] =	ssyncset.done $0x0  }
0x1d: {  	[sflag:s13] =	ssyncadd.s32 $0xFFFFF830  }
0x1e: {  	_ =	swait.ge [sflag:s14], $0x2800  }
0x1f: {  	[sflag:s14] =	ssyncset.done $0x0  }
0x20: {  	[sflag:s14] =	ssyncadd.s32 $0xFFFFD800  }
0x21: {  	s17 =	simm.s32 $0x0;
	[bflag:$0x0] =	sbarrier.arrive $0xFFFF  }
.LBB2_2:
0x22: {  	p1 =	sne.s32 s17, $0x9E00  }
.Ltmp0:
0x23: {  	_ = 	snop;
	(pc) =	sbr.rel @p1 .LBB2_2-.Ltmp0, $3  }
0x24: {  	_ =	sdelay $0x1  }
0x25: {  	s18 =	sshra.s32 s17, $0x2;
	s17 =	sadd.s32 $0x200, s17  }
0x26: {  	[spmem:s3] =	stream.indirect.scatter.add.f32 [tilespmem:s12], [sflag:$0x1], $0x10, s18, s15, $0xb8;
	[tilespmem:$0x56E0] =	vst v63  }
0x27: {  	_ =	swait.ge [sflag:s14], $0x7D0  }
0x28: {  	s17 =	simm.s32 $0x4F;
	[sflag:s14] =	ssyncset.done $0x0  }
.LBB2_4:
0x29: {  	p1 =	sne.s32 s17, $0x1;
	s17 =	sadd.s32 $0xFFFFFFFF, s17;
	[sflag:s14] =	ssyncadd.s32 $0xFFFFF830  }
.Ltmp1:
0x2a: {  	(pc) =	sbr.rel @p1 .LBB2_4-.Ltmp1, $3  }
0x2b: {  	_ =	sdelay $0x1  }
0x2c: {  	_ =	swait.ge [sflag:s14], $0x7D0  }
0x2d: {  	[sflag:s14] =	ssyncset.done $0x0  }
0x2e: {  	[sflag:s14] =	ssyncadd.s32 $0xFFFFF830  }
0x2f: {  	s17 =	simm.s32 @p0 $0x1FC2;
	[bflag:$0x0] =	sbarrier.arrive $0xFFFF  }
0x30: {  	[hbm:s7], [sflag:s17] =	dma.local @p0 [spmem:s9], $0x410  }
0x31: {  	s17 =	simm.s32 @p0 $0x2  }
0x32: {  	s16 =	sadd.s32 $0x1, s16;
	_ =	swait.ge @p0 [sflag:s17], $0x410  }
0x33: {  	p1 =	sne.s32 s16, s8;
	[sflag:s17] =	ssyncset.done @p0 $0x0  }
.Ltmp2:
0x34: {  	[sflag:s17] =	ssyncadd.s32 @p0 $0xFFFFFBF0;
	s17 =	simm.s32 @!p0 $0x2;
	(pc) =	sbr.rel @p1 .LBB2_1-.Ltmp2, $4  }
0x35: {  	[hbm:s7], [sflag:s10] =	dma.local @!p0 [spmem:s11], $0x4F0  }
0x36: {  	_ =	swait.ge @!p0 [sflag:s17], $0x4F0  }
0x37: {  	[sflag:s17] =	ssyncset.done @!p0 $0x0  }
0x38: {  	[sflag:s17] =	ssyncadd.s32 @!p0 $0xFFFFFB10  }
0x39: {  	_ =	sfence.sel $0x180000  }
0x3a: {  	[bflag:$0x0] =	sbarrier.arrive $0xFFFF  }
0x3b: {  	p0 =	sne.s32 s0, $0x0;
	_ =	strace $0x90000047  }
0x3c: {  	s0 =	sadd.s32 @!p0 $0x100000, s1;
	[bflag:$0x2] =	sbarrier.arrive $0xFFFF  }
0x3d: {  	[sflag:s0] =	ssyncadd.tile.s32 @!p0 $0x1;
	_ =	shalt  }
.Lfunc_end2:
_tile_overlayer_lowered:
.L_overlay_start_2:
0x3e: {  	(tag) =	ssettag $0x2  }
0x3f: {  	s0 =	rddreg [dreg:$0x0];
	s2 =	stileid.u32  }
0x40: {  	s1 =	rddreg [dreg:$0x1];
	p0 =	sne.s32 s2, $0x0  }
0x41: {  	s3 =	rddreg [dreg:$0x2];
	[bflag:$0x3] =	sbarrier.arrive $0xFFFF;
	s2 =	simm.s32 @!p0 $0x1C02  }
0x42: {  	[timem:s3], [sflag:s2] =	dma.local @!p0 [hbm:s0], s1  }
0x43: {  	s0 =	simm.s32 @!p0 $0x2  }
0x44: {  	_ =	swait.ge @!p0 [sflag:s0], s1  }
0x45: {  	s1 =	ssub.s32 @!p0 $0x0, s1;
	[sflag:s0] =	ssyncset.done @!p0 $0x0  }
0x46: {  	[sflag:s0] =	ssyncadd.s32 @!p0 s1  }
0x47: {  	[bflag:$0x3] =	sbarrier.arrive $0xFFFF  }
0x48: {  	_ =	shalt  }

</sc_bundles>
